<compile_context>
chip_gen: v7x
topology: tpu7x:2x2x1
jax: 0.10.2.dev20260603
libtpu: 0.0.44.dev20260713+nightly
codegen_flags: <defaults>
</compile_context>

<pallas_src>
import functools

import jax
import jax.numpy as jnp
from jax import lax
from jax.experimental import pallas as pl
from jax.experimental.pallas import tpu as pltpu
from jax.experimental.pallas import tpu_sc as plsc

VOCAB = 100000
DIM = 64
B = 1024
SENT_COUNT = 10
SENT_LENGTH = 20

N_UR = B * SENT_COUNT * SENT_LENGTH
N_UI = B * SENT_LENGTH

NC = 2
NS = 16
NW = NC * NS

CHUNK = 128
K = 5
GROUP = K * CHUNK

CH_UR = N_UR // NW // CHUNK
CH_UI = N_UI // NW // CHUNK
NG_UR = CH_UR // K

PW_UR = N_UR // NW
PW_UI = N_UI // NW


def _pipeline(table, idx_v, rows_v, gsems, ssems, wid, stores, ng):

    def fire_group(g, p):
        for b in range(K):
            pltpu.async_copy(
                table.at[idx_v.at[g * K + b]],
                rows_v.at[p, pl.ds(b * CHUNK, CHUNK)],
                gsems[p])

    def drain_gathers(p):
        pltpu.make_async_copy(table.at[pl.ds(0, GROUP)],
                              rows_v.at[p], gsems[p]).wait()

    fire_group(0, 0)
    if ng > 1:
        fire_group(1, 1)

    def body(i, carry):
        for p in (0, 1):
            g = 2 * i + p
            drain_gathers(p)
            stores(g, p)
            fire_group(g + 2, p)
        return carry

    lax.fori_loop(0, (ng - 2) // 2, body, 0)
    for p in (0, 1):
        g = ng - 2 + p
        drain_gathers(p)
        stores(g, p)
    return drain_gathers


def _emb_ur(idx_hbm, table, out_ur,
            idx_v, rows_v, gsem0, gsem1, ssem0, ssem1):
    wid = lax.axis_index("s") * NC + lax.axis_index("c")
    pltpu.sync_copy(idx_hbm.at[pl.ds(wid * CH_UR, CH_UR)], idx_v)

    def stores(g, p):
        pltpu.async_copy(
            rows_v.at[p],
            out_ur.at[pl.ds(wid * PW_UR + g * GROUP, GROUP)],
            (ssem0, ssem1)[p]).wait()

    _pipeline(table, idx_v, rows_v, (gsem0, gsem1), (ssem0, ssem1),
              wid, stores, NG_UR)


def _emb_ui(idx_hbm, table, out_ui,
            idx_v, rows_v, gsem0, gsem1, ssem0, ssem1):
    wid = lax.axis_index("s") * NC + lax.axis_index("c")
    pltpu.sync_copy(idx_hbm.at[pl.ds(wid * CH_UI, CH_UI)], idx_v)
    for b in range(K):
        pltpu.async_copy(
            table.at[idx_v.at[b]],
            rows_v.at[0, pl.ds(b * CHUNK, CHUNK)],
            gsem0)
    pltpu.make_async_copy(table.at[pl.ds(0, GROUP)],
                          rows_v.at[0], gsem0).wait()
    pltpu.sync_copy(rows_v.at[0], out_ui.at[pl.ds(wid * PW_UI, PW_UI)])


@jax.jit
def _run(idx_ur, idx_ir, idx_ui, word_emb):
    mesh = plsc.VectorSubcoreMesh(core_axis_name="c", subcore_axis_name="s")
    common = dict(
        mesh=mesh,
        compiler_params=pltpu.CompilerParams(use_tc_tiling_on_sc=False),
    )
    big_scratch = [
        pltpu.VMEM((CH_UR, CHUNK), jnp.int32),
        pltpu.VMEM((2, GROUP, DIM), jnp.float32),
        pltpu.SemaphoreType.DMA,
        pltpu.SemaphoreType.DMA,
        pltpu.SemaphoreType.DMA,
        pltpu.SemaphoreType.DMA,
    ]
    out_ur = pl.kernel(
        _emb_ur,
        out_type=jax.ShapeDtypeStruct((N_UR, DIM), jnp.float32),
        scratch_types=big_scratch,
        **common,
    )(idx_ur, word_emb)
    out_ir = pl.kernel(
        _emb_ur,
        out_type=jax.ShapeDtypeStruct((N_UR, DIM), jnp.float32),
        scratch_types=big_scratch,
        **common,
    )(idx_ir, word_emb)
    out_ui = pl.kernel(
        _emb_ui,
        out_type=jax.ShapeDtypeStruct((N_UI, DIM), jnp.float32),
        scratch_types=[
            pltpu.VMEM((CH_UI, CHUNK), jnp.int32),
            pltpu.VMEM((2, GROUP, DIM), jnp.float32),
            pltpu.SemaphoreType.DMA,
            pltpu.SemaphoreType.DMA,
            pltpu.SemaphoreType.DMA,
            pltpu.SemaphoreType.DMA,
        ],
        **common,
    )(idx_ui, word_emb)
    return out_ur, out_ir, out_ui


def kernel(user_reviews, item_reviews, ui_review, word_emb):
    idx_ur = user_reviews.reshape(-1, CHUNK)
    idx_ir = item_reviews.reshape(-1, CHUNK)
    idx_ui = ui_review.reshape(-1, CHUNK)
    out_ur, out_ir, out_ui = _run(idx_ur, idx_ir, idx_ui, word_emb)
    return (
        out_ur.reshape(B, SENT_COUNT * SENT_LENGTH, DIM),
        out_ir.reshape(B, SENT_COUNT * SENT_LENGTH, DIM),
        out_ui.reshape(B, SENT_LENGTH, DIM),
    )

# --- scband reference (transcript-rebuilt; emitter-appended) ---
"""Pipeline reference for scband-control-net-55216099557617 (READ-ONLY COPY).

The authoritative reference and input builder live on the scoring server;
editing this copy changes nothing except your own understanding.
"""

import jax, jax.numpy as jnp
import numpy as np

VOCAB = 100000
DIM = 64
B = 1024
SENT_COUNT = 10
SENT_LENGTH = 20


def setup_inputs(seed: int = 0) -> dict:
    key = jax.random.key(seed)
    k1, k2, k3, k4 = jax.random.split(key, 4)
    word_emb = jax.random.normal(k1, (VOCAB, DIM), dtype=jnp.float32)
    user_reviews = jax.random.randint(k2, (B, SENT_COUNT, SENT_LENGTH), 0, VOCAB, dtype=jnp.int32)
    item_reviews = jax.random.randint(k3, (B, SENT_COUNT, SENT_LENGTH), 0, VOCAB, dtype=jnp.int32)
    ui_review = jax.random.randint(k4, (B, SENT_LENGTH), 0, VOCAB, dtype=jnp.int32)
    return {
        "user_reviews": user_reviews,
        "item_reviews": item_reviews,
        "ui_review": ui_review,
        "word_emb": word_emb,
    }


def reference(user_reviews, item_reviews, ui_review, word_emb):
    # Faithful translation of ControlNet.forward
    ur = user_reviews.reshape(-1, SENT_COUNT * SENT_LENGTH)
    ir = item_reviews.reshape(-1, SENT_COUNT * SENT_LENGTH)
    user_emb = jnp.take(word_emb, ur, axis=0)
    item_emb = jnp.take(word_emb, ir, axis=0)
    ui_emb = jnp.take(word_emb, ui_review, axis=0)
    return (user_emb, item_emb, ui_emb)

if __name__ == "__main__":
    import jax
    _d = setup_inputs()
    print(jax.jit(kernel)(*tuple(_d.values())))

</pallas_src>

<mosaic_0001>
#map = affine_map<(d0, d1) -> (0, 0)>
module attributes {stable_mosaic.version = 14 : i64} {
  func.func @_emb_ur(%arg0: i32, %arg1: i32, %arg2: memref<1600x128xi32, #tpu.memory_space<hbm>>, %arg3: memref<100000x64xf32, #tpu.memory_space<hbm>>, %arg4: memref<204800x64xf32, #tpu.memory_space<hbm>>, %arg5: memref<50x128xi32, #tpu.memory_space<vmem>>, %arg6: memref<2x640x64xf32, #tpu.memory_space<vmem>>, %arg7: memref<!tpu.dma_semaphore, #tpu.memory_space<semaphore_mem>>, %arg8: memref<!tpu.dma_semaphore, #tpu.memory_space<semaphore_mem>>, %arg9: memref<!tpu.dma_semaphore, #tpu.memory_space<semaphore_mem>>, %arg10: memref<!tpu.dma_semaphore, #tpu.memory_space<semaphore_mem>>) attributes {dimension_semantics = [#tpu.dimension_semantics<core_parallel>, #tpu.dimension_semantics<subcore_parallel>], iteration_bounds = array<i64: 2, 16>, scalar_prefetch = 0 : i64, scratch_operands = 6 : i64, tpu.core_type = #tpu.core_type<sc_vector_subcore>, window_params = [{transform_indices = #map}, {transform_indices = #map}, {transform_indices = #map}]} {
    %mul3A = arith.constant 2 : i32
    %mul3A_0 = arith.muli %arg1, %mul3A : i32
    %add3A = arith.addi %mul3A_0, %arg0 : i32
    %mul3A_1 = arith.constant 50 : i32
    %mul3A_2 = arith.muli %add3A, %mul3A_1 : i32
    "tpu.region"() ({
      %run_scoped3A = tpu.sem_alloc : memref<!tpu.dma_semaphore, #tpu.memory_space<semaphore_mem>>
      %dma_start3A_216 = arith.constant 0 : i32
      %dma_start3A_217 = tpu.memref_slice %arg2[%mul3A_2, %dma_start3A_216] : memref<1600x128xi32, #tpu.memory_space<hbm>> -> memref<50x128xi32, #tpu.memory_space<hbm>>
      %dma_start3A_218 = arith.constant 0 : i32
      %dma_start3A_219 = tpu.memref_slice %arg2[%mul3A_2, %dma_start3A_218] : memref<1600x128xi32, #tpu.memory_space<hbm>> -> memref<50x128xi32, #tpu.memory_space<hbm>>
      tpu.enqueue_dma source(%dma_start3A_219 : memref<50x128xi32, #tpu.memory_space<hbm>>) target(%arg5 : memref<50x128xi32, #tpu.memory_space<vmem>>) target_semaphore(%run_scoped3A : memref<!tpu.dma_semaphore, #tpu.memory_space<semaphore_mem>>)
      %dma_wait3A_220 = arith.constant 0 : i32
      %dma_wait3A_221 = tpu.memref_slice %arg2[%mul3A_2, %dma_wait3A_220] : memref<1600x128xi32, #tpu.memory_space<hbm>> -> memref<50x128xi32, #tpu.memory_space<hbm>>
      %dma_wait3A_222 = arith.constant 0 : i32
      %dma_wait3A_223 = tpu.memref_slice %arg2[%mul3A_2, %dma_wait3A_222] : memref<1600x128xi32, #tpu.memory_space<hbm>> -> memref<50x128xi32, #tpu.memory_space<hbm>>
      tpu.wait_dma2 semaphore(%run_scoped3A : memref<!tpu.dma_semaphore, #tpu.memory_space<semaphore_mem>>) src(%dma_wait3A_223 : memref<50x128xi32, #tpu.memory_space<hbm>>) dst(%arg5 : memref<50x128xi32, #tpu.memory_space<vmem>>)
      tpu.yield
    }) : () -> ()
    %dma_start3A = arith.constant 0 : i32
    %dma_start3A_3 = arith.constant 0 : i32
    %dma_start3A_4 = arith.constant 0 : i32
    %dma_start3A_5 = arith.constant 0 : i32
    %dma_start3A_6 = tpu.memref_slice %arg6[%dma_start3A_3, %dma_start3A_4, %dma_start3A_5] : memref<2x640x64xf32, #tpu.memory_space<vmem>> -> memref<1x128x64xf32, #tpu.memory_space<vmem>>
    %dma_start3A_7 = tpu.memref_squeeze %dma_start3A_6 : memref<1x128x64xf32, #tpu.memory_space<vmem>> -> memref<128x64xf32, #tpu.memory_space<vmem>>
    %dma_start3A_8 = arith.constant 0 : i32
    %dma_start3A_9 = tpu.memref_slice %arg5[%dma_start3A, %dma_start3A_8] : memref<50x128xi32, #tpu.memory_space<vmem>> -> memref<1x128xi32, #tpu.memory_space<vmem>>
    %dma_start3A_10 = tpu.memref_squeeze %dma_start3A_9 : memref<1x128xi32, #tpu.memory_space<vmem>> -> memref<128xi32, #tpu.memory_space<vmem>>
    %dma_start3A_11 = arith.constant 0 : i32
    %dma_start3A_12 = arith.constant 0 : i32
    %dma_start3A_13 = tpu.memref_slice %arg3[%dma_start3A_11, %dma_start3A_12] : memref<100000x64xf32, #tpu.memory_space<hbm>> -> memref<100000x64xf32, #tpu.memory_space<hbm>>
    tpu.enqueue_indirect_dma source(%dma_start3A_13 : memref<100000x64xf32, #tpu.memory_space<hbm>>) target(%dma_start3A_7 : memref<128x64xf32, #tpu.memory_space<vmem>>) offsets(%dma_start3A_10 : memref<128xi32, #tpu.memory_space<vmem>>) semaphore(%arg7 : memref<!tpu.dma_semaphore, #tpu.memory_space<semaphore_mem>>)
    %dma_start3A_14 = arith.constant 1 : i32
    %dma_start3A_15 = arith.constant 0 : i32
    %dma_start3A_16 = arith.constant 128 : i32
    %dma_start3A_17 = arith.constant 0 : i32
    %dma_start3A_18 = tpu.memref_slice %arg6[%dma_start3A_15, %dma_start3A_16, %dma_start3A_17] : memref<2x640x64xf32, #tpu.memory_space<vmem>> -> memref<1x128x64xf32, #tpu.memory_space<vmem>>
    %dma_start3A_19 = tpu.memref_squeeze %dma_start3A_18 : memref<1x128x64xf32, #tpu.memory_space<vmem>> -> memref<128x64xf32, #tpu.memory_space<vmem>>
    %dma_start3A_20 = arith.constant 0 : i32
    %dma_start3A_21 = tpu.memref_slice %arg5[%dma_start3A_14, %dma_start3A_20] : memref<50x128xi32, #tpu.memory_space<vmem>> -> memref<1x128xi32, #tpu.memory_space<vmem>>
    %dma_start3A_22 = tpu.memref_squeeze %dma_start3A_21 : memref<1x128xi32, #tpu.memory_space<vmem>> -> memref<128xi32, #tpu.memory_space<vmem>>
    %dma_start3A_23 = arith.constant 0 : i32
    %dma_start3A_24 = arith.constant 0 : i32
    %dma_start3A_25 = tpu.memref_slice %arg3[%dma_start3A_23, %dma_start3A_24] : memref<100000x64xf32, #tpu.memory_space<hbm>> -> memref<100000x64xf32, #tpu.memory_space<hbm>>
    tpu.enqueue_indirect_dma source(%dma_start3A_25 : memref<100000x64xf32, #tpu.memory_space<hbm>>) target(%dma_start3A_19 : memref<128x64xf32, #tpu.memory_space<vmem>>) offsets(%dma_start3A_22 : memref<128xi32, #tpu.memory_space<vmem>>) semaphore(%arg7 : memref<!tpu.dma_semaphore, #tpu.memory_space<semaphore_mem>>)
    %dma_start3A_26 = arith.constant 2 : i32
    %dma_start3A_27 = arith.constant 0 : i32
    %dma_start3A_28 = arith.constant 256 : i32
    %dma_start3A_29 = arith.constant 0 : i32
    %dma_start3A_30 = tpu.memref_slice %arg6[%dma_start3A_27, %dma_start3A_28, %dma_start3A_29] : memref<2x640x64xf32, #tpu.memory_space<vmem>> -> memref<1x128x64xf32, #tpu.memory_space<vmem>>
    %dma_start3A_31 = tpu.memref_squeeze %dma_start3A_30 : memref<1x128x64xf32, #tpu.memory_space<vmem>> -> memref<128x64xf32, #tpu.memory_space<vmem>>
    %dma_start3A_32 = arith.constant 0 : i32
    %dma_start3A_33 = tpu.memref_slice %arg5[%dma_start3A_26, %dma_start3A_32] : memref<50x128xi32, #tpu.memory_space<vmem>> -> memref<1x128xi32, #tpu.memory_space<vmem>>
    %dma_start3A_34 = tpu.memref_squeeze %dma_start3A_33 : memref<1x128xi32, #tpu.memory_space<vmem>> -> memref<128xi32, #tpu.memory_space<vmem>>
    %dma_start3A_35 = arith.constant 0 : i32
    %dma_start3A_36 = arith.constant 0 : i32
    %dma_start3A_37 = tpu.memref_slice %arg3[%dma_start3A_35, %dma_start3A_36] : memref<100000x64xf32, #tpu.memory_space<hbm>> -> memref<100000x64xf32, #tpu.memory_space<hbm>>
    tpu.enqueue_indirect_dma source(%dma_start3A_37 : memref<100000x64xf32, #tpu.memory_space<hbm>>) target(%dma_start3A_31 : memref<128x64xf32, #tpu.memory_space<vmem>>) offsets(%dma_start3A_34 : memref<128xi32, #tpu.memory_space<vmem>>) semaphore(%arg7 : memref<!tpu.dma_semaphore, #tpu.memory_space<semaphore_mem>>)
    %dma_start3A_38 = arith.constant 3 : i32
    %dma_start3A_39 = arith.constant 0 : i32
    %dma_start3A_40 = arith.constant 384 : i32
    %dma_start3A_41 = arith.constant 0 : i32
    %dma_start3A_42 = tpu.memref_slice %arg6[%dma_start3A_39, %dma_start3A_40, %dma_start3A_41] : memref<2x640x64xf32, #tpu.memory_space<vmem>> -> memref<1x128x64xf32, #tpu.memory_space<vmem>>
    %dma_start3A_43 = tpu.memref_squeeze %dma_start3A_42 : memref<1x128x64xf32, #tpu.memory_space<vmem>> -> memref<128x64xf32, #tpu.memory_space<vmem>>
    %dma_start3A_44 = arith.constant 0 : i32
    %dma_start3A_45 = tpu.memref_slice %arg5[%dma_start3A_38, %dma_start3A_44] : memref<50x128xi32, #tpu.memory_space<vmem>> -> memref<1x128xi32, #tpu.memory_space<vmem>>
    %dma_start3A_46 = tpu.memref_squeeze %dma_start3A_45 : memref<1x128xi32, #tpu.memory_space<vmem>> -> memref<128xi32, #tpu.memory_space<vmem>>
    %dma_start3A_47 = arith.constant 0 : i32
    %dma_start3A_48 = arith.constant 0 : i32
    %dma_start3A_49 = tpu.memref_slice %arg3[%dma_start3A_47, %dma_start3A_48] : memref<100000x64xf32, #tpu.memory_space<hbm>> -> memref<100000x64xf32, #tpu.memory_space<hbm>>
    tpu.enqueue_indirect_dma source(%dma_start3A_49 : memref<100000x64xf32, #tpu.memory_space<hbm>>) target(%dma_start3A_43 : memref<128x64xf32, #tpu.memory_space<vmem>>) offsets(%dma_start3A_46 : memref<128xi32, #tpu.memory_space<vmem>>) semaphore(%arg7 : memref<!tpu.dma_semaphore, #tpu.memory_space<semaphore_mem>>)
    %dma_start3A_50 = arith.constant 4 : i32
    %dma_start3A_51 = arith.constant 0 : i32
    %dma_start3A_52 = arith.constant 512 : i32
    %dma_start3A_53 = arith.constant 0 : i32
    %dma_start3A_54 = tpu.memref_slice %arg6[%dma_start3A_51, %dma_start3A_52, %dma_start3A_53] : memref<2x640x64xf32, #tpu.memory_space<vmem>> -> memref<1x128x64xf32, #tpu.memory_space<vmem>>
    %dma_start3A_55 = tpu.memref_squeeze %dma_start3A_54 : memref<1x128x64xf32, #tpu.memory_space<vmem>> -> memref<128x64xf32, #tpu.memory_space<vmem>>
    %dma_start3A_56 = arith.constant 0 : i32
    %dma_start3A_57 = tpu.memref_slice %arg5[%dma_start3A_50, %dma_start3A_56] : memref<50x128xi32, #tpu.memory_space<vmem>> -> memref<1x128xi32, #tpu.memory_space<vmem>>
    %dma_start3A_58 = tpu.memref_squeeze %dma_start3A_57 : memref<1x128xi32, #tpu.memory_space<vmem>> -> memref<128xi32, #tpu.memory_space<vmem>>
    %dma_start3A_59 = arith.constant 0 : i32
    %dma_start3A_60 = arith.constant 0 : i32
    %dma_start3A_61 = tpu.memref_slice %arg3[%dma_start3A_59, %dma_start3A_60] : memref<100000x64xf32, #tpu.memory_space<hbm>> -> memref<100000x64xf32, #tpu.memory_space<hbm>>
    tpu.enqueue_indirect_dma source(%dma_start3A_61 : memref<100000x64xf32, #tpu.memory_space<hbm>>) target(%dma_start3A_55 : memref<128x64xf32, #tpu.memory_space<vmem>>) offsets(%dma_start3A_58 : memref<128xi32, #tpu.memory_space<vmem>>) semaphore(%arg7 : memref<!tpu.dma_semaphore, #tpu.memory_space<semaphore_mem>>)
    %dma_start3A_62 = arith.constant 5 : i32
    %dma_start3A_63 = arith.constant 1 : i32
    %dma_start3A_64 = arith.constant 0 : i32
    %dma_start3A_65 = arith.constant 0 : i32
    %dma_start3A_66 = tpu.memref_slice %arg6[%dma_start3A_63, %dma_start3A_64, %dma_start3A_65] : memref<2x640x64xf32, #tpu.memory_space<vmem>> -> memref<1x128x64xf32, #tpu.memory_space<vmem>>
    %dma_start3A_67 = tpu.memref_squeeze %dma_start3A_66 : memref<1x128x64xf32, #tpu.memory_space<vmem>> -> memref<128x64xf32, #tpu.memory_space<vmem>>
    %dma_start3A_68 = arith.constant 0 : i32
    %dma_start3A_69 = tpu.memref_slice %arg5[%dma_start3A_62, %dma_start3A_68] : memref<50x128xi32, #tpu.memory_space<vmem>> -> memref<1x128xi32, #tpu.memory_space<vmem>>
    %dma_start3A_70 = tpu.memref_squeeze %dma_start3A_69 : memref<1x128xi32, #tpu.memory_space<vmem>> -> memref<128xi32, #tpu.memory_space<vmem>>
    %dma_start3A_71 = arith.constant 0 : i32
    %dma_start3A_72 = arith.constant 0 : i32
    %dma_start3A_73 = tpu.memref_slice %arg3[%dma_start3A_71, %dma_start3A_72] : memref<100000x64xf32, #tpu.memory_space<hbm>> -> memref<100000x64xf32, #tpu.memory_space<hbm>>
    tpu.enqueue_indirect_dma source(%dma_start3A_73 : memref<100000x64xf32, #tpu.memory_space<hbm>>) target(%dma_start3A_67 : memref<128x64xf32, #tpu.memory_space<vmem>>) offsets(%dma_start3A_70 : memref<128xi32, #tpu.memory_space<vmem>>) semaphore(%arg8 : memref<!tpu.dma_semaphore, #tpu.memory_space<semaphore_mem>>)
    %dma_start3A_74 = arith.constant 6 : i32
    %dma_start3A_75 = arith.constant 1 : i32
    %dma_start3A_76 = arith.constant 128 : i32
    %dma_start3A_77 = arith.constant 0 : i32
    %dma_start3A_78 = tpu.memref_slice %arg6[%dma_start3A_75, %dma_start3A_76, %dma_start3A_77] : memref<2x640x64xf32, #tpu.memory_space<vmem>> -> memref<1x128x64xf32, #tpu.memory_space<vmem>>
    %dma_start3A_79 = tpu.memref_squeeze %dma_start3A_78 : memref<1x128x64xf32, #tpu.memory_space<vmem>> -> memref<128x64xf32, #tpu.memory_space<vmem>>
    %dma_start3A_80 = arith.constant 0 : i32
    %dma_start3A_81 = tpu.memref_slice %arg5[%dma_start3A_74, %dma_start3A_80] : memref<50x128xi32, #tpu.memory_space<vmem>> -> memref<1x128xi32, #tpu.memory_space<vmem>>
    %dma_start3A_82 = tpu.memref_squeeze %dma_start3A_81 : memref<1x128xi32, #tpu.memory_space<vmem>> -> memref<128xi32, #tpu.memory_space<vmem>>
    %dma_start3A_83 = arith.constant 0 : i32
    %dma_start3A_84 = arith.constant 0 : i32
    %dma_start3A_85 = tpu.memref_slice %arg3[%dma_start3A_83, %dma_start3A_84] : memref<100000x64xf32, #tpu.memory_space<hbm>> -> memref<100000x64xf32, #tpu.memory_space<hbm>>
    tpu.enqueue_indirect_dma source(%dma_start3A_85 : memref<100000x64xf32, #tpu.memory_space<hbm>>) target(%dma_start3A_79 : memref<128x64xf32, #tpu.memory_space<vmem>>) offsets(%dma_start3A_82 : memref<128xi32, #tpu.memory_space<vmem>>) semaphore(%arg8 : memref<!tpu.dma_semaphore, #tpu.memory_space<semaphore_mem>>)
    %dma_start3A_86 = arith.constant 7 : i32
    %dma_start3A_87 = arith.constant 1 : i32
    %dma_start3A_88 = arith.constant 256 : i32
    %dma_start3A_89 = arith.constant 0 : i32
    %dma_start3A_90 = tpu.memref_slice %arg6[%dma_start3A_87, %dma_start3A_88, %dma_start3A_89] : memref<2x640x64xf32, #tpu.memory_space<vmem>> -> memref<1x128x64xf32, #tpu.memory_space<vmem>>
    %dma_start3A_91 = tpu.memref_squeeze %dma_start3A_90 : memref<1x128x64xf32, #tpu.memory_space<vmem>> -> memref<128x64xf32, #tpu.memory_space<vmem>>
    %dma_start3A_92 = arith.constant 0 : i32
    %dma_start3A_93 = tpu.memref_slice %arg5[%dma_start3A_86, %dma_start3A_92] : memref<50x128xi32, #tpu.memory_space<vmem>> -> memref<1x128xi32, #tpu.memory_space<vmem>>
    %dma_start3A_94 = tpu.memref_squeeze %dma_start3A_93 : memref<1x128xi32, #tpu.memory_space<vmem>> -> memref<128xi32, #tpu.memory_space<vmem>>
    %dma_start3A_95 = arith.constant 0 : i32
    %dma_start3A_96 = arith.constant 0 : i32
    %dma_start3A_97 = tpu.memref_slice %arg3[%dma_start3A_95, %dma_start3A_96] : memref<100000x64xf32, #tpu.memory_space<hbm>> -> memref<100000x64xf32, #tpu.memory_space<hbm>>
    tpu.enqueue_indirect_dma source(%dma_start3A_97 : memref<100000x64xf32, #tpu.memory_space<hbm>>) target(%dma_start3A_91 : memref<128x64xf32, #tpu.memory_space<vmem>>) offsets(%dma_start3A_94 : memref<128xi32, #tpu.memory_space<vmem>>) semaphore(%arg8 : memref<!tpu.dma_semaphore, #tpu.memory_space<semaphore_mem>>)
    %dma_start3A_98 = arith.constant 8 : i32
    %dma_start3A_99 = arith.constant 1 : i32
    %dma_start3A_100 = arith.constant 384 : i32
    %dma_start3A_101 = arith.constant 0 : i32
    %dma_start3A_102 = tpu.memref_slice %arg6[%dma_start3A_99, %dma_start3A_100, %dma_start3A_101] : memref<2x640x64xf32, #tpu.memory_space<vmem>> -> memref<1x128x64xf32, #tpu.memory_space<vmem>>
    %dma_start3A_103 = tpu.memref_squeeze %dma_start3A_102 : memref<1x128x64xf32, #tpu.memory_space<vmem>> -> memref<128x64xf32, #tpu.memory_space<vmem>>
    %dma_start3A_104 = arith.constant 0 : i32
    %dma_start3A_105 = tpu.memref_slice %arg5[%dma_start3A_98, %dma_start3A_104] : memref<50x128xi32, #tpu.memory_space<vmem>> -> memref<1x128xi32, #tpu.memory_space<vmem>>
    %dma_start3A_106 = tpu.memref_squeeze %dma_start3A_105 : memref<1x128xi32, #tpu.memory_space<vmem>> -> memref<128xi32, #tpu.memory_space<vmem>>
    %dma_start3A_107 = arith.constant 0 : i32
    %dma_start3A_108 = arith.constant 0 : i32
    %dma_start3A_109 = tpu.memref_slice %arg3[%dma_start3A_107, %dma_start3A_108] : memref<100000x64xf32, #tpu.memory_space<hbm>> -> memref<100000x64xf32, #tpu.memory_space<hbm>>
    tpu.enqueue_indirect_dma source(%dma_start3A_109 : memref<100000x64xf32, #tpu.memory_space<hbm>>) target(%dma_start3A_103 : memref<128x64xf32, #tpu.memory_space<vmem>>) offsets(%dma_start3A_106 : memref<128xi32, #tpu.memory_space<vmem>>) semaphore(%arg8 : memref<!tpu.dma_semaphore, #tpu.memory_space<semaphore_mem>>)
    %dma_start3A_110 = arith.constant 9 : i32
    %dma_start3A_111 = arith.constant 1 : i32
    %dma_start3A_112 = arith.constant 512 : i32
    %dma_start3A_113 = arith.constant 0 : i32
    %dma_start3A_114 = tpu.memref_slice %arg6[%dma_start3A_111, %dma_start3A_112, %dma_start3A_113] : memref<2x640x64xf32, #tpu.memory_space<vmem>> -> memref<1x128x64xf32, #tpu.memory_space<vmem>>
    %dma_start3A_115 = tpu.memref_squeeze %dma_start3A_114 : memref<1x128x64xf32, #tpu.memory_space<vmem>> -> memref<128x64xf32, #tpu.memory_space<vmem>>
    %dma_start3A_116 = arith.constant 0 : i32
    %dma_start3A_117 = tpu.memref_slice %arg5[%dma_start3A_110, %dma_start3A_116] : memref<50x128xi32, #tpu.memory_space<vmem>> -> memref<1x128xi32, #tpu.memory_space<vmem>>
    %dma_start3A_118 = tpu.memref_squeeze %dma_start3A_117 : memref<1x128xi32, #tpu.memory_space<vmem>> -> memref<128xi32, #tpu.memory_space<vmem>>
    %dma_start3A_119 = arith.constant 0 : i32
    %dma_start3A_120 = arith.constant 0 : i32
    %dma_start3A_121 = tpu.memref_slice %arg3[%dma_start3A_119, %dma_start3A_120] : memref<100000x64xf32, #tpu.memory_space<hbm>> -> memref<100000x64xf32, #tpu.memory_space<hbm>>
    tpu.enqueue_indirect_dma source(%dma_start3A_121 : memref<100000x64xf32, #tpu.memory_space<hbm>>) target(%dma_start3A_115 : memref<128x64xf32, #tpu.memory_space<vmem>>) offsets(%dma_start3A_118 : memref<128xi32, #tpu.memory_space<vmem>>) semaphore(%arg8 : memref<!tpu.dma_semaphore, #tpu.memory_space<semaphore_mem>>)
    %scan3A = arith.constant 0 : i32
    %scan3A_122 = arith.constant 0 : i32
    %scan3A_123 = arith.constant 4 : i32
    %scan3A_124 = arith.addi %scan3A_122, %scan3A_123 : i32
    %scan3A_125 = arith.constant 1 : i32
    scf.for %scan3A_216 = %scan3A_122 to %scan3A_124 step %scan3A_125  : i32 {
      %mul3A_217 = arith.constant 2 : i32
      %mul3A_218 = arith.muli %mul3A_217, %scan3A_216 : i32
      %add3A_219 = arith.constant 0 : i32
      %add3A_220 = arith.addi %mul3A_218, %add3A_219 : i32
      %dma_wait3A_221 = arith.constant 0 : i32
      %dma_wait3A_222 = arith.constant 0 : i32
      %dma_wait3A_223 = arith.constant 0 : i32
      %dma_wait3A_224 = tpu.memref_slice %arg6[%dma_wait3A_221, %dma_wait3A_222, %dma_wait3A_223] : memref<2x640x64xf32, #tpu.memory_space<vmem>> -> memref<1x640x64xf32, #tpu.memory_space<vmem>>
      %dma_wait3A_225 = tpu.memref_squeeze %dma_wait3A_224 : memref<1x640x64xf32, #tpu.memory_space<vmem>> -> memref<640x64xf32, #tpu.memory_space<vmem>>
      %dma_wait3A_226 = arith.constant 0 : i32
      %dma_wait3A_227 = arith.constant 0 : i32
      %dma_wait3A_228 = tpu.memref_slice %arg3[%dma_wait3A_226, %dma_wait3A_227] : memref<100000x64xf32, #tpu.memory_space<hbm>> -> memref<640x64xf32, #tpu.memory_space<hbm>>
      %dma_wait3A_229 = arith.constant 0 : i32
      %dma_wait3A_230 = arith.constant 0 : i32
      %dma_wait3A_231 = tpu.memref_slice %arg6[%dma_wait3A_221, %dma_wait3A_229, %dma_wait3A_230] : memref<2x640x64xf32, #tpu.memory_space<vmem>> -> memref<1x640x64xf32, #tpu.memory_space<vmem>>
      %dma_wait3A_232 = tpu.memref_squeeze %dma_wait3A_231 : memref<1x640x64xf32, #tpu.memory_space<vmem>> -> memref<640x64xf32, #tpu.memory_space<vmem>>
      %dma_wait3A_233 = arith.constant 0 : i32
      %dma_wait3A_234 = arith.constant 0 : i32
      %dma_wait3A_235 = tpu.memref_slice %arg3[%dma_wait3A_233, %dma_wait3A_234] : memref<100000x64xf32, #tpu.memory_space<hbm>> -> memref<640x64xf32, #tpu.memory_space<hbm>>
      tpu.wait_dma2 semaphore(%arg7 : memref<!tpu.dma_semaphore, #tpu.memory_space<semaphore_mem>>) src(%dma_wait3A_235 : memref<640x64xf32, #tpu.memory_space<hbm>>) dst(%dma_wait3A_232 : memref<640x64xf32, #tpu.memory_space<vmem>>)
      %mul3A_236 = arith.constant 6400 : i32
      %mul3A_237 = arith.muli %add3A, %mul3A_236 : i32
      %mul3A_238 = arith.constant 640 : i32
      %mul3A_239 = arith.muli %add3A_220, %mul3A_238 : i32
      %add3A_240 = arith.addi %mul3A_237, %mul3A_239 : i32
      %dma_start3A_241 = arith.constant 0 : i32
      %dma_start3A_242 = arith.constant 0 : i32
      %dma_start3A_243 = arith.constant 0 : i32
      %dma_start3A_244 = tpu.memref_slice %arg6[%dma_start3A_241, %dma_start3A_242, %dma_start3A_243] : memref<2x640x64xf32, #tpu.memory_space<vmem>> -> memref<1x640x64xf32, #tpu.memory_space<vmem>>
      %dma_start3A_245 = tpu.memref_squeeze %dma_start3A_244 : memref<1x640x64xf32, #tpu.memory_space<vmem>> -> memref<640x64xf32, #tpu.memory_space<vmem>>
      %dma_start3A_246 = arith.constant 0 : i32
      %dma_start3A_247 = tpu.memref_slice %arg4[%add3A_240, %dma_start3A_246] : memref<204800x64xf32, #tpu.memory_space<hbm>> -> memref<640x64xf32, #tpu.memory_space<hbm>>
      %dma_start3A_248 = arith.constant 0 : i32
      %dma_start3A_249 = tpu.memref_slice %arg4[%add3A_240, %dma_start3A_248] : memref<204800x64xf32, #tpu.memory_space<hbm>> -> memref<640x64xf32, #tpu.memory_space<hbm>>
      %dma_start3A_250 = arith.constant 0 : i32
      %dma_start3A_251 = arith.constant 0 : i32
      %dma_start3A_252 = tpu.memref_slice %arg6[%dma_start3A_241, %dma_start3A_250, %dma_start3A_251] : memref<2x640x64xf32, #tpu.memory_space<vmem>> -> memref<1x640x64xf32, #tpu.memory_space<vmem>>
      %dma_start3A_253 = tpu.memref_squeeze %dma_start3A_252 : memref<1x640x64xf32, #tpu.memory_space<vmem>> -> memref<640x64xf32, #tpu.memory_space<vmem>>
      tpu.enqueue_dma source(%dma_start3A_253 : memref<640x64xf32, #tpu.memory_space<vmem>>) target(%dma_start3A_249 : memref<640x64xf32, #tpu.memory_space<hbm>>) target_semaphore(%arg9 : memref<!tpu.dma_semaphore, #tpu.memory_space<semaphore_mem>>)
      %dma_wait3A_254 = arith.constant 0 : i32
      %dma_wait3A_255 = arith.constant 0 : i32
      %dma_wait3A_256 = arith.constant 0 : i32
      %dma_wait3A_257 = tpu.memref_slice %arg6[%dma_wait3A_254, %dma_wait3A_255, %dma_wait3A_256] : memref<2x640x64xf32, #tpu.memory_space<vmem>> -> memref<1x640x64xf32, #tpu.memory_space<vmem>>
      %dma_wait3A_258 = tpu.memref_squeeze %dma_wait3A_257 : memref<1x640x64xf32, #tpu.memory_space<vmem>> -> memref<640x64xf32, #tpu.memory_space<vmem>>
      %dma_wait3A_259 = arith.constant 0 : i32
      %dma_wait3A_260 = tpu.memref_slice %arg4[%add3A_240, %dma_wait3A_259] : memref<204800x64xf32, #tpu.memory_space<hbm>> -> memref<640x64xf32, #tpu.memory_space<hbm>>
      %dma_wait3A_261 = arith.constant 0 : i32
      %dma_wait3A_262 = tpu.memref_slice %arg4[%add3A_240, %dma_wait3A_261] : memref<204800x64xf32, #tpu.memory_space<hbm>> -> memref<640x64xf32, #tpu.memory_space<hbm>>
      %dma_wait3A_263 = arith.constant 0 : i32
      %dma_wait3A_264 = arith.constant 0 : i32
      %dma_wait3A_265 = tpu.memref_slice %arg6[%dma_wait3A_254, %dma_wait3A_263, %dma_wait3A_264] : memref<2x640x64xf32, #tpu.memory_space<vmem>> -> memref<1x640x64xf32, #tpu.memory_space<vmem>>
      %dma_wait3A_266 = tpu.memref_squeeze %dma_wait3A_265 : memref<1x640x64xf32, #tpu.memory_space<vmem>> -> memref<640x64xf32, #tpu.memory_space<vmem>>
      tpu.wait_dma2 semaphore(%arg9 : memref<!tpu.dma_semaphore, #tpu.memory_space<semaphore_mem>>) src(%dma_wait3A_266 : memref<640x64xf32, #tpu.memory_space<vmem>>) dst(%dma_wait3A_262 : memref<640x64xf32, #tpu.memory_space<hbm>>)
      %add3A_267 = arith.constant 2 : i32
      %add3A_268 = arith.addi %add3A_220, %add3A_267 : i32
      %mul3A_269 = arith.constant 5 : i32
      %mul3A_270 = arith.muli %add3A_268, %mul3A_269 : i32
      %add3A_271 = arith.constant 0 : i32
      %add3A_272 = arith.addi %mul3A_270, %add3A_271 : i32
      %dma_start3A_273 = arith.constant 0 : i32
      %dma_start3A_274 = arith.constant 0 : i32
      %dma_start3A_275 = arith.constant 0 : i32
      %dma_start3A_276 = tpu.memref_slice %arg6[%dma_start3A_273, %dma_start3A_274, %dma_start3A_275] : memref<2x640x64xf32, #tpu.memory_space<vmem>> -> memref<1x128x64xf32, #tpu.memory_space<vmem>>
      %dma_start3A_277 = tpu.memref_squeeze %dma_start3A_276 : memref<1x128x64xf32, #tpu.memory_space<vmem>> -> memref<128x64xf32, #tpu.memory_space<vmem>>
      %dma_start3A_278 = arith.constant 0 : i32
      %dma_start3A_279 = tpu.memref_slice %arg5[%add3A_272, %dma_start3A_278] : memref<50x128xi32, #tpu.memory_space<vmem>> -> memref<1x128xi32, #tpu.memory_space<vmem>>
      %dma_start3A_280 = tpu.memref_squeeze %dma_start3A_279 : memref<1x128xi32, #tpu.memory_space<vmem>> -> memref<128xi32, #tpu.memory_space<vmem>>
      %dma_start3A_281 = arith.constant 0 : i32
      %dma_start3A_282 = arith.constant 0 : i32
      %dma_start3A_283 = tpu.memref_slice %arg3[%dma_start3A_281, %dma_start3A_282] : memref<100000x64xf32, #tpu.memory_space<hbm>> -> memref<100000x64xf32, #tpu.memory_space<hbm>>
      tpu.enqueue_indirect_dma source(%dma_start3A_283 : memref<100000x64xf32, #tpu.memory_space<hbm>>) target(%dma_start3A_277 : memref<128x64xf32, #tpu.memory_space<vmem>>) offsets(%dma_start3A_280 : memref<128xi32, #tpu.memory_space<vmem>>) semaphore(%arg7 : memref<!tpu.dma_semaphore, #tpu.memory_space<semaphore_mem>>)
      %mul3A_284 = arith.constant 5 : i32
      %mul3A_285 = arith.muli %add3A_268, %mul3A_284 : i32
      %add3A_286 = arith.constant 1 : i32
      %add3A_287 = arith.addi %mul3A_285, %add3A_286 : i32
      %dma_start3A_288 = arith.constant 0 : i32
      %dma_start3A_289 = arith.constant 128 : i32
      %dma_start3A_290 = arith.constant 0 : i32
      %dma_start3A_291 = tpu.memref_slice %arg6[%dma_start3A_288, %dma_start3A_289, %dma_start3A_290] : memref<2x640x64xf32, #tpu.memory_space<vmem>> -> memref<1x128x64xf32, #tpu.memory_space<vmem>>
      %dma_start3A_292 = tpu.memref_squeeze %dma_start3A_291 : memref<1x128x64xf32, #tpu.memory_space<vmem>> -> memref<128x64xf32, #tpu.memory_space<vmem>>
      %dma_start3A_293 = arith.constant 0 : i32
      %dma_start3A_294 = tpu.memref_slice %arg5[%add3A_287, %dma_start3A_293] : memref<50x128xi32, #tpu.memory_space<vmem>> -> memref<1x128xi32, #tpu.memory_space<vmem>>
      %dma_start3A_295 = tpu.memref_squeeze %dma_start3A_294 : memref<1x128xi32, #tpu.memory_space<vmem>> -> memref<128xi32, #tpu.memory_space<vmem>>
      %dma_start3A_296 = arith.constant 0 : i32
      %dma_start3A_297 = arith.constant 0 : i32
      %dma_start3A_298 = tpu.memref_slice %arg3[%dma_start3A_296, %dma_start3A_297] : memref<100000x64xf32, #tpu.memory_space<hbm>> -> memref<100000x64xf32, #tpu.memory_space<hbm>>
      tpu.enqueue_indirect_dma source(%dma_start3A_298 : memref<100000x64xf32, #tpu.memory_space<hbm>>) target(%dma_start3A_292 : memref<128x64xf32, #tpu.memory_space<vmem>>) offsets(%dma_start3A_295 : memref<128xi32, #tpu.memory_space<vmem>>) semaphore(%arg7 : memref<!tpu.dma_semaphore, #tpu.memory_space<semaphore_mem>>)
      %mul3A_299 = arith.constant 5 : i32
      %mul3A_300 = arith.muli %add3A_268, %mul3A_299 : i32
      %add3A_301 = arith.constant 2 : i32
      %add3A_302 = arith.addi %mul3A_300, %add3A_301 : i32
      %dma_start3A_303 = arith.constant 0 : i32
      %dma_start3A_304 = arith.constant 256 : i32
      %dma_start3A_305 = arith.constant 0 : i32
      %dma_start3A_306 = tpu.memref_slice %arg6[%dma_start3A_303, %dma_start3A_304, %dma_start3A_305] : memref<2x640x64xf32, #tpu.memory_space<vmem>> -> memref<1x128x64xf32, #tpu.memory_space<vmem>>
      %dma_start3A_307 = tpu.memref_squeeze %dma_start3A_306 : memref<1x128x64xf32, #tpu.memory_space<vmem>> -> memref<128x64xf32, #tpu.memory_space<vmem>>
      %dma_start3A_308 = arith.constant 0 : i32
      %dma_start3A_309 = tpu.memref_slice %arg5[%add3A_302, %dma_start3A_308] : memref<50x128xi32, #tpu.memory_space<vmem>> -> memref<1x128xi32, #tpu.memory_space<vmem>>
      %dma_start3A_310 = tpu.memref_squeeze %dma_start3A_309 : memref<1x128xi32, #tpu.memory_space<vmem>> -> memref<128xi32, #tpu.memory_space<vmem>>
      %dma_start3A_311 = arith.constant 0 : i32
      %dma_start3A_312 = arith.constant 0 : i32
      %dma_start3A_313 = tpu.memref_slice %arg3[%dma_start3A_311, %dma_start3A_312] : memref<100000x64xf32, #tpu.memory_space<hbm>> -> memref<100000x64xf32, #tpu.memory_space<hbm>>
      tpu.enqueue_indirect_dma source(%dma_start3A_313 : memref<100000x64xf32, #tpu.memory_space<hbm>>) target(%dma_start3A_307 : memref<128x64xf32, #tpu.memory_space<vmem>>) offsets(%dma_start3A_310 : memref<128xi32, #tpu.memory_space<vmem>>) semaphore(%arg7 : memref<!tpu.dma_semaphore, #tpu.memory_space<semaphore_mem>>)
      %mul3A_314 = arith.constant 5 : i32
      %mul3A_315 = arith.muli %add3A_268, %mul3A_314 : i32
      %add3A_316 = arith.constant 3 : i32
      %add3A_317 = arith.addi %mul3A_315, %add3A_316 : i32
      %dma_start3A_318 = arith.constant 0 : i32
      %dma_start3A_319 = arith.constant 384 : i32
      %dma_start3A_320 = arith.constant 0 : i32
      %dma_start3A_321 = tpu.memref_slice %arg6[%dma_start3A_318, %dma_start3A_319, %dma_start3A_320] : memref<2x640x64xf32, #tpu.memory_space<vmem>> -> memref<1x128x64xf32, #tpu.memory_space<vmem>>
      %dma_start3A_322 = tpu.memref_squeeze %dma_start3A_321 : memref<1x128x64xf32, #tpu.memory_space<vmem>> -> memref<128x64xf32, #tpu.memory_space<vmem>>
      %dma_start3A_323 = arith.constant 0 : i32
      %dma_start3A_324 = tpu.memref_slice %arg5[%add3A_317, %dma_start3A_323] : memref<50x128xi32, #tpu.memory_space<vmem>> -> memref<1x128xi32, #tpu.memory_space<vmem>>
      %dma_start3A_325 = tpu.memref_squeeze %dma_start3A_324 : memref<1x128xi32, #tpu.memory_space<vmem>> -> memref<128xi32, #tpu.memory_space<vmem>>
      %dma_start3A_326 = arith.constant 0 : i32
      %dma_start3A_327 = arith.constant 0 : i32
      %dma_start3A_328 = tpu.memref_slice %arg3[%dma_start3A_326, %dma_start3A_327] : memref<100000x64xf32, #tpu.memory_space<hbm>> -> memref<100000x64xf32, #tpu.memory_space<hbm>>
      tpu.enqueue_indirect_dma source(%dma_start3A_328 : memref<100000x64xf32, #tpu.memory_space<hbm>>) target(%dma_start3A_322 : memref<128x64xf32, #tpu.memory_space<vmem>>) offsets(%dma_start3A_325 : memref<128xi32, #tpu.memory_space<vmem>>) semaphore(%arg7 : memref<!tpu.dma_semaphore, #tpu.memory_space<semaphore_mem>>)
      %mul3A_329 = arith.constant 5 : i32
      %mul3A_330 = arith.muli %add3A_268, %mul3A_329 : i32
      %add3A_331 = arith.constant 4 : i32
      %add3A_332 = arith.addi %mul3A_330, %add3A_331 : i32
      %dma_start3A_333 = arith.constant 0 : i32
      %dma_start3A_334 = arith.constant 512 : i32
      %dma_start3A_335 = arith.constant 0 : i32
      %dma_start3A_336 = tpu.memref_slice %arg6[%dma_start3A_333, %dma_start3A_334, %dma_start3A_335] : memref<2x640x64xf32, #tpu.memory_space<vmem>> -> memref<1x128x64xf32, #tpu.memory_space<vmem>>
      %dma_start3A_337 = tpu.memref_squeeze %dma_start3A_336 : memref<1x128x64xf32, #tpu.memory_space<vmem>> -> memref<128x64xf32, #tpu.memory_space<vmem>>
      %dma_start3A_338 = arith.constant 0 : i32
      %dma_start3A_339 = tpu.memref_slice %arg5[%add3A_332, %dma_start3A_338] : memref<50x128xi32, #tpu.memory_space<vmem>> -> memref<1x128xi32, #tpu.memory_space<vmem>>
      %dma_start3A_340 = tpu.memref_squeeze %dma_start3A_339 : memref<1x128xi32, #tpu.memory_space<vmem>> -> memref<128xi32, #tpu.memory_space<vmem>>
      %dma_start3A_341 = arith.constant 0 : i32
      %dma_start3A_342 = arith.constant 0 : i32
      %dma_start3A_343 = tpu.memref_slice %arg3[%dma_start3A_341, %dma_start3A_342] : memref<100000x64xf32, #tpu.memory_space<hbm>> -> memref<100000x64xf32, #tpu.memory_space<hbm>>
      tpu.enqueue_indirect_dma source(%dma_start3A_343 : memref<100000x64xf32, #tpu.memory_space<hbm>>) target(%dma_start3A_337 : memref<128x64xf32, #tpu.memory_space<vmem>>) offsets(%dma_start3A_340 : memref<128xi32, #tpu.memory_space<vmem>>) semaphore(%arg7 : memref<!tpu.dma_semaphore, #tpu.memory_space<semaphore_mem>>)
      %mul3A_344 = arith.constant 2 : i32
      %mul3A_345 = arith.muli %mul3A_344, %scan3A_216 : i32
      %add3A_346 = arith.constant 1 : i32
      %add3A_347 = arith.addi %mul3A_345, %add3A_346 : i32
      %dma_wait3A_348 = arith.constant 1 : i32
      %dma_wait3A_349 = arith.constant 0 : i32
      %dma_wait3A_350 = arith.constant 0 : i32
      %dma_wait3A_351 = tpu.memref_slice %arg6[%dma_wait3A_348, %dma_wait3A_349, %dma_wait3A_350] : memref<2x640x64xf32, #tpu.memory_space<vmem>> -> memref<1x640x64xf32, #tpu.memory_space<vmem>>
      %dma_wait3A_352 = tpu.memref_squeeze %dma_wait3A_351 : memref<1x640x64xf32, #tpu.memory_space<vmem>> -> memref<640x64xf32, #tpu.memory_space<vmem>>
      %dma_wait3A_353 = arith.constant 0 : i32
      %dma_wait3A_354 = arith.constant 0 : i32
      %dma_wait3A_355 = tpu.memref_slice %arg3[%dma_wait3A_353, %dma_wait3A_354] : memref<100000x64xf32, #tpu.memory_space<hbm>> -> memref<640x64xf32, #tpu.memory_space<hbm>>
      %dma_wait3A_356 = arith.constant 0 : i32
      %dma_wait3A_357 = arith.constant 0 : i32
      %dma_wait3A_358 = tpu.memref_slice %arg6[%dma_wait3A_348, %dma_wait3A_356, %dma_wait3A_357] : memref<2x640x64xf32, #tpu.memory_space<vmem>> -> memref<1x640x64xf32, #tpu.memory_space<vmem>>
      %dma_wait3A_359 = tpu.memref_squeeze %dma_wait3A_358 : memref<1x640x64xf32, #tpu.memory_space<vmem>> -> memref<640x64xf32, #tpu.memory_space<vmem>>
      %dma_wait3A_360 = arith.constant 0 : i32
      %dma_wait3A_361 = arith.constant 0 : i32
      %dma_wait3A_362 = tpu.memref_slice %arg3[%dma_wait3A_360, %dma_wait3A_361] : memref<100000x64xf32, #tpu.memory_space<hbm>> -> memref<640x64xf32, #tpu.memory_space<hbm>>
      tpu.wait_dma2 semaphore(%arg8 : memref<!tpu.dma_semaphore, #tpu.memory_space<semaphore_mem>>) src(%dma_wait3A_362 : memref<640x64xf32, #tpu.memory_space<hbm>>) dst(%dma_wait3A_359 : memref<640x64xf32, #tpu.memory_space<vmem>>)
      %mul3A_363 = arith.constant 6400 : i32
      %mul3A_364 = arith.muli %add3A, %mul3A_363 : i32
      %mul3A_365 = arith.constant 640 : i32
      %mul3A_366 = arith.muli %add3A_347, %mul3A_365 : i32
      %add3A_367 = arith.addi %mul3A_364, %mul3A_366 : i32
      %dma_start3A_368 = arith.constant 1 : i32
      %dma_start3A_369 = arith.constant 0 : i32
      %dma_start3A_370 = arith.constant 0 : i32
      %dma_start3A_371 = tpu.memref_slice %arg6[%dma_start3A_368, %dma_start3A_369, %dma_start3A_370] : memref<2x640x64xf32, #tpu.memory_space<vmem>> -> memref<1x640x64xf32, #tpu.memory_space<vmem>>
      %dma_start3A_372 = tpu.memref_squeeze %dma_start3A_371 : memref<1x640x64xf32, #tpu.memory_space<vmem>> -> memref<640x64xf32, #tpu.memory_space<vmem>>
      %dma_start3A_373 = arith.constant 0 : i32
      %dma_start3A_374 = tpu.memref_slice %arg4[%add3A_367, %dma_start3A_373] : memref<204800x64xf32, #tpu.memory_space<hbm>> -> memref<640x64xf32, #tpu.memory_space<hbm>>
      %dma_start3A_375 = arith.constant 0 : i32
      %dma_start3A_376 = tpu.memref_slice %arg4[%add3A_367, %dma_start3A_375] : memref<204800x64xf32, #tpu.memory_space<hbm>> -> memref<640x64xf32, #tpu.memory_space<hbm>>
      %dma_start3A_377 = arith.constant 0 : i32
      %dma_start3A_378 = arith.constant 0 : i32
      %dma_start3A_379 = tpu.memref_slice %arg6[%dma_start3A_368, %dma_start3A_377, %dma_start3A_378] : memref<2x640x64xf32, #tpu.memory_space<vmem>> -> memref<1x640x64xf32, #tpu.memory_space<vmem>>
      %dma_start3A_380 = tpu.memref_squeeze %dma_start3A_379 : memref<1x640x64xf32, #tpu.memory_space<vmem>> -> memref<640x64xf32, #tpu.memory_space<vmem>>
      tpu.enqueue_dma source(%dma_start3A_380 : memref<640x64xf32, #tpu.memory_space<vmem>>) target(%dma_start3A_376 : memref<640x64xf32, #tpu.memory_space<hbm>>) target_semaphore(%arg10 : memref<!tpu.dma_semaphore, #tpu.memory_space<semaphore_mem>>)
      %dma_wait3A_381 = arith.constant 1 : i32
      %dma_wait3A_382 = arith.constant 0 : i32
      %dma_wait3A_383 = arith.constant 0 : i32
      %dma_wait3A_384 = tpu.memref_slice %arg6[%dma_wait3A_381, %dma_wait3A_382, %dma_wait3A_383] : memref<2x640x64xf32, #tpu.memory_space<vmem>> -> memref<1x640x64xf32, #tpu.memory_space<vmem>>
      %dma_wait3A_385 = tpu.memref_squeeze %dma_wait3A_384 : memref<1x640x64xf32, #tpu.memory_space<vmem>> -> memref<640x64xf32, #tpu.memory_space<vmem>>
      %dma_wait3A_386 = arith.constant 0 : i32
      %dma_wait3A_387 = tpu.memref_slice %arg4[%add3A_367, %dma_wait3A_386] : memref<204800x64xf32, #tpu.memory_space<hbm>> -> memref<640x64xf32, #tpu.memory_space<hbm>>
      %dma_wait3A_388 = arith.constant 0 : i32
      %dma_wait3A_389 = tpu.memref_slice %arg4[%add3A_367, %dma_wait3A_388] : memref<204800x64xf32, #tpu.memory_space<hbm>> -> memref<640x64xf32, #tpu.memory_space<hbm>>
      %dma_wait3A_390 = arith.constant 0 : i32
      %dma_wait3A_391 = arith.constant 0 : i32
      %dma_wait3A_392 = tpu.memref_slice %arg6[%dma_wait3A_381, %dma_wait3A_390, %dma_wait3A_391] : memref<2x640x64xf32, #tpu.memory_space<vmem>> -> memref<1x640x64xf32, #tpu.memory_space<vmem>>
      %dma_wait3A_393 = tpu.memref_squeeze %dma_wait3A_392 : memref<1x640x64xf32, #tpu.memory_space<vmem>> -> memref<640x64xf32, #tpu.memory_space<vmem>>
      tpu.wait_dma2 semaphore(%arg10 : memref<!tpu.dma_semaphore, #tpu.memory_space<semaphore_mem>>) src(%dma_wait3A_393 : memref<640x64xf32, #tpu.memory_space<vmem>>) dst(%dma_wait3A_389 : memref<640x64xf32, #tpu.memory_space<hbm>>)
      %add3A_394 = arith.constant 2 : i32
      %add3A_395 = arith.addi %add3A_347, %add3A_394 : i32
      %mul3A_396 = arith.constant 5 : i32
      %mul3A_397 = arith.muli %add3A_395, %mul3A_396 : i32
      %add3A_398 = arith.constant 0 : i32
      %add3A_399 = arith.addi %mul3A_397, %add3A_398 : i32
      %dma_start3A_400 = arith.constant 1 : i32
      %dma_start3A_401 = arith.constant 0 : i32
      %dma_start3A_402 = arith.constant 0 : i32
      %dma_start3A_403 = tpu.memref_slice %arg6[%dma_start3A_400, %dma_start3A_401, %dma_start3A_402] : memref<2x640x64xf32, #tpu.memory_space<vmem>> -> memref<1x128x64xf32, #tpu.memory_space<vmem>>
      %dma_start3A_404 = tpu.memref_squeeze %dma_start3A_403 : memref<1x128x64xf32, #tpu.memory_space<vmem>> -> memref<128x64xf32, #tpu.memory_space<vmem>>
      %dma_start3A_405 = arith.constant 0 : i32
      %dma_start3A_406 = tpu.memref_slice %arg5[%add3A_399, %dma_start3A_405] : memref<50x128xi32, #tpu.memory_space<vmem>> -> memref<1x128xi32, #tpu.memory_space<vmem>>
      %dma_start3A_407 = tpu.memref_squeeze %dma_start3A_406 : memref<1x128xi32, #tpu.memory_space<vmem>> -> memref<128xi32, #tpu.memory_space<vmem>>
      %dma_start3A_408 = arith.constant 0 : i32
      %dma_start3A_409 = arith.constant 0 : i32
      %dma_start3A_410 = tpu.memref_slice %arg3[%dma_start3A_408, %dma_start3A_409] : memref<100000x64xf32, #tpu.memory_space<hbm>> -> memref<100000x64xf32, #tpu.memory_space<hbm>>
      tpu.enqueue_indirect_dma source(%dma_start3A_410 : memref<100000x64xf32, #tpu.memory_space<hbm>>) target(%dma_start3A_404 : memref<128x64xf32, #tpu.memory_space<vmem>>) offsets(%dma_start3A_407 : memref<128xi32, #tpu.memory_space<vmem>>) semaphore(%arg8 : memref<!tpu.dma_semaphore, #tpu.memory_space<semaphore_mem>>)
      %mul3A_411 = arith.constant 5 : i32
      %mul3A_412 = arith.muli %add3A_395, %mul3A_411 : i32
      %add3A_413 = arith.constant 1 : i32
      %add3A_414 = arith.addi %mul3A_412, %add3A_413 : i32
      %dma_start3A_415 = arith.constant 1 : i32
      %dma_start3A_416 = arith.constant 128 : i32
      %dma_start3A_417 = arith.constant 0 : i32
      %dma_start3A_418 = tpu.memref_slice %arg6[%dma_start3A_415, %dma_start3A_416, %dma_start3A_417] : memref<2x640x64xf32, #tpu.memory_space<vmem>> -> memref<1x128x64xf32, #tpu.memory_space<vmem>>
      %dma_start3A_419 = tpu.memref_squeeze %dma_start3A_418 : memref<1x128x64xf32, #tpu.memory_space<vmem>> -> memref<128x64xf32, #tpu.memory_space<vmem>>
      %dma_start3A_420 = arith.constant 0 : i32
      %dma_start3A_421 = tpu.memref_slice %arg5[%add3A_414, %dma_start3A_420] : memref<50x128xi32, #tpu.memory_space<vmem>> -> memref<1x128xi32, #tpu.memory_space<vmem>>
      %dma_start3A_422 = tpu.memref_squeeze %dma_start3A_421 : memref<1x128xi32, #tpu.memory_space<vmem>> -> memref<128xi32, #tpu.memory_space<vmem>>
      %dma_start3A_423 = arith.constant 0 : i32
      %dma_start3A_424 = arith.constant 0 : i32
      %dma_start3A_425 = tpu.memref_slice %arg3[%dma_start3A_423, %dma_start3A_424] : memref<100000x64xf32, #tpu.memory_space<hbm>> -> memref<100000x64xf32, #tpu.memory_space<hbm>>
      tpu.enqueue_indirect_dma source(%dma_start3A_425 : memref<100000x64xf32, #tpu.memory_space<hbm>>) target(%dma_start3A_419 : memref<128x64xf32, #tpu.memory_space<vmem>>) offsets(%dma_start3A_422 : memref<128xi32, #tpu.memory_space<vmem>>) semaphore(%arg8 : memref<!tpu.dma_semaphore, #tpu.memory_space<semaphore_mem>>)
      %mul3A_426 = arith.constant 5 : i32
      %mul3A_427 = arith.muli %add3A_395, %mul3A_426 : i32
      %add3A_428 = arith.constant 2 : i32
      %add3A_429 = arith.addi %mul3A_427, %add3A_428 : i32
      %dma_start3A_430 = arith.constant 1 : i32
      %dma_start3A_431 = arith.constant 256 : i32
      %dma_start3A_432 = arith.constant 0 : i32
      %dma_start3A_433 = tpu.memref_slice %arg6[%dma_start3A_430, %dma_start3A_431, %dma_start3A_432] : memref<2x640x64xf32, #tpu.memory_space<vmem>> -> memref<1x128x64xf32, #tpu.memory_space<vmem>>
      %dma_start3A_434 = tpu.memref_squeeze %dma_start3A_433 : memref<1x128x64xf32, #tpu.memory_space<vmem>> -> memref<128x64xf32, #tpu.memory_space<vmem>>
      %dma_start3A_435 = arith.constant 0 : i32
      %dma_start3A_436 = tpu.memref_slice %arg5[%add3A_429, %dma_start3A_435] : memref<50x128xi32, #tpu.memory_space<vmem>> -> memref<1x128xi32, #tpu.memory_space<vmem>>
      %dma_start3A_437 = tpu.memref_squeeze %dma_start3A_436 : memref<1x128xi32, #tpu.memory_space<vmem>> -> memref<128xi32, #tpu.memory_space<vmem>>
      %dma_start3A_438 = arith.constant 0 : i32
      %dma_start3A_439 = arith.constant 0 : i32
      %dma_start3A_440 = tpu.memref_slice %arg3[%dma_start3A_438, %dma_start3A_439] : memref<100000x64xf32, #tpu.memory_space<hbm>> -> memref<100000x64xf32, #tpu.memory_space<hbm>>
      tpu.enqueue_indirect_dma source(%dma_start3A_440 : memref<100000x64xf32, #tpu.memory_space<hbm>>) target(%dma_start3A_434 : memref<128x64xf32, #tpu.memory_space<vmem>>) offsets(%dma_start3A_437 : memref<128xi32, #tpu.memory_space<vmem>>) semaphore(%arg8 : memref<!tpu.dma_semaphore, #tpu.memory_space<semaphore_mem>>)
      %mul3A_441 = arith.constant 5 : i32
      %mul3A_442 = arith.muli %add3A_395, %mul3A_441 : i32
      %add3A_443 = arith.constant 3 : i32
      %add3A_444 = arith.addi %mul3A_442, %add3A_443 : i32
      %dma_start3A_445 = arith.constant 1 : i32
      %dma_start3A_446 = arith.constant 384 : i32
      %dma_start3A_447 = arith.constant 0 : i32
      %dma_start3A_448 = tpu.memref_slice %arg6[%dma_start3A_445, %dma_start3A_446, %dma_start3A_447] : memref<2x640x64xf32, #tpu.memory_space<vmem>> -> memref<1x128x64xf32, #tpu.memory_space<vmem>>
      %dma_start3A_449 = tpu.memref_squeeze %dma_start3A_448 : memref<1x128x64xf32, #tpu.memory_space<vmem>> -> memref<128x64xf32, #tpu.memory_space<vmem>>
      %dma_start3A_450 = arith.constant 0 : i32
      %dma_start3A_451 = tpu.memref_slice %arg5[%add3A_444, %dma_start3A_450] : memref<50x128xi32, #tpu.memory_space<vmem>> -> memref<1x128xi32, #tpu.memory_space<vmem>>
      %dma_start3A_452 = tpu.memref_squeeze %dma_start3A_451 : memref<1x128xi32, #tpu.memory_space<vmem>> -> memref<128xi32, #tpu.memory_space<vmem>>
      %dma_start3A_453 = arith.constant 0 : i32
      %dma_start3A_454 = arith.constant 0 : i32
      %dma_start3A_455 = tpu.memref_slice %arg3[%dma_start3A_453, %dma_start3A_454] : memref<100000x64xf32, #tpu.memory_space<hbm>> -> memref<100000x64xf32, #tpu.memory_space<hbm>>
      tpu.enqueue_indirect_dma source(%dma_start3A_455 : memref<100000x64xf32, #tpu.memory_space<hbm>>) target(%dma_start3A_449 : memref<128x64xf32, #tpu.memory_space<vmem>>) offsets(%dma_start3A_452 : memref<128xi32, #tpu.memory_space<vmem>>) semaphore(%arg8 : memref<!tpu.dma_semaphore, #tpu.memory_space<semaphore_mem>>)
      %mul3A_456 = arith.constant 5 : i32
      %mul3A_457 = arith.muli %add3A_395, %mul3A_456 : i32
      %add3A_458 = arith.constant 4 : i32
      %add3A_459 = arith.addi %mul3A_457, %add3A_458 : i32
      %dma_start3A_460 = arith.constant 1 : i32
      %dma_start3A_461 = arith.constant 512 : i32
      %dma_start3A_462 = arith.constant 0 : i32
      %dma_start3A_463 = tpu.memref_slice %arg6[%dma_start3A_460, %dma_start3A_461, %dma_start3A_462] : memref<2x640x64xf32, #tpu.memory_space<vmem>> -> memref<1x128x64xf32, #tpu.memory_space<vmem>>
      %dma_start3A_464 = tpu.memref_squeeze %dma_start3A_463 : memref<1x128x64xf32, #tpu.memory_space<vmem>> -> memref<128x64xf32, #tpu.memory_space<vmem>>
      %dma_start3A_465 = arith.constant 0 : i32
      %dma_start3A_466 = tpu.memref_slice %arg5[%add3A_459, %dma_start3A_465] : memref<50x128xi32, #tpu.memory_space<vmem>> -> memref<1x128xi32, #tpu.memory_space<vmem>>
      %dma_start3A_467 = tpu.memref_squeeze %dma_start3A_466 : memref<1x128xi32, #tpu.memory_space<vmem>> -> memref<128xi32, #tpu.memory_space<vmem>>
      %dma_start3A_468 = arith.constant 0 : i32
      %dma_start3A_469 = arith.constant 0 : i32
      %dma_start3A_470 = tpu.memref_slice %arg3[%dma_start3A_468, %dma_start3A_469] : memref<100000x64xf32, #tpu.memory_space<hbm>> -> memref<100000x64xf32, #tpu.memory_space<hbm>>
      tpu.enqueue_indirect_dma source(%dma_start3A_470 : memref<100000x64xf32, #tpu.memory_space<hbm>>) target(%dma_start3A_464 : memref<128x64xf32, #tpu.memory_space<vmem>>) offsets(%dma_start3A_467 : memref<128xi32, #tpu.memory_space<vmem>>) semaphore(%arg8 : memref<!tpu.dma_semaphore, #tpu.memory_space<semaphore_mem>>)
    }
    %scan3A_126 = arith.constant 4 : i32
    %dma_wait3A = arith.constant 0 : i32
    %dma_wait3A_127 = arith.constant 0 : i32
    %dma_wait3A_128 = arith.constant 0 : i32
    %dma_wait3A_129 = tpu.memref_slice %arg6[%dma_wait3A, %dma_wait3A_127, %dma_wait3A_128] : memref<2x640x64xf32, #tpu.memory_space<vmem>> -> memref<1x640x64xf32, #tpu.memory_space<vmem>>
    %dma_wait3A_130 = tpu.memref_squeeze %dma_wait3A_129 : memref<1x640x64xf32, #tpu.memory_space<vmem>> -> memref<640x64xf32, #tpu.memory_space<vmem>>
    %dma_wait3A_131 = arith.constant 0 : i32
    %dma_wait3A_132 = arith.constant 0 : i32
    %dma_wait3A_133 = tpu.memref_slice %arg3[%dma_wait3A_131, %dma_wait3A_132] : memref<100000x64xf32, #tpu.memory_space<hbm>> -> memref<640x64xf32, #tpu.memory_space<hbm>>
    %dma_wait3A_134 = arith.constant 0 : i32
    %dma_wait3A_135 = arith.constant 0 : i32
    %dma_wait3A_136 = tpu.memref_slice %arg6[%dma_wait3A, %dma_wait3A_134, %dma_wait3A_135] : memref<2x640x64xf32, #tpu.memory_space<vmem>> -> memref<1x640x64xf32, #tpu.memory_space<vmem>>
    %dma_wait3A_137 = tpu.memref_squeeze %dma_wait3A_136 : memref<1x640x64xf32, #tpu.memory_space<vmem>> -> memref<640x64xf32, #tpu.memory_space<vmem>>
    %dma_wait3A_138 = arith.constant 0 : i32
    %dma_wait3A_139 = arith.constant 0 : i32
    %dma_wait3A_140 = tpu.memref_slice %arg3[%dma_wait3A_138, %dma_wait3A_139] : memref<100000x64xf32, #tpu.memory_space<hbm>> -> memref<640x64xf32, #tpu.memory_space<hbm>>
    tpu.wait_dma2 semaphore(%arg7 : memref<!tpu.dma_semaphore, #tpu.memory_space<semaphore_mem>>) src(%dma_wait3A_140 : memref<640x64xf32, #tpu.memory_space<hbm>>) dst(%dma_wait3A_137 : memref<640x64xf32, #tpu.memory_space<vmem>>)
    %mul3A_141 = arith.constant 6400 : i32
    %mul3A_142 = arith.muli %add3A, %mul3A_141 : i32
    %add3A_143 = arith.constant 5120 : i32
    %add3A_144 = arith.addi %mul3A_142, %add3A_143 : i32
    %dma_start3A_145 = arith.constant 0 : i32
    %dma_start3A_146 = arith.constant 0 : i32
    %dma_start3A_147 = arith.constant 0 : i32
    %dma_start3A_148 = tpu.memref_slice %arg6[%dma_start3A_145, %dma_start3A_146, %dma_start3A_147] : memref<2x640x64xf32, #tpu.memory_space<vmem>> -> memref<1x640x64xf32, #tpu.memory_space<vmem>>
    %dma_start3A_149 = tpu.memref_squeeze %dma_start3A_148 : memref<1x640x64xf32, #tpu.memory_space<vmem>> -> memref<640x64xf32, #tpu.memory_space<vmem>>
    %dma_start3A_150 = arith.constant 0 : i32
    %dma_start3A_151 = tpu.memref_slice %arg4[%add3A_144, %dma_start3A_150] : memref<204800x64xf32, #tpu.memory_space<hbm>> -> memref<640x64xf32, #tpu.memory_space<hbm>>
    %dma_start3A_152 = arith.constant 0 : i32
    %dma_start3A_153 = tpu.memref_slice %arg4[%add3A_144, %dma_start3A_152] : memref<204800x64xf32, #tpu.memory_space<hbm>> -> memref<640x64xf32, #tpu.memory_space<hbm>>
    %dma_start3A_154 = arith.constant 0 : i32
    %dma_start3A_155 = arith.constant 0 : i32
    %dma_start3A_156 = tpu.memref_slice %arg6[%dma_start3A_145, %dma_start3A_154, %dma_start3A_155] : memref<2x640x64xf32, #tpu.memory_space<vmem>> -> memref<1x640x64xf32, #tpu.memory_space<vmem>>
    %dma_start3A_157 = tpu.memref_squeeze %dma_start3A_156 : memref<1x640x64xf32, #tpu.memory_space<vmem>> -> memref<640x64xf32, #tpu.memory_space<vmem>>
    tpu.enqueue_dma source(%dma_start3A_157 : memref<640x64xf32, #tpu.memory_space<vmem>>) target(%dma_start3A_153 : memref<640x64xf32, #tpu.memory_space<hbm>>) target_semaphore(%arg9 : memref<!tpu.dma_semaphore, #tpu.memory_space<semaphore_mem>>)
    %dma_wait3A_158 = arith.constant 0 : i32
    %dma_wait3A_159 = arith.constant 0 : i32
    %dma_wait3A_160 = arith.constant 0 : i32
    %dma_wait3A_161 = tpu.memref_slice %arg6[%dma_wait3A_158, %dma_wait3A_159, %dma_wait3A_160] : memref<2x640x64xf32, #tpu.memory_space<vmem>> -> memref<1x640x64xf32, #tpu.memory_space<vmem>>
    %dma_wait3A_162 = tpu.memref_squeeze %dma_wait3A_161 : memref<1x640x64xf32, #tpu.memory_space<vmem>> -> memref<640x64xf32, #tpu.memory_space<vmem>>
    %dma_wait3A_163 = arith.constant 0 : i32
    %dma_wait3A_164 = tpu.memref_slice %arg4[%add3A_144, %dma_wait3A_163] : memref<204800x64xf32, #tpu.memory_space<hbm>> -> memref<640x64xf32, #tpu.memory_space<hbm>>
    %dma_wait3A_165 = arith.constant 0 : i32
    %dma_wait3A_166 = tpu.memref_slice %arg4[%add3A_144, %dma_wait3A_165] : memref<204800x64xf32, #tpu.memory_space<hbm>> -> memref<640x64xf32, #tpu.memory_space<hbm>>
    %dma_wait3A_167 = arith.constant 0 : i32
    %dma_wait3A_168 = arith.constant 0 : i32
    %dma_wait3A_169 = tpu.memref_slice %arg6[%dma_wait3A_158, %dma_wait3A_167, %dma_wait3A_168] : memref<2x640x64xf32, #tpu.memory_space<vmem>> -> memref<1x640x64xf32, #tpu.memory_space<vmem>>
    %dma_wait3A_170 = tpu.memref_squeeze %dma_wait3A_169 : memref<1x640x64xf32, #tpu.memory_space<vmem>> -> memref<640x64xf32, #tpu.memory_space<vmem>>
    tpu.wait_dma2 semaphore(%arg9 : memref<!tpu.dma_semaphore, #tpu.memory_space<semaphore_mem>>) src(%dma_wait3A_170 : memref<640x64xf32, #tpu.memory_space<vmem>>) dst(%dma_wait3A_166 : memref<640x64xf32, #tpu.memory_space<hbm>>)
    %dma_wait3A_171 = arith.constant 1 : i32
    %dma_wait3A_172 = arith.constant 0 : i32
    %dma_wait3A_173 = arith.constant 0 : i32
    %dma_wait3A_174 = tpu.memref_slice %arg6[%dma_wait3A_171, %dma_wait3A_172, %dma_wait3A_173] : memref<2x640x64xf32, #tpu.memory_space<vmem>> -> memref<1x640x64xf32, #tpu.memory_space<vmem>>
    %dma_wait3A_175 = tpu.memref_squeeze %dma_wait3A_174 : memref<1x640x64xf32, #tpu.memory_space<vmem>> -> memref<640x64xf32, #tpu.memory_space<vmem>>
    %dma_wait3A_176 = arith.constant 0 : i32
    %dma_wait3A_177 = arith.constant 0 : i32
    %dma_wait3A_178 = tpu.memref_slice %arg3[%dma_wait3A_176, %dma_wait3A_177] : memref<100000x64xf32, #tpu.memory_space<hbm>> -> memref<640x64xf32, #tpu.memory_space<hbm>>
    %dma_wait3A_179 = arith.constant 0 : i32
    %dma_wait3A_180 = arith.constant 0 : i32
    %dma_wait3A_181 = tpu.memref_slice %arg6[%dma_wait3A_171, %dma_wait3A_179, %dma_wait3A_180] : memref<2x640x64xf32, #tpu.memory_space<vmem>> -> memref<1x640x64xf32, #tpu.memory_space<vmem>>
    %dma_wait3A_182 = tpu.memref_squeeze %dma_wait3A_181 : memref<1x640x64xf32, #tpu.memory_space<vmem>> -> memref<640x64xf32, #tpu.memory_space<vmem>>
    %dma_wait3A_183 = arith.constant 0 : i32
    %dma_wait3A_184 = arith.constant 0 : i32
    %dma_wait3A_185 = tpu.memref_slice %arg3[%dma_wait3A_183, %dma_wait3A_184] : memref<100000x64xf32, #tpu.memory_space<hbm>> -> memref<640x64xf32, #tpu.memory_space<hbm>>
    tpu.wait_dma2 semaphore(%arg8 : memref<!tpu.dma_semaphore, #tpu.memory_space<semaphore_mem>>) src(%dma_wait3A_185 : memref<640x64xf32, #tpu.memory_space<hbm>>) dst(%dma_wait3A_182 : memref<640x64xf32, #tpu.memory_space<vmem>>)
    %mul3A_186 = arith.constant 6400 : i32
    %mul3A_187 = arith.muli %add3A, %mul3A_186 : i32
    %add3A_188 = arith.constant 5760 : i32
    %add3A_189 = arith.addi %mul3A_187, %add3A_188 : i32
    %dma_start3A_190 = arith.constant 1 : i32
    %dma_start3A_191 = arith.constant 0 : i32
    %dma_start3A_192 = arith.constant 0 : i32
    %dma_start3A_193 = tpu.memref_slice %arg6[%dma_start3A_190, %dma_start3A_191, %dma_start3A_192] : memref<2x640x64xf32, #tpu.memory_space<vmem>> -> memref<1x640x64xf32, #tpu.memory_space<vmem>>
    %dma_start3A_194 = tpu.memref_squeeze %dma_start3A_193 : memref<1x640x64xf32, #tpu.memory_space<vmem>> -> memref<640x64xf32, #tpu.memory_space<vmem>>
    %dma_start3A_195 = arith.constant 0 : i32
    %dma_start3A_196 = tpu.memref_slice %arg4[%add3A_189, %dma_start3A_195] : memref<204800x64xf32, #tpu.memory_space<hbm>> -> memref<640x64xf32, #tpu.memory_space<hbm>>
    %dma_start3A_197 = arith.constant 0 : i32
    %dma_start3A_198 = tpu.memref_slice %arg4[%add3A_189, %dma_start3A_197] : memref<204800x64xf32, #tpu.memory_space<hbm>> -> memref<640x64xf32, #tpu.memory_space<hbm>>
    %dma_start3A_199 = arith.constant 0 : i32
    %dma_start3A_200 = arith.constant 0 : i32
    %dma_start3A_201 = tpu.memref_slice %arg6[%dma_start3A_190, %dma_start3A_199, %dma_start3A_200] : memref<2x640x64xf32, #tpu.memory_space<vmem>> -> memref<1x640x64xf32, #tpu.memory_space<vmem>>
    %dma_start3A_202 = tpu.memref_squeeze %dma_start3A_201 : memref<1x640x64xf32, #tpu.memory_space<vmem>> -> memref<640x64xf32, #tpu.memory_space<vmem>>
    tpu.enqueue_dma source(%dma_start3A_202 : memref<640x64xf32, #tpu.memory_space<vmem>>) target(%dma_start3A_198 : memref<640x64xf32, #tpu.memory_space<hbm>>) target_semaphore(%arg10 : memref<!tpu.dma_semaphore, #tpu.memory_space<semaphore_mem>>)
    %dma_wait3A_203 = arith.constant 1 : i32
    %dma_wait3A_204 = arith.constant 0 : i32
    %dma_wait3A_205 = arith.constant 0 : i32
    %dma_wait3A_206 = tpu.memref_slice %arg6[%dma_wait3A_203, %dma_wait3A_204, %dma_wait3A_205] : memref<2x640x64xf32, #tpu.memory_space<vmem>> -> memref<1x640x64xf32, #tpu.memory_space<vmem>>
    %dma_wait3A_207 = tpu.memref_squeeze %dma_wait3A_206 : memref<1x640x64xf32, #tpu.memory_space<vmem>> -> memref<640x64xf32, #tpu.memory_space<vmem>>
    %dma_wait3A_208 = arith.constant 0 : i32
    %dma_wait3A_209 = tpu.memref_slice %arg4[%add3A_189, %dma_wait3A_208] : memref<204800x64xf32, #tpu.memory_space<hbm>> -> memref<640x64xf32, #tpu.memory_space<hbm>>
    %dma_wait3A_210 = arith.constant 0 : i32
    %dma_wait3A_211 = tpu.memref_slice %arg4[%add3A_189, %dma_wait3A_210] : memref<204800x64xf32, #tpu.memory_space<hbm>> -> memref<640x64xf32, #tpu.memory_space<hbm>>
    %dma_wait3A_212 = arith.constant 0 : i32
    %dma_wait3A_213 = arith.constant 0 : i32
    %dma_wait3A_214 = tpu.memref_slice %arg6[%dma_wait3A_203, %dma_wait3A_212, %dma_wait3A_213] : memref<2x640x64xf32, #tpu.memory_space<vmem>> -> memref<1x640x64xf32, #tpu.memory_space<vmem>>
    %dma_wait3A_215 = tpu.memref_squeeze %dma_wait3A_214 : memref<1x640x64xf32, #tpu.memory_space<vmem>> -> memref<640x64xf32, #tpu.memory_space<vmem>>
    tpu.wait_dma2 semaphore(%arg10 : memref<!tpu.dma_semaphore, #tpu.memory_space<semaphore_mem>>) src(%dma_wait3A_215 : memref<640x64xf32, #tpu.memory_space<vmem>>) dst(%dma_wait3A_211 : memref<640x64xf32, #tpu.memory_space<hbm>>)
    return
  }
}

#map = affine_map<(d0, d1) -> (0, 0)>
module attributes {stable_mosaic.version = 14 : i64} {
  func.func @_emb_ui(%arg0: i32, %arg1: i32, %arg2: memref<160x128xi32, #tpu.memory_space<hbm>>, %arg3: memref<100000x64xf32, #tpu.memory_space<hbm>>, %arg4: memref<20480x64xf32, #tpu.memory_space<hbm>>, %arg5: memref<5x128xi32, #tpu.memory_space<vmem>>, %arg6: memref<2x640x64xf32, #tpu.memory_space<vmem>>, %arg7: memref<!tpu.dma_semaphore, #tpu.memory_space<semaphore_mem>>, %arg8: memref<!tpu.dma_semaphore, #tpu.memory_space<semaphore_mem>>, %arg9: memref<!tpu.dma_semaphore, #tpu.memory_space<semaphore_mem>>, %arg10: memref<!tpu.dma_semaphore, #tpu.memory_space<semaphore_mem>>) attributes {dimension_semantics = [#tpu.dimension_semantics<core_parallel>, #tpu.dimension_semantics<subcore_parallel>], iteration_bounds = array<i64: 2, 16>, scalar_prefetch = 0 : i64, scratch_operands = 6 : i64, tpu.core_type = #tpu.core_type<sc_vector_subcore>, window_params = [{transform_indices = #map}, {transform_indices = #map}, {transform_indices = #map}]} {
    %mul3A = arith.constant 2 : i32
    %mul3A_0 = arith.muli %arg1, %mul3A : i32
    %add3A = arith.addi %mul3A_0, %arg0 : i32
    %mul3A_1 = arith.constant 5 : i32
    %mul3A_2 = arith.muli %add3A, %mul3A_1 : i32
    "tpu.region"() ({
      %run_scoped3A_78 = tpu.sem_alloc : memref<!tpu.dma_semaphore, #tpu.memory_space<semaphore_mem>>
      %dma_start3A_79 = arith.constant 0 : i32
      %dma_start3A_80 = tpu.memref_slice %arg2[%mul3A_2, %dma_start3A_79] : memref<160x128xi32, #tpu.memory_space<hbm>> -> memref<5x128xi32, #tpu.memory_space<hbm>>
      %dma_start3A_81 = arith.constant 0 : i32
      %dma_start3A_82 = tpu.memref_slice %arg2[%mul3A_2, %dma_start3A_81] : memref<160x128xi32, #tpu.memory_space<hbm>> -> memref<5x128xi32, #tpu.memory_space<hbm>>
      tpu.enqueue_dma source(%dma_start3A_82 : memref<5x128xi32, #tpu.memory_space<hbm>>) target(%arg5 : memref<5x128xi32, #tpu.memory_space<vmem>>) target_semaphore(%run_scoped3A_78 : memref<!tpu.dma_semaphore, #tpu.memory_space<semaphore_mem>>)
      %dma_wait3A_83 = arith.constant 0 : i32
      %dma_wait3A_84 = tpu.memref_slice %arg2[%mul3A_2, %dma_wait3A_83] : memref<160x128xi32, #tpu.memory_space<hbm>> -> memref<5x128xi32, #tpu.memory_space<hbm>>
      %dma_wait3A_85 = arith.constant 0 : i32
      %dma_wait3A_86 = tpu.memref_slice %arg2[%mul3A_2, %dma_wait3A_85] : memref<160x128xi32, #tpu.memory_space<hbm>> -> memref<5x128xi32, #tpu.memory_space<hbm>>
      tpu.wait_dma2 semaphore(%run_scoped3A_78 : memref<!tpu.dma_semaphore, #tpu.memory_space<semaphore_mem>>) src(%dma_wait3A_86 : memref<5x128xi32, #tpu.memory_space<hbm>>) dst(%arg5 : memref<5x128xi32, #tpu.memory_space<vmem>>)
      tpu.yield
    }) : () -> ()
    %dma_start3A = arith.constant 0 : i32
    %dma_start3A_3 = arith.constant 0 : i32
    %dma_start3A_4 = arith.constant 0 : i32
    %dma_start3A_5 = arith.constant 0 : i32
    %dma_start3A_6 = tpu.memref_slice %arg6[%dma_start3A_3, %dma_start3A_4, %dma_start3A_5] : memref<2x640x64xf32, #tpu.memory_space<vmem>> -> memref<1x128x64xf32, #tpu.memory_space<vmem>>
    %dma_start3A_7 = tpu.memref_squeeze %dma_start3A_6 : memref<1x128x64xf32, #tpu.memory_space<vmem>> -> memref<128x64xf32, #tpu.memory_space<vmem>>
    %dma_start3A_8 = arith.constant 0 : i32
    %dma_start3A_9 = tpu.memref_slice %arg5[%dma_start3A, %dma_start3A_8] : memref<5x128xi32, #tpu.memory_space<vmem>> -> memref<1x128xi32, #tpu.memory_space<vmem>>
    %dma_start3A_10 = tpu.memref_squeeze %dma_start3A_9 : memref<1x128xi32, #tpu.memory_space<vmem>> -> memref<128xi32, #tpu.memory_space<vmem>>
    %dma_start3A_11 = arith.constant 0 : i32
    %dma_start3A_12 = arith.constant 0 : i32
    %dma_start3A_13 = tpu.memref_slice %arg3[%dma_start3A_11, %dma_start3A_12] : memref<100000x64xf32, #tpu.memory_space<hbm>> -> memref<100000x64xf32, #tpu.memory_space<hbm>>
    tpu.enqueue_indirect_dma source(%dma_start3A_13 : memref<100000x64xf32, #tpu.memory_space<hbm>>) target(%dma_start3A_7 : memref<128x64xf32, #tpu.memory_space<vmem>>) offsets(%dma_start3A_10 : memref<128xi32, #tpu.memory_space<vmem>>) semaphore(%arg7 : memref<!tpu.dma_semaphore, #tpu.memory_space<semaphore_mem>>)
    %dma_start3A_14 = arith.constant 1 : i32
    %dma_start3A_15 = arith.constant 0 : i32
    %dma_start3A_16 = arith.constant 128 : i32
    %dma_start3A_17 = arith.constant 0 : i32
    %dma_start3A_18 = tpu.memref_slice %arg6[%dma_start3A_15, %dma_start3A_16, %dma_start3A_17] : memref<2x640x64xf32, #tpu.memory_space<vmem>> -> memref<1x128x64xf32, #tpu.memory_space<vmem>>
    %dma_start3A_19 = tpu.memref_squeeze %dma_start3A_18 : memref<1x128x64xf32, #tpu.memory_space<vmem>> -> memref<128x64xf32, #tpu.memory_space<vmem>>
    %dma_start3A_20 = arith.constant 0 : i32
    %dma_start3A_21 = tpu.memref_slice %arg5[%dma_start3A_14, %dma_start3A_20] : memref<5x128xi32, #tpu.memory_space<vmem>> -> memref<1x128xi32, #tpu.memory_space<vmem>>
    %dma_start3A_22 = tpu.memref_squeeze %dma_start3A_21 : memref<1x128xi32, #tpu.memory_space<vmem>> -> memref<128xi32, #tpu.memory_space<vmem>>
    %dma_start3A_23 = arith.constant 0 : i32
    %dma_start3A_24 = arith.constant 0 : i32
    %dma_start3A_25 = tpu.memref_slice %arg3[%dma_start3A_23, %dma_start3A_24] : memref<100000x64xf32, #tpu.memory_space<hbm>> -> memref<100000x64xf32, #tpu.memory_space<hbm>>
    tpu.enqueue_indirect_dma source(%dma_start3A_25 : memref<100000x64xf32, #tpu.memory_space<hbm>>) target(%dma_start3A_19 : memref<128x64xf32, #tpu.memory_space<vmem>>) offsets(%dma_start3A_22 : memref<128xi32, #tpu.memory_space<vmem>>) semaphore(%arg7 : memref<!tpu.dma_semaphore, #tpu.memory_space<semaphore_mem>>)
    %dma_start3A_26 = arith.constant 2 : i32
    %dma_start3A_27 = arith.constant 0 : i32
    %dma_start3A_28 = arith.constant 256 : i32
    %dma_start3A_29 = arith.constant 0 : i32
    %dma_start3A_30 = tpu.memref_slice %arg6[%dma_start3A_27, %dma_start3A_28, %dma_start3A_29] : memref<2x640x64xf32, #tpu.memory_space<vmem>> -> memref<1x128x64xf32, #tpu.memory_space<vmem>>
    %dma_start3A_31 = tpu.memref_squeeze %dma_start3A_30 : memref<1x128x64xf32, #tpu.memory_space<vmem>> -> memref<128x64xf32, #tpu.memory_space<vmem>>
    %dma_start3A_32 = arith.constant 0 : i32
    %dma_start3A_33 = tpu.memref_slice %arg5[%dma_start3A_26, %dma_start3A_32] : memref<5x128xi32, #tpu.memory_space<vmem>> -> memref<1x128xi32, #tpu.memory_space<vmem>>
    %dma_start3A_34 = tpu.memref_squeeze %dma_start3A_33 : memref<1x128xi32, #tpu.memory_space<vmem>> -> memref<128xi32, #tpu.memory_space<vmem>>
    %dma_start3A_35 = arith.constant 0 : i32
    %dma_start3A_36 = arith.constant 0 : i32
    %dma_start3A_37 = tpu.memref_slice %arg3[%dma_start3A_35, %dma_start3A_36] : memref<100000x64xf32, #tpu.memory_space<hbm>> -> memref<100000x64xf32, #tpu.memory_space<hbm>>
    tpu.enqueue_indirect_dma source(%dma_start3A_37 : memref<100000x64xf32, #tpu.memory_space<hbm>>) target(%dma_start3A_31 : memref<128x64xf32, #tpu.memory_space<vmem>>) offsets(%dma_start3A_34 : memref<128xi32, #tpu.memory_space<vmem>>) semaphore(%arg7 : memref<!tpu.dma_semaphore, #tpu.memory_space<semaphore_mem>>)
    %dma_start3A_38 = arith.constant 3 : i32
    %dma_start3A_39 = arith.constant 0 : i32
    %dma_start3A_40 = arith.constant 384 : i32
    %dma_start3A_41 = arith.constant 0 : i32
    %dma_start3A_42 = tpu.memref_slice %arg6[%dma_start3A_39, %dma_start3A_40, %dma_start3A_41] : memref<2x640x64xf32, #tpu.memory_space<vmem>> -> memref<1x128x64xf32, #tpu.memory_space<vmem>>
    %dma_start3A_43 = tpu.memref_squeeze %dma_start3A_42 : memref<1x128x64xf32, #tpu.memory_space<vmem>> -> memref<128x64xf32, #tpu.memory_space<vmem>>
    %dma_start3A_44 = arith.constant 0 : i32
    %dma_start3A_45 = tpu.memref_slice %arg5[%dma_start3A_38, %dma_start3A_44] : memref<5x128xi32, #tpu.memory_space<vmem>> -> memref<1x128xi32, #tpu.memory_space<vmem>>
    %dma_start3A_46 = tpu.memref_squeeze %dma_start3A_45 : memref<1x128xi32, #tpu.memory_space<vmem>> -> memref<128xi32, #tpu.memory_space<vmem>>
    %dma_start3A_47 = arith.constant 0 : i32
    %dma_start3A_48 = arith.constant 0 : i32
    %dma_start3A_49 = tpu.memref_slice %arg3[%dma_start3A_47, %dma_start3A_48] : memref<100000x64xf32, #tpu.memory_space<hbm>> -> memref<100000x64xf32, #tpu.memory_space<hbm>>
    tpu.enqueue_indirect_dma source(%dma_start3A_49 : memref<100000x64xf32, #tpu.memory_space<hbm>>) target(%dma_start3A_43 : memref<128x64xf32, #tpu.memory_space<vmem>>) offsets(%dma_start3A_46 : memref<128xi32, #tpu.memory_space<vmem>>) semaphore(%arg7 : memref<!tpu.dma_semaphore, #tpu.memory_space<semaphore_mem>>)
    %dma_start3A_50 = arith.constant 4 : i32
    %dma_start3A_51 = arith.constant 0 : i32
    %dma_start3A_52 = arith.constant 512 : i32
    %dma_start3A_53 = arith.constant 0 : i32
    %dma_start3A_54 = tpu.memref_slice %arg6[%dma_start3A_51, %dma_start3A_52, %dma_start3A_53] : memref<2x640x64xf32, #tpu.memory_space<vmem>> -> memref<1x128x64xf32, #tpu.memory_space<vmem>>
    %dma_start3A_55 = tpu.memref_squeeze %dma_start3A_54 : memref<1x128x64xf32, #tpu.memory_space<vmem>> -> memref<128x64xf32, #tpu.memory_space<vmem>>
    %dma_start3A_56 = arith.constant 0 : i32
    %dma_start3A_57 = tpu.memref_slice %arg5[%dma_start3A_50, %dma_start3A_56] : memref<5x128xi32, #tpu.memory_space<vmem>> -> memref<1x128xi32, #tpu.memory_space<vmem>>
    %dma_start3A_58 = tpu.memref_squeeze %dma_start3A_57 : memref<1x128xi32, #tpu.memory_space<vmem>> -> memref<128xi32, #tpu.memory_space<vmem>>
    %dma_start3A_59 = arith.constant 0 : i32
    %dma_start3A_60 = arith.constant 0 : i32
    %dma_start3A_61 = tpu.memref_slice %arg3[%dma_start3A_59, %dma_start3A_60] : memref<100000x64xf32, #tpu.memory_space<hbm>> -> memref<100000x64xf32, #tpu.memory_space<hbm>>
    tpu.enqueue_indirect_dma source(%dma_start3A_61 : memref<100000x64xf32, #tpu.memory_space<hbm>>) target(%dma_start3A_55 : memref<128x64xf32, #tpu.memory_space<vmem>>) offsets(%dma_start3A_58 : memref<128xi32, #tpu.memory_space<vmem>>) semaphore(%arg7 : memref<!tpu.dma_semaphore, #tpu.memory_space<semaphore_mem>>)
    %dma_wait3A = arith.constant 0 : i32
    %dma_wait3A_62 = arith.constant 0 : i32
    %dma_wait3A_63 = arith.constant 0 : i32
    %dma_wait3A_64 = tpu.memref_slice %arg6[%dma_wait3A, %dma_wait3A_62, %dma_wait3A_63] : memref<2x640x64xf32, #tpu.memory_space<vmem>> -> memref<1x640x64xf32, #tpu.memory_space<vmem>>
    %dma_wait3A_65 = tpu.memref_squeeze %dma_wait3A_64 : memref<1x640x64xf32, #tpu.memory_space<vmem>> -> memref<640x64xf32, #tpu.memory_space<vmem>>
    %dma_wait3A_66 = arith.constant 0 : i32
    %dma_wait3A_67 = arith.constant 0 : i32
    %dma_wait3A_68 = tpu.memref_slice %arg3[%dma_wait3A_66, %dma_wait3A_67] : memref<100000x64xf32, #tpu.memory_space<hbm>> -> memref<640x64xf32, #tpu.memory_space<hbm>>
    %dma_wait3A_69 = arith.constant 0 : i32
    %dma_wait3A_70 = arith.constant 0 : i32
    %dma_wait3A_71 = tpu.memref_slice %arg6[%dma_wait3A, %dma_wait3A_69, %dma_wait3A_70] : memref<2x640x64xf32, #tpu.memory_space<vmem>> -> memref<1x640x64xf32, #tpu.memory_space<vmem>>
    %dma_wait3A_72 = tpu.memref_squeeze %dma_wait3A_71 : memref<1x640x64xf32, #tpu.memory_space<vmem>> -> memref<640x64xf32, #tpu.memory_space<vmem>>
    %dma_wait3A_73 = arith.constant 0 : i32
    %dma_wait3A_74 = arith.constant 0 : i32
    %dma_wait3A_75 = tpu.memref_slice %arg3[%dma_wait3A_73, %dma_wait3A_74] : memref<100000x64xf32, #tpu.memory_space<hbm>> -> memref<640x64xf32, #tpu.memory_space<hbm>>
    tpu.wait_dma2 semaphore(%arg7 : memref<!tpu.dma_semaphore, #tpu.memory_space<semaphore_mem>>) src(%dma_wait3A_75 : memref<640x64xf32, #tpu.memory_space<hbm>>) dst(%dma_wait3A_72 : memref<640x64xf32, #tpu.memory_space<vmem>>)
    %mul3A_76 = arith.constant 640 : i32
    %mul3A_77 = arith.muli %add3A, %mul3A_76 : i32
    %run_scoped3A = arith.constant 0 : i32
    "tpu.region"() ({
      %run_scoped3A_78 = tpu.sem_alloc : memref<!tpu.dma_semaphore, #tpu.memory_space<semaphore_mem>>
      %dma_start3A_79 = arith.constant 0 : i32
      %dma_start3A_80 = arith.constant 0 : i32
      %dma_start3A_81 = tpu.memref_slice %arg6[%run_scoped3A, %dma_start3A_79, %dma_start3A_80] : memref<2x640x64xf32, #tpu.memory_space<vmem>> -> memref<1x640x64xf32, #tpu.memory_space<vmem>>
      %dma_start3A_82 = tpu.memref_squeeze %dma_start3A_81 : memref<1x640x64xf32, #tpu.memory_space<vmem>> -> memref<640x64xf32, #tpu.memory_space<vmem>>
      %dma_start3A_83 = arith.constant 0 : i32
      %dma_start3A_84 = tpu.memref_slice %arg4[%mul3A_77, %dma_start3A_83] : memref<20480x64xf32, #tpu.memory_space<hbm>> -> memref<640x64xf32, #tpu.memory_space<hbm>>
      %dma_start3A_85 = arith.constant 0 : i32
      %dma_start3A_86 = tpu.memref_slice %arg4[%mul3A_77, %dma_start3A_85] : memref<20480x64xf32, #tpu.memory_space<hbm>> -> memref<640x64xf32, #tpu.memory_space<hbm>>
      %dma_start3A_87 = arith.constant 0 : i32
      %dma_start3A_88 = arith.constant 0 : i32
      %dma_start3A_89 = tpu.memref_slice %arg6[%run_scoped3A, %dma_start3A_87, %dma_start3A_88] : memref<2x640x64xf32, #tpu.memory_space<vmem>> -> memref<1x640x64xf32, #tpu.memory_space<vmem>>
      %dma_start3A_90 = tpu.memref_squeeze %dma_start3A_89 : memref<1x640x64xf32, #tpu.memory_space<vmem>> -> memref<640x64xf32, #tpu.memory_space<vmem>>
      tpu.enqueue_dma source(%dma_start3A_90 : memref<640x64xf32, #tpu.memory_space<vmem>>) target(%dma_start3A_86 : memref<640x64xf32, #tpu.memory_space<hbm>>) target_semaphore(%run_scoped3A_78 : memref<!tpu.dma_semaphore, #tpu.memory_space<semaphore_mem>>)
      %dma_wait3A_91 = arith.constant 0 : i32
      %dma_wait3A_92 = arith.constant 0 : i32
      %dma_wait3A_93 = tpu.memref_slice %arg6[%run_scoped3A, %dma_wait3A_91, %dma_wait3A_92] : memref<2x640x64xf32, #tpu.memory_space<vmem>> -> memref<1x640x64xf32, #tpu.memory_space<vmem>>
      %dma_wait3A_94 = tpu.memref_squeeze %dma_wait3A_93 : memref<1x640x64xf32, #tpu.memory_space<vmem>> -> memref<640x64xf32, #tpu.memory_space<vmem>>
      %dma_wait3A_95 = arith.constant 0 : i32
      %dma_wait3A_96 = tpu.memref_slice %arg4[%mul3A_77, %dma_wait3A_95] : memref<20480x64xf32, #tpu.memory_space<hbm>> -> memref<640x64xf32, #tpu.memory_space<hbm>>
      %dma_wait3A_97 = arith.constant 0 : i32
      %dma_wait3A_98 = tpu.memref_slice %arg4[%mul3A_77, %dma_wait3A_97] : memref<20480x64xf32, #tpu.memory_space<hbm>> -> memref<640x64xf32, #tpu.memory_space<hbm>>
      %dma_wait3A_99 = arith.constant 0 : i32
      %dma_wait3A_100 = arith.constant 0 : i32
      %dma_wait3A_101 = tpu.memref_slice %arg6[%run_scoped3A, %dma_wait3A_99, %dma_wait3A_100] : memref<2x640x64xf32, #tpu.memory_space<vmem>> -> memref<1x640x64xf32, #tpu.memory_space<vmem>>
      %dma_wait3A_102 = tpu.memref_squeeze %dma_wait3A_101 : memref<1x640x64xf32, #tpu.memory_space<vmem>> -> memref<640x64xf32, #tpu.memory_space<vmem>>
      tpu.wait_dma2 semaphore(%run_scoped3A_78 : memref<!tpu.dma_semaphore, #tpu.memory_space<semaphore_mem>>) src(%dma_wait3A_102 : memref<640x64xf32, #tpu.memory_space<vmem>>) dst(%dma_wait3A_98 : memref<640x64xf32, #tpu.memory_space<hbm>>)
      tpu.yield
    }) : () -> ()
    return
  }
}

#map = affine_map<(d0, d1) -> (0, 0)>
module attributes {stable_mosaic.version = 14 : i64} {
  func.func @_emb_ur(%arg0: i32, %arg1: i32, %arg2: memref<1600x128xi32, #tpu.memory_space<hbm>>, %arg3: memref<100000x64xf32, #tpu.memory_space<hbm>>, %arg4: memref<204800x64xf32, #tpu.memory_space<hbm>>, %arg5: memref<50x128xi32, #tpu.memory_space<vmem>>, %arg6: memref<2x640x64xf32, #tpu.memory_space<vmem>>, %arg7: memref<!tpu.dma_semaphore, #tpu.memory_space<semaphore_mem>>, %arg8: memref<!tpu.dma_semaphore, #tpu.memory_space<semaphore_mem>>, %arg9: memref<!tpu.dma_semaphore, #tpu.memory_space<semaphore_mem>>, %arg10: memref<!tpu.dma_semaphore, #tpu.memory_space<semaphore_mem>>) attributes {dimension_semantics = [#tpu.dimension_semantics<core_parallel>, #tpu.dimension_semantics<subcore_parallel>], iteration_bounds = array<i64: 2, 16>, scalar_prefetch = 0 : i64, scratch_operands = 6 : i64, tpu.core_type = #tpu.core_type<sc_vector_subcore>, window_params = [{transform_indices = #map}, {transform_indices = #map}, {transform_indices = #map}]} {
    %mul3A = arith.constant 2 : i32
    %mul3A_0 = arith.muli %arg1, %mul3A : i32
    %add3A = arith.addi %mul3A_0, %arg0 : i32
    %mul3A_1 = arith.constant 50 : i32
    %mul3A_2 = arith.muli %add3A, %mul3A_1 : i32
    "tpu.region"() ({
      %run_scoped3A = tpu.sem_alloc : memref<!tpu.dma_semaphore, #tpu.memory_space<semaphore_mem>>
      %dma_start3A_216 = arith.constant 0 : i32
      %dma_start3A_217 = tpu.memref_slice %arg2[%mul3A_2, %dma_start3A_216] : memref<1600x128xi32, #tpu.memory_space<hbm>> -> memref<50x128xi32, #tpu.memory_space<hbm>>
      %dma_start3A_218 = arith.constant 0 : i32
      %dma_start3A_219 = tpu.memref_slice %arg2[%mul3A_2, %dma_start3A_218] : memref<1600x128xi32, #tpu.memory_space<hbm>> -> memref<50x128xi32, #tpu.memory_space<hbm>>
      tpu.enqueue_dma source(%dma_start3A_219 : memref<50x128xi32, #tpu.memory_space<hbm>>) target(%arg5 : memref<50x128xi32, #tpu.memory_space<vmem>>) target_semaphore(%run_scoped3A : memref<!tpu.dma_semaphore, #tpu.memory_space<semaphore_mem>>)
      %dma_wait3A_220 = arith.constant 0 : i32
      %dma_wait3A_221 = tpu.memref_slice %arg2[%mul3A_2, %dma_wait3A_220] : memref<1600x128xi32, #tpu.memory_space<hbm>> -> memref<50x128xi32, #tpu.memory_space<hbm>>
      %dma_wait3A_222 = arith.constant 0 : i32
      %dma_wait3A_223 = tpu.memref_slice %arg2[%mul3A_2, %dma_wait3A_222] : memref<1600x128xi32, #tpu.memory_space<hbm>> -> memref<50x128xi32, #tpu.memory_space<hbm>>
      tpu.wait_dma2 semaphore(%run_scoped3A : memref<!tpu.dma_semaphore, #tpu.memory_space<semaphore_mem>>) src(%dma_wait3A_223 : memref<50x128xi32, #tpu.memory_space<hbm>>) dst(%arg5 : memref<50x128xi32, #tpu.memory_space<vmem>>)
      tpu.yield
    }) : () -> ()
    %dma_start3A = arith.constant 0 : i32
    %dma_start3A_3 = arith.constant 0 : i32
    %dma_start3A_4 = arith.constant 0 : i32
    %dma_start3A_5 = arith.constant 0 : i32
    %dma_start3A_6 = tpu.memref_slice %arg6[%dma_start3A_3, %dma_start3A_4, %dma_start3A_5] : memref<2x640x64xf32, #tpu.memory_space<vmem>> -> memref<1x128x64xf32, #tpu.memory_space<vmem>>
    %dma_start3A_7 = tpu.memref_squeeze %dma_start3A_6 : memref<1x128x64xf32, #tpu.memory_space<vmem>> -> memref<128x64xf32, #tpu.memory_space<vmem>>
    %dma_start3A_8 = arith.constant 0 : i32
    %dma_start3A_9 = tpu.memref_slice %arg5[%dma_start3A, %dma_start3A_8] : memref<50x128xi32, #tpu.memory_space<vmem>> -> memref<1x128xi32, #tpu.memory_space<vmem>>
    %dma_start3A_10 = tpu.memref_squeeze %dma_start3A_9 : memref<1x128xi32, #tpu.memory_space<vmem>> -> memref<128xi32, #tpu.memory_space<vmem>>
    %dma_start3A_11 = arith.constant 0 : i32
    %dma_start3A_12 = arith.constant 0 : i32
    %dma_start3A_13 = tpu.memref_slice %arg3[%dma_start3A_11, %dma_start3A_12] : memref<100000x64xf32, #tpu.memory_space<hbm>> -> memref<100000x64xf32, #tpu.memory_space<hbm>>
    tpu.enqueue_indirect_dma source(%dma_start3A_13 : memref<100000x64xf32, #tpu.memory_space<hbm>>) target(%dma_start3A_7 : memref<128x64xf32, #tpu.memory_space<vmem>>) offsets(%dma_start3A_10 : memref<128xi32, #tpu.memory_space<vmem>>) semaphore(%arg7 : memref<!tpu.dma_semaphore, #tpu.memory_space<semaphore_mem>>)
    %dma_start3A_14 = arith.constant 1 : i32
    %dma_start3A_15 = arith.constant 0 : i32
    %dma_start3A_16 = arith.constant 128 : i32
    %dma_start3A_17 = arith.constant 0 : i32
    %dma_start3A_18 = tpu.memref_slice %arg6[%dma_start3A_15, %dma_start3A_16, %dma_start3A_17] : memref<2x640x64xf32, #tpu.memory_space<vmem>> -> memref<1x128x64xf32, #tpu.memory_space<vmem>>
    %dma_start3A_19 = tpu.memref_squeeze %dma_start3A_18 : memref<1x128x64xf32, #tpu.memory_space<vmem>> -> memref<128x64xf32, #tpu.memory_space<vmem>>
    %dma_start3A_20 = arith.constant 0 : i32
    %dma_start3A_21 = tpu.memref_slice %arg5[%dma_start3A_14, %dma_start3A_20] : memref<50x128xi32, #tpu.memory_space<vmem>> -> memref<1x128xi32, #tpu.memory_space<vmem>>
    %dma_start3A_22 = tpu.memref_squeeze %dma_start3A_21 : memref<1x128xi32, #tpu.memory_space<vmem>> -> memref<128xi32, #tpu.memory_space<vmem>>
    %dma_start3A_23 = arith.constant 0 : i32
    %dma_start3A_24 = arith.constant 0 : i32
    %dma_start3A_25 = tpu.memref_slice %arg3[%dma_start3A_23, %dma_start3A_24] : memref<100000x64xf32, #tpu.memory_space<hbm>> -> memref<100000x64xf32, #tpu.memory_space<hbm>>
    tpu.enqueue_indirect_dma source(%dma_start3A_25 : memref<100000x64xf32, #tpu.memory_space<hbm>>) target(%dma_start3A_19 : memref<128x64xf32, #tpu.memory_space<vmem>>) offsets(%dma_start3A_22 : memref<128xi32, #tpu.memory_space<vmem>>) semaphore(%arg7 : memref<!tpu.dma_semaphore, #tpu.memory_space<semaphore_mem>>)
    %dma_start3A_26 = arith.constant 2 : i32
    %dma_start3A_27 = arith.constant 0 : i32
    %dma_start3A_28 = arith.constant 256 : i32
    %dma_start3A_29 = arith.constant 0 : i32
    %dma_start3A_30 = tpu.memref_slice %arg6[%dma_start3A_27, %dma_start3A_28, %dma_start3A_29] : memref<2x640x64xf32, #tpu.memory_space<vmem>> -> memref<1x128x64xf32, #tpu.memory_space<vmem>>
    %dma_start3A_31 = tpu.memref_squeeze %dma_start3A_30 : memref<1x128x64xf32, #tpu.memory_space<vmem>> -> memref<128x64xf32, #tpu.memory_space<vmem>>
    %dma_start3A_32 = arith.constant 0 : i32
    %dma_start3A_33 = tpu.memref_slice %arg5[%dma_start3A_26, %dma_start3A_32] : memref<50x128xi32, #tpu.memory_space<vmem>> -> memref<1x128xi32, #tpu.memory_space<vmem>>
    %dma_start3A_34 = tpu.memref_squeeze %dma_start3A_33 : memref<1x128xi32, #tpu.memory_space<vmem>> -> memref<128xi32, #tpu.memory_space<vmem>>
    %dma_start3A_35 = arith.constant 0 : i32
    %dma_start3A_36 = arith.constant 0 : i32
    %dma_start3A_37 = tpu.memref_slice %arg3[%dma_start3A_35, %dma_start3A_36] : memref<100000x64xf32, #tpu.memory_space<hbm>> -> memref<100000x64xf32, #tpu.memory_space<hbm>>
    tpu.enqueue_indirect_dma source(%dma_start3A_37 : memref<100000x64xf32, #tpu.memory_space<hbm>>) target(%dma_start3A_31 : memref<128x64xf32, #tpu.memory_space<vmem>>) offsets(%dma_start3A_34 : memref<128xi32, #tpu.memory_space<vmem>>) semaphore(%arg7 : memref<!tpu.dma_semaphore, #tpu.memory_space<semaphore_mem>>)
    %dma_start3A_38 = arith.constant 3 : i32
    %dma_start3A_39 = arith.constant 0 : i32
    %dma_start3A_40 = arith.constant 384 : i32
    %dma_start3A_41 = arith.constant 0 : i32
    %dma_start3A_42 = tpu.memref_slice %arg6[%dma_start3A_39, %dma_start3A_40, %dma_start3A_41] : memref<2x640x64xf32, #tpu.memory_space<vmem>> -> memref<1x128x64xf32, #tpu.memory_space<vmem>>
    %dma_start3A_43 = tpu.memref_squeeze %dma_start3A_42 : memref<1x128x64xf32, #tpu.memory_space<vmem>> -> memref<128x64xf32, #tpu.memory_space<vmem>>
    %dma_start3A_44 = arith.constant 0 : i32
    %dma_start3A_45 = tpu.memref_slice %arg5[%dma_start3A_38, %dma_start3A_44] : memref<50x128xi32, #tpu.memory_space<vmem>> -> memref<1x128xi32, #tpu.memory_space<vmem>>
    %dma_start3A_46 = tpu.memref_squeeze %dma_start3A_45 : memref<1x128xi32, #tpu.memory_space<vmem>> -> memref<128xi32, #tpu.memory_space<vmem>>
    %dma_start3A_47 = arith.constant 0 : i32
    %dma_start3A_48 = arith.constant 0 : i32
    %dma_start3A_49 = tpu.memref_slice %arg3[%dma_start3A_47, %dma_start3A_48] : memref<100000x64xf32, #tpu.memory_space<hbm>> -> memref<100000x64xf32, #tpu.memory_space<hbm>>
    tpu.enqueue_indirect_dma source(%dma_start3A_49 : memref<100000x64xf32, #tpu.memory_space<hbm>>) target(%dma_start3A_43 : memref<128x64xf32, #tpu.memory_space<vmem>>) offsets(%dma_start3A_46 : memref<128xi32, #tpu.memory_space<vmem>>) semaphore(%arg7 : memref<!tpu.dma_semaphore, #tpu.memory_space<semaphore_mem>>)
    %dma_start3A_50 = arith.constant 4 : i32
    %dma_start3A_51 = arith.constant 0 : i32
    %dma_start3A_52 = arith.constant 512 : i32
    %dma_start3A_53 = arith.constant 0 : i32
    %dma_start3A_54 = tpu.memref_slice %arg6[%dma_start3A_51, %dma_start3A_52, %dma_start3A_53] : memref<2x640x64xf32, #tpu.memory_space<vmem>> -> memref<1x128x64xf32, #tpu.memory_space<vmem>>
    %dma_start3A_55 = tpu.memref_squeeze %dma_start3A_54 : memref<1x128x64xf32, #tpu.memory_space<vmem>> -> memref<128x64xf32, #tpu.memory_space<vmem>>
    %dma_start3A_56 = arith.constant 0 : i32
    %dma_start3A_57 = tpu.memref_slice %arg5[%dma_start3A_50, %dma_start3A_56] : memref<50x128xi32, #tpu.memory_space<vmem>> -> memref<1x128xi32, #tpu.memory_space<vmem>>
    %dma_start3A_58 = tpu.memref_squeeze %dma_start3A_57 : memref<1x128xi32, #tpu.memory_space<vmem>> -> memref<128xi32, #tpu.memory_space<vmem>>
    %dma_start3A_59 = arith.constant 0 : i32
    %dma_start3A_60 = arith.constant 0 : i32
    %dma_start3A_61 = tpu.memref_slice %arg3[%dma_start3A_59, %dma_start3A_60] : memref<100000x64xf32, #tpu.memory_space<hbm>> -> memref<100000x64xf32, #tpu.memory_space<hbm>>
    tpu.enqueue_indirect_dma source(%dma_start3A_61 : memref<100000x64xf32, #tpu.memory_space<hbm>>) target(%dma_start3A_55 : memref<128x64xf32, #tpu.memory_space<vmem>>) offsets(%dma_start3A_58 : memref<128xi32, #tpu.memory_space<vmem>>) semaphore(%arg7 : memref<!tpu.dma_semaphore, #tpu.memory_space<semaphore_mem>>)
    %dma_start3A_62 = arith.constant 5 : i32
    %dma_start3A_63 = arith.constant 1 : i32
    %dma_start3A_64 = arith.constant 0 : i32
    %dma_start3A_65 = arith.constant 0 : i32
    %dma_start3A_66 = tpu.memref_slice %arg6[%dma_start3A_63, %dma_start3A_64, %dma_start3A_65] : memref<2x640x64xf32, #tpu.memory_space<vmem>> -> memref<1x128x64xf32, #tpu.memory_space<vmem>>
    %dma_start3A_67 = tpu.memref_squeeze %dma_start3A_66 : memref<1x128x64xf32, #tpu.memory_space<vmem>> -> memref<128x64xf32, #tpu.memory_space<vmem>>
    %dma_start3A_68 = arith.constant 0 : i32
    %dma_start3A_69 = tpu.memref_slice %arg5[%dma_start3A_62, %dma_start3A_68] : memref<50x128xi32, #tpu.memory_space<vmem>> -> memref<1x128xi32, #tpu.memory_space<vmem>>
    %dma_start3A_70 = tpu.memref_squeeze %dma_start3A_69 : memref<1x128xi32, #tpu.memory_space<vmem>> -> memref<128xi32, #tpu.memory_space<vmem>>
    %dma_start3A_71 = arith.constant 0 : i32
    %dma_start3A_72 = arith.constant 0 : i32
    %dma_start3A_73 = tpu.memref_slice %arg3[%dma_start3A_71, %dma_start3A_72] : memref<100000x64xf32, #tpu.memory_space<hbm>> -> memref<100000x64xf32, #tpu.memory_space<hbm>>
    tpu.enqueue_indirect_dma source(%dma_start3A_73 : memref<100000x64xf32, #tpu.memory_space<hbm>>) target(%dma_start3A_67 : memref<128x64xf32, #tpu.memory_space<vmem>>) offsets(%dma_start3A_70 : memref<128xi32, #tpu.memory_space<vmem>>) semaphore(%arg8 : memref<!tpu.dma_semaphore, #tpu.memory_space<semaphore_mem>>)
    %dma_start3A_74 = arith.constant 6 : i32
    %dma_start3A_75 = arith.constant 1 : i32
    %dma_start3A_76 = arith.constant 128 : i32
    %dma_start3A_77 = arith.constant 0 : i32
    %dma_start3A_78 = tpu.memref_slice %arg6[%dma_start3A_75, %dma_start3A_76, %dma_start3A_77] : memref<2x640x64xf32, #tpu.memory_space<vmem>> -> memref<1x128x64xf32, #tpu.memory_space<vmem>>
    %dma_start3A_79 = tpu.memref_squeeze %dma_start3A_78 : memref<1x128x64xf32, #tpu.memory_space<vmem>> -> memref<128x64xf32, #tpu.memory_space<vmem>>
    %dma_start3A_80 = arith.constant 0 : i32
    %dma_start3A_81 = tpu.memref_slice %arg5[%dma_start3A_74, %dma_start3A_80] : memref<50x128xi32, #tpu.memory_space<vmem>> -> memref<1x128xi32, #tpu.memory_space<vmem>>
    %dma_start3A_82 = tpu.memref_squeeze %dma_start3A_81 : memref<1x128xi32, #tpu.memory_space<vmem>> -> memref<128xi32, #tpu.memory_space<vmem>>
    %dma_start3A_83 = arith.constant 0 : i32
    %dma_start3A_84 = arith.constant 0 : i32
    %dma_start3A_85 = tpu.memref_slice %arg3[%dma_start3A_83, %dma_start3A_84] : memref<100000x64xf32, #tpu.memory_space<hbm>> -> memref<100000x64xf32, #tpu.memory_space<hbm>>
    tpu.enqueue_indirect_dma source(%dma_start3A_85 : memref<100000x64xf32, #tpu.memory_space<hbm>>) target(%dma_start3A_79 : memref<128x64xf32, #tpu.memory_space<vmem>>) offsets(%dma_start3A_82 : memref<128xi32, #tpu.memory_space<vmem>>) semaphore(%arg8 : memref<!tpu.dma_semaphore, #tpu.memory_space<semaphore_mem>>)
    %dma_start3A_86 = arith.constant 7 : i32
    %dma_start3A_87 = arith.constant 1 : i32
    %dma_start3A_88 = arith.constant 256 : i32
    %dma_start3A_89 = arith.constant 0 : i32
    %dma_start3A_90 = tpu.memref_slice %arg6[%dma_start3A_87, %dma_start3A_88, %dma_start3A_89] : memref<2x640x64xf32, #tpu.memory_space<vmem>> -> memref<1x128x64xf32, #tpu.memory_space<vmem>>
    %dma_start3A_91 = tpu.memref_squeeze %dma_start3A_90 : memref<1x128x64xf32, #tpu.memory_space<vmem>> -> memref<128x64xf32, #tpu.memory_space<vmem>>
    %dma_start3A_92 = arith.constant 0 : i32
    %dma_start3A_93 = tpu.memref_slice %arg5[%dma_start3A_86, %dma_start3A_92] : memref<50x128xi32, #tpu.memory_space<vmem>> -> memref<1x128xi32, #tpu.memory_space<vmem>>
    %dma_start3A_94 = tpu.memref_squeeze %dma_start3A_93 : memref<1x128xi32, #tpu.memory_space<vmem>> -> memref<128xi32, #tpu.memory_space<vmem>>
    %dma_start3A_95 = arith.constant 0 : i32
    %dma_start3A_96 = arith.constant 0 : i32
    %dma_start3A_97 = tpu.memref_slice %arg3[%dma_start3A_95, %dma_start3A_96] : memref<100000x64xf32, #tpu.memory_space<hbm>> -> memref<100000x64xf32, #tpu.memory_space<hbm>>
    tpu.enqueue_indirect_dma source(%dma_start3A_97 : memref<100000x64xf32, #tpu.memory_space<hbm>>) target(%dma_start3A_91 : memref<128x64xf32, #tpu.memory_space<vmem>>) offsets(%dma_start3A_94 : memref<128xi32, #tpu.memory_space<vmem>>) semaphore(%arg8 : memref<!tpu.dma_semaphore, #tpu.memory_space<semaphore_mem>>)
    %dma_start3A_98 = arith.constant 8 : i32
    %dma_start3A_99 = arith.constant 1 : i32
    %dma_start3A_100 = arith.constant 384 : i32
    %dma_start3A_101 = arith.constant 0 : i32
    %dma_start3A_102 = tpu.memref_slice %arg6[%dma_start3A_99, %dma_start3A_100, %dma_start3A_101] : memref<2x640x64xf32, #tpu.memory_space<vmem>> -> memref<1x128x64xf32, #tpu.memory_space<vmem>>
    %dma_start3A_103 = tpu.memref_squeeze %dma_start3A_102 : memref<1x128x64xf32, #tpu.memory_space<vmem>> -> memref<128x64xf32, #tpu.memory_space<vmem>>
    %dma_start3A_104 = arith.constant 0 : i32
    %dma_start3A_105 = tpu.memref_slice %arg5[%dma_start3A_98, %dma_start3A_104] : memref<50x128xi32, #tpu.memory_space<vmem>> -> memref<1x128xi32, #tpu.memory_space<vmem>>
    %dma_start3A_106 = tpu.memref_squeeze %dma_start3A_105 : memref<1x128xi32, #tpu.memory_space<vmem>> -> memref<128xi32, #tpu.memory_space<vmem>>
    %dma_start3A_107 = arith.constant 0 : i32
    %dma_start3A_108 = arith.constant 0 : i32
    %dma_start3A_109 = tpu.memref_slice %arg3[%dma_start3A_107, %dma_start3A_108] : memref<100000x64xf32, #tpu.memory_space<hbm>> -> memref<100000x64xf32, #tpu.memory_space<hbm>>
    tpu.enqueue_indirect_dma source(%dma_start3A_109 : memref<100000x64xf32, #tpu.memory_space<hbm>>) target(%dma_start3A_103 : memref<128x64xf32, #tpu.memory_space<vmem>>) offsets(%dma_start3A_106 : memref<128xi32, #tpu.memory_space<vmem>>) semaphore(%arg8 : memref<!tpu.dma_semaphore, #tpu.memory_space<semaphore_mem>>)
    %dma_start3A_110 = arith.constant 9 : i32
    %dma_start3A_111 = arith.constant 1 : i32
    %dma_start3A_112 = arith.constant 512 : i32
    %dma_start3A_113 = arith.constant 0 : i32
    %dma_start3A_114 = tpu.memref_slice %arg6[%dma_start3A_111, %dma_start3A_112, %dma_start3A_113] : memref<2x640x64xf32, #tpu.memory_space<vmem>> -> memref<1x128x64xf32, #tpu.memory_space<vmem>>
    %dma_start3A_115 = tpu.memref_squeeze %dma_start3A_114 : memref<1x128x64xf32, #tpu.memory_space<vmem>> -> memref<128x64xf32, #tpu.memory_space<vmem>>
    %dma_start3A_116 = arith.constant 0 : i32
    %dma_start3A_117 = tpu.memref_slice %arg5[%dma_start3A_110, %dma_start3A_116] : memref<50x128xi32, #tpu.memory_space<vmem>> -> memref<1x128xi32, #tpu.memory_space<vmem>>
    %dma_start3A_118 = tpu.memref_squeeze %dma_start3A_117 : memref<1x128xi32, #tpu.memory_space<vmem>> -> memref<128xi32, #tpu.memory_space<vmem>>
    %dma_start3A_119 = arith.constant 0 : i32
    %dma_start3A_120 = arith.constant 0 : i32
    %dma_start3A_121 = tpu.memref_slice %arg3[%dma_start3A_119, %dma_start3A_120] : memref<100000x64xf32, #tpu.memory_space<hbm>> -> memref<100000x64xf32, #tpu.memory_space<hbm>>
    tpu.enqueue_indirect_dma source(%dma_start3A_121 : memref<100000x64xf32, #tpu.memory_space<hbm>>) target(%dma_start3A_115 : memref<128x64xf32, #tpu.memory_space<vmem>>) offsets(%dma_start3A_118 : memref<128xi32, #tpu.memory_space<vmem>>) semaphore(%arg8 : memref<!tpu.dma_semaphore, #tpu.memory_space<semaphore_mem>>)
    %scan3A = arith.constant 0 : i32
    %scan3A_122 = arith.constant 0 : i32
    %scan3A_123 = arith.constant 4 : i32
    %scan3A_124 = arith.addi %scan3A_122, %scan3A_123 : i32
    %scan3A_125 = arith.constant 1 : i32
    scf.for %scan3A_216 = %scan3A_122 to %scan3A_124 step %scan3A_125  : i32 {
      %mul3A_217 = arith.constant 2 : i32
      %mul3A_218 = arith.muli %mul3A_217, %scan3A_216 : i32
      %add3A_219 = arith.constant 0 : i32
      %add3A_220 = arith.addi %mul3A_218, %add3A_219 : i32
      %dma_wait3A_221 = arith.constant 0 : i32
      %dma_wait3A_222 = arith.constant 0 : i32
      %dma_wait3A_223 = arith.constant 0 : i32
      %dma_wait3A_224 = tpu.memref_slice %arg6[%dma_wait3A_221, %dma_wait3A_222, %dma_wait3A_223] : memref<2x640x64xf32, #tpu.memory_space<vmem>> -> memref<1x640x64xf32, #tpu.memory_space<vmem>>
      %dma_wait3A_225 = tpu.memref_squeeze %dma_wait3A_224 : memref<1x640x64xf32, #tpu.memory_space<vmem>> -> memref<640x64xf32, #tpu.memory_space<vmem>>
      %dma_wait3A_226 = arith.constant 0 : i32
      %dma_wait3A_227 = arith.constant 0 : i32
      %dma_wait3A_228 = tpu.memref_slice %arg3[%dma_wait3A_226, %dma_wait3A_227] : memref<100000x64xf32, #tpu.memory_space<hbm>> -> memref<640x64xf32, #tpu.memory_space<hbm>>
      %dma_wait3A_229 = arith.constant 0 : i32
      %dma_wait3A_230 = arith.constant 0 : i32
      %dma_wait3A_231 = tpu.memref_slice %arg6[%dma_wait3A_221, %dma_wait3A_229, %dma_wait3A_230] : memref<2x640x64xf32, #tpu.memory_space<vmem>> -> memref<1x640x64xf32, #tpu.memory_space<vmem>>
      %dma_wait3A_232 = tpu.memref_squeeze %dma_wait3A_231 : memref<1x640x64xf32, #tpu.memory_space<vmem>> -> memref<640x64xf32, #tpu.memory_space<vmem>>
      %dma_wait3A_233 = arith.constant 0 : i32
      %dma_wait3A_234 = arith.constant 0 : i32
      %dma_wait3A_235 = tpu.memref_slice %arg3[%dma_wait3A_233, %dma_wait3A_234] : memref<100000x64xf32, #tpu.memory_space<hbm>> -> memref<640x64xf32, #tpu.memory_space<hbm>>
      tpu.wait_dma2 semaphore(%arg7 : memref<!tpu.dma_semaphore, #tpu.memory_space<semaphore_mem>>) src(%dma_wait3A_235 : memref<640x64xf32, #tpu.memory_space<hbm>>) dst(%dma_wait3A_232 : memref<640x64xf32, #tpu.memory_space<vmem>>)
      %mul3A_236 = arith.constant 6400 : i32
      %mul3A_237 = arith.muli %add3A, %mul3A_236 : i32
      %mul3A_238 = arith.constant 640 : i32
      %mul3A_239 = arith.muli %add3A_220, %mul3A_238 : i32
      %add3A_240 = arith.addi %mul3A_237, %mul3A_239 : i32
      %dma_start3A_241 = arith.constant 0 : i32
      %dma_start3A_242 = arith.constant 0 : i32
      %dma_start3A_243 = arith.constant 0 : i32
      %dma_start3A_244 = tpu.memref_slice %arg6[%dma_start3A_241, %dma_start3A_242, %dma_start3A_243] : memref<2x640x64xf32, #tpu.memory_space<vmem>> -> memref<1x640x64xf32, #tpu.memory_space<vmem>>
      %dma_start3A_245 = tpu.memref_squeeze %dma_start3A_244 : memref<1x640x64xf32, #tpu.memory_space<vmem>> -> memref<640x64xf32, #tpu.memory_space<vmem>>
      %dma_start3A_246 = arith.constant 0 : i32
      %dma_start3A_247 = tpu.memref_slice %arg4[%add3A_240, %dma_start3A_246] : memref<204800x64xf32, #tpu.memory_space<hbm>> -> memref<640x64xf32, #tpu.memory_space<hbm>>
      %dma_start3A_248 = arith.constant 0 : i32
      %dma_start3A_249 = tpu.memref_slice %arg4[%add3A_240, %dma_start3A_248] : memref<204800x64xf32, #tpu.memory_space<hbm>> -> memref<640x64xf32, #tpu.memory_space<hbm>>
      %dma_start3A_250 = arith.constant 0 : i32
      %dma_start3A_251 = arith.constant 0 : i32
      %dma_start3A_252 = tpu.memref_slice %arg6[%dma_start3A_241, %dma_start3A_250, %dma_start3A_251] : memref<2x640x64xf32, #tpu.memory_space<vmem>> -> memref<1x640x64xf32, #tpu.memory_space<vmem>>
      %dma_start3A_253 = tpu.memref_squeeze %dma_start3A_252 : memref<1x640x64xf32, #tpu.memory_space<vmem>> -> memref<640x64xf32, #tpu.memory_space<vmem>>
      tpu.enqueue_dma source(%dma_start3A_253 : memref<640x64xf32, #tpu.memory_space<vmem>>) target(%dma_start3A_249 : memref<640x64xf32, #tpu.memory_space<hbm>>) target_semaphore(%arg9 : memref<!tpu.dma_semaphore, #tpu.memory_space<semaphore_mem>>)
      %dma_wait3A_254 = arith.constant 0 : i32
      %dma_wait3A_255 = arith.constant 0 : i32
      %dma_wait3A_256 = arith.constant 0 : i32
      %dma_wait3A_257 = tpu.memref_slice %arg6[%dma_wait3A_254, %dma_wait3A_255, %dma_wait3A_256] : memref<2x640x64xf32, #tpu.memory_space<vmem>> -> memref<1x640x64xf32, #tpu.memory_space<vmem>>
      %dma_wait3A_258 = tpu.memref_squeeze %dma_wait3A_257 : memref<1x640x64xf32, #tpu.memory_space<vmem>> -> memref<640x64xf32, #tpu.memory_space<vmem>>
      %dma_wait3A_259 = arith.constant 0 : i32
      %dma_wait3A_260 = tpu.memref_slice %arg4[%add3A_240, %dma_wait3A_259] : memref<204800x64xf32, #tpu.memory_space<hbm>> -> memref<640x64xf32, #tpu.memory_space<hbm>>
      %dma_wait3A_261 = arith.constant 0 : i32
      %dma_wait3A_262 = tpu.memref_slice %arg4[%add3A_240, %dma_wait3A_261] : memref<204800x64xf32, #tpu.memory_space<hbm>> -> memref<640x64xf32, #tpu.memory_space<hbm>>
      %dma_wait3A_263 = arith.constant 0 : i32
      %dma_wait3A_264 = arith.constant 0 : i32
      %dma_wait3A_265 = tpu.memref_slice %arg6[%dma_wait3A_254, %dma_wait3A_263, %dma_wait3A_264] : memref<2x640x64xf32, #tpu.memory_space<vmem>> -> memref<1x640x64xf32, #tpu.memory_space<vmem>>
      %dma_wait3A_266 = tpu.memref_squeeze %dma_wait3A_265 : memref<1x640x64xf32, #tpu.memory_space<vmem>> -> memref<640x64xf32, #tpu.memory_space<vmem>>
      tpu.wait_dma2 semaphore(%arg9 : memref<!tpu.dma_semaphore, #tpu.memory_space<semaphore_mem>>) src(%dma_wait3A_266 : memref<640x64xf32, #tpu.memory_space<vmem>>) dst(%dma_wait3A_262 : memref<640x64xf32, #tpu.memory_space<hbm>>)
      %add3A_267 = arith.constant 2 : i32
      %add3A_268 = arith.addi %add3A_220, %add3A_267 : i32
      %mul3A_269 = arith.constant 5 : i32
      %mul3A_270 = arith.muli %add3A_268, %mul3A_269 : i32
      %add3A_271 = arith.constant 0 : i32
      %add3A_272 = arith.addi %mul3A_270, %add3A_271 : i32
      %dma_start3A_273 = arith.constant 0 : i32
      %dma_start3A_274 = arith.constant 0 : i32
      %dma_start3A_275 = arith.constant 0 : i32
      %dma_start3A_276 = tpu.memref_slice %arg6[%dma_start3A_273, %dma_start3A_274, %dma_start3A_275] : memref<2x640x64xf32, #tpu.memory_space<vmem>> -> memref<1x128x64xf32, #tpu.memory_space<vmem>>
      %dma_start3A_277 = tpu.memref_squeeze %dma_start3A_276 : memref<1x128x64xf32, #tpu.memory_space<vmem>> -> memref<128x64xf32, #tpu.memory_space<vmem>>
      %dma_start3A_278 = arith.constant 0 : i32
      %dma_start3A_279 = tpu.memref_slice %arg5[%add3A_272, %dma_start3A_278] : memref<50x128xi32, #tpu.memory_space<vmem>> -> memref<1x128xi32, #tpu.memory_space<vmem>>
      %dma_start3A_280 = tpu.memref_squeeze %dma_start3A_279 : memref<1x128xi32, #tpu.memory_space<vmem>> -> memref<128xi32, #tpu.memory_space<vmem>>
      %dma_start3A_281 = arith.constant 0 : i32
      %dma_start3A_282 = arith.constant 0 : i32
      %dma_start3A_283 = tpu.memref_slice %arg3[%dma_start3A_281, %dma_start3A_282] : memref<100000x64xf32, #tpu.memory_space<hbm>> -> memref<100000x64xf32, #tpu.memory_space<hbm>>
      tpu.enqueue_indirect_dma source(%dma_start3A_283 : memref<100000x64xf32, #tpu.memory_space<hbm>>) target(%dma_start3A_277 : memref<128x64xf32, #tpu.memory_space<vmem>>) offsets(%dma_start3A_280 : memref<128xi32, #tpu.memory_space<vmem>>) semaphore(%arg7 : memref<!tpu.dma_semaphore, #tpu.memory_space<semaphore_mem>>)
      %mul3A_284 = arith.constant 5 : i32
      %mul3A_285 = arith.muli %add3A_268, %mul3A_284 : i32
      %add3A_286 = arith.constant 1 : i32
      %add3A_287 = arith.addi %mul3A_285, %add3A_286 : i32
      %dma_start3A_288 = arith.constant 0 : i32
      %dma_start3A_289 = arith.constant 128 : i32
      %dma_start3A_290 = arith.constant 0 : i32
      %dma_start3A_291 = tpu.memref_slice %arg6[%dma_start3A_288, %dma_start3A_289, %dma_start3A_290] : memref<2x640x64xf32, #tpu.memory_space<vmem>> -> memref<1x128x64xf32, #tpu.memory_space<vmem>>
      %dma_start3A_292 = tpu.memref_squeeze %dma_start3A_291 : memref<1x128x64xf32, #tpu.memory_space<vmem>> -> memref<128x64xf32, #tpu.memory_space<vmem>>
      %dma_start3A_293 = arith.constant 0 : i32
      %dma_start3A_294 = tpu.memref_slice %arg5[%add3A_287, %dma_start3A_293] : memref<50x128xi32, #tpu.memory_space<vmem>> -> memref<1x128xi32, #tpu.memory_space<vmem>>
      %dma_start3A_295 = tpu.memref_squeeze %dma_start3A_294 : memref<1x128xi32, #tpu.memory_space<vmem>> -> memref<128xi32, #tpu.memory_space<vmem>>
      %dma_start3A_296 = arith.constant 0 : i32
      %dma_start3A_297 = arith.constant 0 : i32
      %dma_start3A_298 = tpu.memref_slice %arg3[%dma_start3A_296, %dma_start3A_297] : memref<100000x64xf32, #tpu.memory_space<hbm>> -> memref<100000x64xf32, #tpu.memory_space<hbm>>
      tpu.enqueue_indirect_dma source(%dma_start3A_298 : memref<100000x64xf32, #tpu.memory_space<hbm>>) target(%dma_start3A_292 : memref<128x64xf32, #tpu.memory_space<vmem>>) offsets(%dma_start3A_295 : memref<128xi32, #tpu.memory_space<vmem>>) semaphore(%arg7 : memref<!tpu.dma_semaphore, #tpu.memory_space<semaphore_mem>>)
      %mul3A_299 = arith.constant 5 : i32
      %mul3A_300 = arith.muli %add3A_268, %mul3A_299 : i32
      %add3A_301 = arith.constant 2 : i32
      %add3A_302 = arith.addi %mul3A_300, %add3A_301 : i32
      %dma_start3A_303 = arith.constant 0 : i32
      %dma_start3A_304 = arith.constant 256 : i32
      %dma_start3A_305 = arith.constant 0 : i32
      %dma_start3A_306 = tpu.memref_slice %arg6[%dma_start3A_303, %dma_start3A_304, %dma_start3A_305] : memref<2x640x64xf32, #tpu.memory_space<vmem>> -> memref<1x128x64xf32, #tpu.memory_space<vmem>>
      %dma_start3A_307 = tpu.memref_squeeze %dma_start3A_306 : memref<1x128x64xf32, #tpu.memory_space<vmem>> -> memref<128x64xf32, #tpu.memory_space<vmem>>
      %dma_start3A_308 = arith.constant 0 : i32
      %dma_start3A_309 = tpu.memref_slice %arg5[%add3A_302, %dma_start3A_308] : memref<50x128xi32, #tpu.memory_space<vmem>> -> memref<1x128xi32, #tpu.memory_space<vmem>>
      %dma_start3A_310 = tpu.memref_squeeze %dma_start3A_309 : memref<1x128xi32, #tpu.memory_space<vmem>> -> memref<128xi32, #tpu.memory_space<vmem>>
      %dma_start3A_311 = arith.constant 0 : i32
      %dma_start3A_312 = arith.constant 0 : i32
      %dma_start3A_313 = tpu.memref_slice %arg3[%dma_start3A_311, %dma_start3A_312] : memref<100000x64xf32, #tpu.memory_space<hbm>> -> memref<100000x64xf32, #tpu.memory_space<hbm>>
      tpu.enqueue_indirect_dma source(%dma_start3A_313 : memref<100000x64xf32, #tpu.memory_space<hbm>>) target(%dma_start3A_307 : memref<128x64xf32, #tpu.memory_space<vmem>>) offsets(%dma_start3A_310 : memref<128xi32, #tpu.memory_space<vmem>>) semaphore(%arg7 : memref<!tpu.dma_semaphore, #tpu.memory_space<semaphore_mem>>)
      %mul3A_314 = arith.constant 5 : i32
      %mul3A_315 = arith.muli %add3A_268, %mul3A_314 : i32
      %add3A_316 = arith.constant 3 : i32
      %add3A_317 = arith.addi %mul3A_315, %add3A_316 : i32
      %dma_start3A_318 = arith.constant 0 : i32
      %dma_start3A_319 = arith.constant 384 : i32
      %dma_start3A_320 = arith.constant 0 : i32
      %dma_start3A_321 = tpu.memref_slice %arg6[%dma_start3A_318, %dma_start3A_319, %dma_start3A_320] : memref<2x640x64xf32, #tpu.memory_space<vmem>> -> memref<1x128x64xf32, #tpu.memory_space<vmem>>
      %dma_start3A_322 = tpu.memref_squeeze %dma_start3A_321 : memref<1x128x64xf32, #tpu.memory_space<vmem>> -> memref<128x64xf32, #tpu.memory_space<vmem>>
      %dma_start3A_323 = arith.constant 0 : i32
      %dma_start3A_324 = tpu.memref_slice %arg5[%add3A_317, %dma_start3A_323] : memref<50x128xi32, #tpu.memory_space<vmem>> -> memref<1x128xi32, #tpu.memory_space<vmem>>
      %dma_start3A_325 = tpu.memref_squeeze %dma_start3A_324 : memref<1x128xi32, #tpu.memory_space<vmem>> -> memref<128xi32, #tpu.memory_space<vmem>>
      %dma_start3A_326 = arith.constant 0 : i32
      %dma_start3A_327 = arith.constant 0 : i32
      %dma_start3A_328 = tpu.memref_slice %arg3[%dma_start3A_326, %dma_start3A_327] : memref<100000x64xf32, #tpu.memory_space<hbm>> -> memref<100000x64xf32, #tpu.memory_space<hbm>>
      tpu.enqueue_indirect_dma source(%dma_start3A_328 : memref<100000x64xf32, #tpu.memory_space<hbm>>) target(%dma_start3A_322 : memref<128x64xf32, #tpu.memory_space<vmem>>) offsets(%dma_start3A_325 : memref<128xi32, #tpu.memory_space<vmem>>) semaphore(%arg7 : memref<!tpu.dma_semaphore, #tpu.memory_space<semaphore_mem>>)
      %mul3A_329 = arith.constant 5 : i32
      %mul3A_330 = arith.muli %add3A_268, %mul3A_329 : i32
      %add3A_331 = arith.constant 4 : i32
      %add3A_332 = arith.addi %mul3A_330, %add3A_331 : i32
      %dma_start3A_333 = arith.constant 0 : i32
      %dma_start3A_334 = arith.constant 512 : i32
      %dma_start3A_335 = arith.constant 0 : i32
      %dma_start3A_336 = tpu.memref_slice %arg6[%dma_start3A_333, %dma_start3A_334, %dma_start3A_335] : memref<2x640x64xf32, #tpu.memory_space<vmem>> -> memref<1x128x64xf32, #tpu.memory_space<vmem>>
      %dma_start3A_337 = tpu.memref_squeeze %dma_start3A_336 : memref<1x128x64xf32, #tpu.memory_space<vmem>> -> memref<128x64xf32, #tpu.memory_space<vmem>>
      %dma_start3A_338 = arith.constant 0 : i32
      %dma_start3A_339 = tpu.memref_slice %arg5[%add3A_332, %dma_start3A_338] : memref<50x128xi32, #tpu.memory_space<vmem>> -> memref<1x128xi32, #tpu.memory_space<vmem>>
      %dma_start3A_340 = tpu.memref_squeeze %dma_start3A_339 : memref<1x128xi32, #tpu.memory_space<vmem>> -> memref<128xi32, #tpu.memory_space<vmem>>
      %dma_start3A_341 = arith.constant 0 : i32
      %dma_start3A_342 = arith.constant 0 : i32
      %dma_start3A_343 = tpu.memref_slice %arg3[%dma_start3A_341, %dma_start3A_342] : memref<100000x64xf32, #tpu.memory_space<hbm>> -> memref<100000x64xf32, #tpu.memory_space<hbm>>
      tpu.enqueue_indirect_dma source(%dma_start3A_343 : memref<100000x64xf32, #tpu.memory_space<hbm>>) target(%dma_start3A_337 : memref<128x64xf32, #tpu.memory_space<vmem>>) offsets(%dma_start3A_340 : memref<128xi32, #tpu.memory_space<vmem>>) semaphore(%arg7 : memref<!tpu.dma_semaphore, #tpu.memory_space<semaphore_mem>>)
      %mul3A_344 = arith.constant 2 : i32
      %mul3A_345 = arith.muli %mul3A_344, %scan3A_216 : i32
      %add3A_346 = arith.constant 1 : i32
      %add3A_347 = arith.addi %mul3A_345, %add3A_346 : i32
      %dma_wait3A_348 = arith.constant 1 : i32
      %dma_wait3A_349 = arith.constant 0 : i32
      %dma_wait3A_350 = arith.constant 0 : i32
      %dma_wait3A_351 = tpu.memref_slice %arg6[%dma_wait3A_348, %dma_wait3A_349, %dma_wait3A_350] : memref<2x640x64xf32, #tpu.memory_space<vmem>> -> memref<1x640x64xf32, #tpu.memory_space<vmem>>
      %dma_wait3A_352 = tpu.memref_squeeze %dma_wait3A_351 : memref<1x640x64xf32, #tpu.memory_space<vmem>> -> memref<640x64xf32, #tpu.memory_space<vmem>>
      %dma_wait3A_353 = arith.constant 0 : i32
      %dma_wait3A_354 = arith.constant 0 : i32
      %dma_wait3A_355 = tpu.memref_slice %arg3[%dma_wait3A_353, %dma_wait3A_354] : memref<100000x64xf32, #tpu.memory_space<hbm>> -> memref<640x64xf32, #tpu.memory_space<hbm>>
      %dma_wait3A_356 = arith.constant 0 : i32
      %dma_wait3A_357 = arith.constant 0 : i32
      %dma_wait3A_358 = tpu.memref_slice %arg6[%dma_wait3A_348, %dma_wait3A_356, %dma_wait3A_357] : memref<2x640x64xf32, #tpu.memory_space<vmem>> -> memref<1x640x64xf32, #tpu.memory_space<vmem>>
      %dma_wait3A_359 = tpu.memref_squeeze %dma_wait3A_358 : memref<1x640x64xf32, #tpu.memory_space<vmem>> -> memref<640x64xf32, #tpu.memory_space<vmem>>
      %dma_wait3A_360 = arith.constant 0 : i32
      %dma_wait3A_361 = arith.constant 0 : i32
      %dma_wait3A_362 = tpu.memref_slice %arg3[%dma_wait3A_360, %dma_wait3A_361] : memref<100000x64xf32, #tpu.memory_space<hbm>> -> memref<640x64xf32, #tpu.memory_space<hbm>>
      tpu.wait_dma2 semaphore(%arg8 : memref<!tpu.dma_semaphore, #tpu.memory_space<semaphore_mem>>) src(%dma_wait3A_362 : memref<640x64xf32, #tpu.memory_space<hbm>>) dst(%dma_wait3A_359 : memref<640x64xf32, #tpu.memory_space<vmem>>)
      %mul3A_363 = arith.constant 6400 : i32
      %mul3A_364 = arith.muli %add3A, %mul3A_363 : i32
      %mul3A_365 = arith.constant 640 : i32
      %mul3A_366 = arith.muli %add3A_347, %mul3A_365 : i32
      %add3A_367 = arith.addi %mul3A_364, %mul3A_366 : i32
      %dma_start3A_368 = arith.constant 1 : i32
      %dma_start3A_369 = arith.constant 0 : i32
      %dma_start3A_370 = arith.constant 0 : i32
      %dma_start3A_371 = tpu.memref_slice %arg6[%dma_start3A_368, %dma_start3A_369, %dma_start3A_370] : memref<2x640x64xf32, #tpu.memory_space<vmem>> -> memref<1x640x64xf32, #tpu.memory_space<vmem>>
      %dma_start3A_372 = tpu.memref_squeeze %dma_start3A_371 : memref<1x640x64xf32, #tpu.memory_space<vmem>> -> memref<640x64xf32, #tpu.memory_space<vmem>>
      %dma_start3A_373 = arith.constant 0 : i32
      %dma_start3A_374 = tpu.memref_slice %arg4[%add3A_367, %dma_start3A_373] : memref<204800x64xf32, #tpu.memory_space<hbm>> -> memref<640x64xf32, #tpu.memory_space<hbm>>
      %dma_start3A_375 = arith.constant 0 : i32
      %dma_start3A_376 = tpu.memref_slice %arg4[%add3A_367, %dma_start3A_375] : memref<204800x64xf32, #tpu.memory_space<hbm>> -> memref<640x64xf32, #tpu.memory_space<hbm>>
      %dma_start3A_377 = arith.constant 0 : i32
      %dma_start3A_378 = arith.constant 0 : i32
      %dma_start3A_379 = tpu.memref_slice %arg6[%dma_start3A_368, %dma_start3A_377, %dma_start3A_378] : memref<2x640x64xf32, #tpu.memory_space<vmem>> -> memref<1x640x64xf32, #tpu.memory_space<vmem>>
      %dma_start3A_380 = tpu.memref_squeeze %dma_start3A_379 : memref<1x640x64xf32, #tpu.memory_space<vmem>> -> memref<640x64xf32, #tpu.memory_space<vmem>>
      tpu.enqueue_dma source(%dma_start3A_380 : memref<640x64xf32, #tpu.memory_space<vmem>>) target(%dma_start3A_376 : memref<640x64xf32, #tpu.memory_space<hbm>>) target_semaphore(%arg10 : memref<!tpu.dma_semaphore, #tpu.memory_space<semaphore_mem>>)
      %dma_wait3A_381 = arith.constant 1 : i32
      %dma_wait3A_382 = arith.constant 0 : i32
      %dma_wait3A_383 = arith.constant 0 : i32
      %dma_wait3A_384 = tpu.memref_slice %arg6[%dma_wait3A_381, %dma_wait3A_382, %dma_wait3A_383] : memref<2x640x64xf32, #tpu.memory_space<vmem>> -> memref<1x640x64xf32, #tpu.memory_space<vmem>>
      %dma_wait3A_385 = tpu.memref_squeeze %dma_wait3A_384 : memref<1x640x64xf32, #tpu.memory_space<vmem>> -> memref<640x64xf32, #tpu.memory_space<vmem>>
      %dma_wait3A_386 = arith.constant 0 : i32
      %dma_wait3A_387 = tpu.memref_slice %arg4[%add3A_367, %dma_wait3A_386] : memref<204800x64xf32, #tpu.memory_space<hbm>> -> memref<640x64xf32, #tpu.memory_space<hbm>>
      %dma_wait3A_388 = arith.constant 0 : i32
      %dma_wait3A_389 = tpu.memref_slice %arg4[%add3A_367, %dma_wait3A_388] : memref<204800x64xf32, #tpu.memory_space<hbm>> -> memref<640x64xf32, #tpu.memory_space<hbm>>
      %dma_wait3A_390 = arith.constant 0 : i32
      %dma_wait3A_391 = arith.constant 0 : i32
      %dma_wait3A_392 = tpu.memref_slice %arg6[%dma_wait3A_381, %dma_wait3A_390, %dma_wait3A_391] : memref<2x640x64xf32, #tpu.memory_space<vmem>> -> memref<1x640x64xf32, #tpu.memory_space<vmem>>
      %dma_wait3A_393 = tpu.memref_squeeze %dma_wait3A_392 : memref<1x640x64xf32, #tpu.memory_space<vmem>> -> memref<640x64xf32, #tpu.memory_space<vmem>>
      tpu.wait_dma2 semaphore(%arg10 : memref<!tpu.dma_semaphore, #tpu.memory_space<semaphore_mem>>) src(%dma_wait3A_393 : memref<640x64xf32, #tpu.memory_space<vmem>>) dst(%dma_wait3A_389 : memref<640x64xf32, #tpu.memory_space<hbm>>)
      %add3A_394 = arith.constant 2 : i32
      %add3A_395 = arith.addi %add3A_347, %add3A_394 : i32
      %mul3A_396 = arith.constant 5 : i32
      %mul3A_397 = arith.muli %add3A_395, %mul3A_396 : i32
      %add3A_398 = arith.constant 0 : i32
      %add3A_399 = arith.addi %mul3A_397, %add3A_398 : i32
      %dma_start3A_400 = arith.constant 1 : i32
      %dma_start3A_401 = arith.constant 0 : i32
      %dma_start3A_402 = arith.constant 0 : i32
      %dma_start3A_403 = tpu.memref_slice %arg6[%dma_start3A_400, %dma_start3A_401, %dma_start3A_402] : memref<2x640x64xf32, #tpu.memory_space<vmem>> -> memref<1x128x64xf32, #tpu.memory_space<vmem>>
      %dma_start3A_404 = tpu.memref_squeeze %dma_start3A_403 : memref<1x128x64xf32, #tpu.memory_space<vmem>> -> memref<128x64xf32, #tpu.memory_space<vmem>>
      %dma_start3A_405 = arith.constant 0 : i32
      %dma_start3A_406 = tpu.memref_slice %arg5[%add3A_399, %dma_start3A_405] : memref<50x128xi32, #tpu.memory_space<vmem>> -> memref<1x128xi32, #tpu.memory_space<vmem>>
      %dma_start3A_407 = tpu.memref_squeeze %dma_start3A_406 : memref<1x128xi32, #tpu.memory_space<vmem>> -> memref<128xi32, #tpu.memory_space<vmem>>
      %dma_start3A_408 = arith.constant 0 : i32
      %dma_start3A_409 = arith.constant 0 : i32
      %dma_start3A_410 = tpu.memref_slice %arg3[%dma_start3A_408, %dma_start3A_409] : memref<100000x64xf32, #tpu.memory_space<hbm>> -> memref<100000x64xf32, #tpu.memory_space<hbm>>
      tpu.enqueue_indirect_dma source(%dma_start3A_410 : memref<100000x64xf32, #tpu.memory_space<hbm>>) target(%dma_start3A_404 : memref<128x64xf32, #tpu.memory_space<vmem>>) offsets(%dma_start3A_407 : memref<128xi32, #tpu.memory_space<vmem>>) semaphore(%arg8 : memref<!tpu.dma_semaphore, #tpu.memory_space<semaphore_mem>>)
      %mul3A_411 = arith.constant 5 : i32
      %mul3A_412 = arith.muli %add3A_395, %mul3A_411 : i32
      %add3A_413 = arith.constant 1 : i32
      %add3A_414 = arith.addi %mul3A_412, %add3A_413 : i32
      %dma_start3A_415 = arith.constant 1 : i32
      %dma_start3A_416 = arith.constant 128 : i32
      %dma_start3A_417 = arith.constant 0 : i32
      %dma_start3A_418 = tpu.memref_slice %arg6[%dma_start3A_415, %dma_start3A_416, %dma_start3A_417] : memref<2x640x64xf32, #tpu.memory_space<vmem>> -> memref<1x128x64xf32, #tpu.memory_space<vmem>>
      %dma_start3A_419 = tpu.memref_squeeze %dma_start3A_418 : memref<1x128x64xf32, #tpu.memory_space<vmem>> -> memref<128x64xf32, #tpu.memory_space<vmem>>
      %dma_start3A_420 = arith.constant 0 : i32
      %dma_start3A_421 = tpu.memref_slice %arg5[%add3A_414, %dma_start3A_420] : memref<50x128xi32, #tpu.memory_space<vmem>> -> memref<1x128xi32, #tpu.memory_space<vmem>>
      %dma_start3A_422 = tpu.memref_squeeze %dma_start3A_421 : memref<1x128xi32, #tpu.memory_space<vmem>> -> memref<128xi32, #tpu.memory_space<vmem>>
      %dma_start3A_423 = arith.constant 0 : i32
      %dma_start3A_424 = arith.constant 0 : i32
      %dma_start3A_425 = tpu.memref_slice %arg3[%dma_start3A_423, %dma_start3A_424] : memref<100000x64xf32, #tpu.memory_space<hbm>> -> memref<100000x64xf32, #tpu.memory_space<hbm>>
      tpu.enqueue_indirect_dma source(%dma_start3A_425 : memref<100000x64xf32, #tpu.memory_space<hbm>>) target(%dma_start3A_419 : memref<128x64xf32, #tpu.memory_space<vmem>>) offsets(%dma_start3A_422 : memref<128xi32, #tpu.memory_space<vmem>>) semaphore(%arg8 : memref<!tpu.dma_semaphore, #tpu.memory_space<semaphore_mem>>)
      %mul3A_426 = arith.constant 5 : i32
      %mul3A_427 = arith.muli %add3A_395, %mul3A_426 : i32
      %add3A_428 = arith.constant 2 : i32
      %add3A_429 = arith.addi %mul3A_427, %add3A_428 : i32
      %dma_start3A_430 = arith.constant 1 : i32
      %dma_start3A_431 = arith.constant 256 : i32
      %dma_start3A_432 = arith.constant 0 : i32
      %dma_start3A_433 = tpu.memref_slice %arg6[%dma_start3A_430, %dma_start3A_431, %dma_start3A_432] : memref<2x640x64xf32, #tpu.memory_space<vmem>> -> memref<1x128x64xf32, #tpu.memory_space<vmem>>
      %dma_start3A_434 = tpu.memref_squeeze %dma_start3A_433 : memref<1x128x64xf32, #tpu.memory_space<vmem>> -> memref<128x64xf32, #tpu.memory_space<vmem>>
      %dma_start3A_435 = arith.constant 0 : i32
      %dma_start3A_436 = tpu.memref_slice %arg5[%add3A_429, %dma_start3A_435] : memref<50x128xi32, #tpu.memory_space<vmem>> -> memref<1x128xi32, #tpu.memory_space<vmem>>
      %dma_start3A_437 = tpu.memref_squeeze %dma_start3A_436 : memref<1x128xi32, #tpu.memory_space<vmem>> -> memref<128xi32, #tpu.memory_space<vmem>>
      %dma_start3A_438 = arith.constant 0 : i32
      %dma_start3A_439 = arith.constant 0 : i32
      %dma_start3A_440 = tpu.memref_slice %arg3[%dma_start3A_438, %dma_start3A_439] : memref<100000x64xf32, #tpu.memory_space<hbm>> -> memref<100000x64xf32, #tpu.memory_space<hbm>>
      tpu.enqueue_indirect_dma source(%dma_start3A_440 : memref<100000x64xf32, #tpu.memory_space<hbm>>) target(%dma_start3A_434 : memref<128x64xf32, #tpu.memory_space<vmem>>) offsets(%dma_start3A_437 : memref<128xi32, #tpu.memory_space<vmem>>) semaphore(%arg8 : memref<!tpu.dma_semaphore, #tpu.memory_space<semaphore_mem>>)
      %mul3A_441 = arith.constant 5 : i32
      %mul3A_442 = arith.muli %add3A_395, %mul3A_441 : i32
      %add3A_443 = arith.constant 3 : i32
      %add3A_444 = arith.addi %mul3A_442, %add3A_443 : i32
      %dma_start3A_445 = arith.constant 1 : i32
      %dma_start3A_446 = arith.constant 384 : i32
      %dma_start3A_447 = arith.constant 0 : i32
      %dma_start3A_448 = tpu.memref_slice %arg6[%dma_start3A_445, %dma_start3A_446, %dma_start3A_447] : memref<2x640x64xf32, #tpu.memory_space<vmem>> -> memref<1x128x64xf32, #tpu.memory_space<vmem>>
      %dma_start3A_449 = tpu.memref_squeeze %dma_start3A_448 : memref<1x128x64xf32, #tpu.memory_space<vmem>> -> memref<128x64xf32, #tpu.memory_space<vmem>>
      %dma_start3A_450 = arith.constant 0 : i32
      %dma_start3A_451 = tpu.memref_slice %arg5[%add3A_444, %dma_start3A_450] : memref<50x128xi32, #tpu.memory_space<vmem>> -> memref<1x128xi32, #tpu.memory_space<vmem>>
      %dma_start3A_452 = tpu.memref_squeeze %dma_start3A_451 : memref<1x128xi32, #tpu.memory_space<vmem>> -> memref<128xi32, #tpu.memory_space<vmem>>
      %dma_start3A_453 = arith.constant 0 : i32
      %dma_start3A_454 = arith.constant 0 : i32
      %dma_start3A_455 = tpu.memref_slice %arg3[%dma_start3A_453, %dma_start3A_454] : memref<100000x64xf32, #tpu.memory_space<hbm>> -> memref<100000x64xf32, #tpu.memory_space<hbm>>
      tpu.enqueue_indirect_dma source(%dma_start3A_455 : memref<100000x64xf32, #tpu.memory_space<hbm>>) target(%dma_start3A_449 : memref<128x64xf32, #tpu.memory_space<vmem>>) offsets(%dma_start3A_452 : memref<128xi32, #tpu.memory_space<vmem>>) semaphore(%arg8 : memref<!tpu.dma_semaphore, #tpu.memory_space<semaphore_mem>>)
      %mul3A_456 = arith.constant 5 : i32
      %mul3A_457 = arith.muli %add3A_395, %mul3A_456 : i32
      %add3A_458 = arith.constant 4 : i32
      %add3A_459 = arith.addi %mul3A_457, %add3A_458 : i32
      %dma_start3A_460 = arith.constant 1 : i32
      %dma_start3A_461 = arith.constant 512 : i32
      %dma_start3A_462 = arith.constant 0 : i32
      %dma_start3A_463 = tpu.memref_slice %arg6[%dma_start3A_460, %dma_start3A_461, %dma_start3A_462] : memref<2x640x64xf32, #tpu.memory_space<vmem>> -> memref<1x128x64xf32, #tpu.memory_space<vmem>>
      %dma_start3A_464 = tpu.memref_squeeze %dma_start3A_463 : memref<1x128x64xf32, #tpu.memory_space<vmem>> -> memref<128x64xf32, #tpu.memory_space<vmem>>
      %dma_start3A_465 = arith.constant 0 : i32
      %dma_start3A_466 = tpu.memref_slice %arg5[%add3A_459, %dma_start3A_465] : memref<50x128xi32, #tpu.memory_space<vmem>> -> memref<1x128xi32, #tpu.memory_space<vmem>>
      %dma_start3A_467 = tpu.memref_squeeze %dma_start3A_466 : memref<1x128xi32, #tpu.memory_space<vmem>> -> memref<128xi32, #tpu.memory_space<vmem>>
      %dma_start3A_468 = arith.constant 0 : i32
      %dma_start3A_469 = arith.constant 0 : i32
      %dma_start3A_470 = tpu.memref_slice %arg3[%dma_start3A_468, %dma_start3A_469] : memref<100000x64xf32, #tpu.memory_space<hbm>> -> memref<100000x64xf32, #tpu.memory_space<hbm>>
      tpu.enqueue_indirect_dma source(%dma_start3A_470 : memref<100000x64xf32, #tpu.memory_space<hbm>>) target(%dma_start3A_464 : memref<128x64xf32, #tpu.memory_space<vmem>>) offsets(%dma_start3A_467 : memref<128xi32, #tpu.memory_space<vmem>>) semaphore(%arg8 : memref<!tpu.dma_semaphore, #tpu.memory_space<semaphore_mem>>)
    }
    %scan3A_126 = arith.constant 4 : i32
    %dma_wait3A = arith.constant 0 : i32
    %dma_wait3A_127 = arith.constant 0 : i32
    %dma_wait3A_128 = arith.constant 0 : i32
    %dma_wait3A_129 = tpu.memref_slice %arg6[%dma_wait3A, %dma_wait3A_127, %dma_wait3A_128] : memref<2x640x64xf32, #tpu.memory_space<vmem>> -> memref<1x640x64xf32, #tpu.memory_space<vmem>>
    %dma_wait3A_130 = tpu.memref_squeeze %dma_wait3A_129 : memref<1x640x64xf32, #tpu.memory_space<vmem>> -> memref<640x64xf32, #tpu.memory_space<vmem>>
    %dma_wait3A_131 = arith.constant 0 : i32
    %dma_wait3A_132 = arith.constant 0 : i32
    %dma_wait3A_133 = tpu.memref_slice %arg3[%dma_wait3A_131, %dma_wait3A_132] : memref<100000x64xf32, #tpu.memory_space<hbm>> -> memref<640x64xf32, #tpu.memory_space<hbm>>
    %dma_wait3A_134 = arith.constant 0 : i32
    %dma_wait3A_135 = arith.constant 0 : i32
    %dma_wait3A_136 = tpu.memref_slice %arg6[%dma_wait3A, %dma_wait3A_134, %dma_wait3A_135] : memref<2x640x64xf32, #tpu.memory_space<vmem>> -> memref<1x640x64xf32, #tpu.memory_space<vmem>>
    %dma_wait3A_137 = tpu.memref_squeeze %dma_wait3A_136 : memref<1x640x64xf32, #tpu.memory_space<vmem>> -> memref<640x64xf32, #tpu.memory_space<vmem>>
    %dma_wait3A_138 = arith.constant 0 : i32
    %dma_wait3A_139 = arith.constant 0 : i32
    %dma_wait3A_140 = tpu.memref_slice %arg3[%dma_wait3A_138, %dma_wait3A_139] : memref<100000x64xf32, #tpu.memory_space<hbm>> -> memref<640x64xf32, #tpu.memory_space<hbm>>
    tpu.wait_dma2 semaphore(%arg7 : memref<!tpu.dma_semaphore, #tpu.memory_space<semaphore_mem>>) src(%dma_wait3A_140 : memref<640x64xf32, #tpu.memory_space<hbm>>) dst(%dma_wait3A_137 : memref<640x64xf32, #tpu.memory_space<vmem>>)
    %mul3A_141 = arith.constant 6400 : i32
    %mul3A_142 = arith.muli %add3A, %mul3A_141 : i32
    %add3A_143 = arith.constant 5120 : i32
    %add3A_144 = arith.addi %mul3A_142, %add3A_143 : i32
    %dma_start3A_145 = arith.constant 0 : i32
    %dma_start3A_146 = arith.constant 0 : i32
    %dma_start3A_147 = arith.constant 0 : i32
    %dma_start3A_148 = tpu.memref_slice %arg6[%dma_start3A_145, %dma_start3A_146, %dma_start3A_147] : memref<2x640x64xf32, #tpu.memory_space<vmem>> -> memref<1x640x64xf32, #tpu.memory_space<vmem>>
    %dma_start3A_149 = tpu.memref_squeeze %dma_start3A_148 : memref<1x640x64xf32, #tpu.memory_space<vmem>> -> memref<640x64xf32, #tpu.memory_space<vmem>>
    %dma_start3A_150 = arith.constant 0 : i32
    %dma_start3A_151 = tpu.memref_slice %arg4[%add3A_144, %dma_start3A_150] : memref<204800x64xf32, #tpu.memory_space<hbm>> -> memref<640x64xf32, #tpu.memory_space<hbm>>
    %dma_start3A_152 = arith.constant 0 : i32
    %dma_start3A_153 = tpu.memref_slice %arg4[%add3A_144, %dma_start3A_152] : memref<204800x64xf32, #tpu.memory_space<hbm>> -> memref<640x64xf32, #tpu.memory_space<hbm>>
    %dma_start3A_154 = arith.constant 0 : i32
    %dma_start3A_155 = arith.constant 0 : i32
    %dma_start3A_156 = tpu.memref_slice %arg6[%dma_start3A_145, %dma_start3A_154, %dma_start3A_155] : memref<2x640x64xf32, #tpu.memory_space<vmem>> -> memref<1x640x64xf32, #tpu.memory_space<vmem>>
    %dma_start3A_157 = tpu.memref_squeeze %dma_start3A_156 : memref<1x640x64xf32, #tpu.memory_space<vmem>> -> memref<640x64xf32, #tpu.memory_space<vmem>>
    tpu.enqueue_dma source(%dma_start3A_157 : memref<640x64xf32, #tpu.memory_space<vmem>>) target(%dma_start3A_153 : memref<640x64xf32, #tpu.memory_space<hbm>>) target_semaphore(%arg9 : memref<!tpu.dma_semaphore, #tpu.memory_space<semaphore_mem>>)
    %dma_wait3A_158 = arith.constant 0 : i32
    %dma_wait3A_159 = arith.constant 0 : i32
    %dma_wait3A_160 = arith.constant 0 : i32
    %dma_wait3A_161 = tpu.memref_slice %arg6[%dma_wait3A_158, %dma_wait3A_159, %dma_wait3A_160] : memref<2x640x64xf32, #tpu.memory_space<vmem>> -> memref<1x640x64xf32, #tpu.memory_space<vmem>>
    %dma_wait3A_162 = tpu.memref_squeeze %dma_wait3A_161 : memref<1x640x64xf32, #tpu.memory_space<vmem>> -> memref<640x64xf32, #tpu.memory_space<vmem>>
    %dma_wait3A_163 = arith.constant 0 : i32
    %dma_wait3A_164 = tpu.memref_slice %arg4[%add3A_144, %dma_wait3A_163] : memref<204800x64xf32, #tpu.memory_space<hbm>> -> memref<640x64xf32, #tpu.memory_space<hbm>>
    %dma_wait3A_165 = arith.constant 0 : i32
    %dma_wait3A_166 = tpu.memref_slice %arg4[%add3A_144, %dma_wait3A_165] : memref<204800x64xf32, #tpu.memory_space<hbm>> -> memref<640x64xf32, #tpu.memory_space<hbm>>
    %dma_wait3A_167 = arith.constant 0 : i32
    %dma_wait3A_168 = arith.constant 0 : i32
    %dma_wait3A_169 = tpu.memref_slice %arg6[%dma_wait3A_158, %dma_wait3A_167, %dma_wait3A_168] : memref<2x640x64xf32, #tpu.memory_space<vmem>> -> memref<1x640x64xf32, #tpu.memory_space<vmem>>
    %dma_wait3A_170 = tpu.memref_squeeze %dma_wait3A_169 : memref<1x640x64xf32, #tpu.memory_space<vmem>> -> memref<640x64xf32, #tpu.memory_space<vmem>>
    tpu.wait_dma2 semaphore(%arg9 : memref<!tpu.dma_semaphore, #tpu.memory_space<semaphore_mem>>) src(%dma_wait3A_170 : memref<640x64xf32, #tpu.memory_space<vmem>>) dst(%dma_wait3A_166 : memref<640x64xf32, #tpu.memory_space<hbm>>)
    %dma_wait3A_171 = arith.constant 1 : i32
    %dma_wait3A_172 = arith.constant 0 : i32
    %dma_wait3A_173 = arith.constant 0 : i32
    %dma_wait3A_174 = tpu.memref_slice %arg6[%dma_wait3A_171, %dma_wait3A_172, %dma_wait3A_173] : memref<2x640x64xf32, #tpu.memory_space<vmem>> -> memref<1x640x64xf32, #tpu.memory_space<vmem>>
    %dma_wait3A_175 = tpu.memref_squeeze %dma_wait3A_174 : memref<1x640x64xf32, #tpu.memory_space<vmem>> -> memref<640x64xf32, #tpu.memory_space<vmem>>
    %dma_wait3A_176 = arith.constant 0 : i32
    %dma_wait3A_177 = arith.constant 0 : i32
    %dma_wait3A_178 = tpu.memref_slice %arg3[%dma_wait3A_176, %dma_wait3A_177] : memref<100000x64xf32, #tpu.memory_space<hbm>> -> memref<640x64xf32, #tpu.memory_space<hbm>>
    %dma_wait3A_179 = arith.constant 0 : i32
    %dma_wait3A_180 = arith.constant 0 : i32
    %dma_wait3A_181 = tpu.memref_slice %arg6[%dma_wait3A_171, %dma_wait3A_179, %dma_wait3A_180] : memref<2x640x64xf32, #tpu.memory_space<vmem>> -> memref<1x640x64xf32, #tpu.memory_space<vmem>>
    %dma_wait3A_182 = tpu.memref_squeeze %dma_wait3A_181 : memref<1x640x64xf32, #tpu.memory_space<vmem>> -> memref<640x64xf32, #tpu.memory_space<vmem>>
    %dma_wait3A_183 = arith.constant 0 : i32
    %dma_wait3A_184 = arith.constant 0 : i32
    %dma_wait3A_185 = tpu.memref_slice %arg3[%dma_wait3A_183, %dma_wait3A_184] : memref<100000x64xf32, #tpu.memory_space<hbm>> -> memref<640x64xf32, #tpu.memory_space<hbm>>
    tpu.wait_dma2 semaphore(%arg8 : memref<!tpu.dma_semaphore, #tpu.memory_space<semaphore_mem>>) src(%dma_wait3A_185 : memref<640x64xf32, #tpu.memory_space<hbm>>) dst(%dma_wait3A_182 : memref<640x64xf32, #tpu.memory_space<vmem>>)
    %mul3A_186 = arith.constant 6400 : i32
    %mul3A_187 = arith.muli %add3A, %mul3A_186 : i32
    %add3A_188 = arith.constant 5760 : i32
    %add3A_189 = arith.addi %mul3A_187, %add3A_188 : i32
    %dma_start3A_190 = arith.constant 1 : i32
    %dma_start3A_191 = arith.constant 0 : i32
    %dma_start3A_192 = arith.constant 0 : i32
    %dma_start3A_193 = tpu.memref_slice %arg6[%dma_start3A_190, %dma_start3A_191, %dma_start3A_192] : memref<2x640x64xf32, #tpu.memory_space<vmem>> -> memref<1x640x64xf32, #tpu.memory_space<vmem>>
    %dma_start3A_194 = tpu.memref_squeeze %dma_start3A_193 : memref<1x640x64xf32, #tpu.memory_space<vmem>> -> memref<640x64xf32, #tpu.memory_space<vmem>>
    %dma_start3A_195 = arith.constant 0 : i32
    %dma_start3A_196 = tpu.memref_slice %arg4[%add3A_189, %dma_start3A_195] : memref<204800x64xf32, #tpu.memory_space<hbm>> -> memref<640x64xf32, #tpu.memory_space<hbm>>
    %dma_start3A_197 = arith.constant 0 : i32
    %dma_start3A_198 = tpu.memref_slice %arg4[%add3A_189, %dma_start3A_197] : memref<204800x64xf32, #tpu.memory_space<hbm>> -> memref<640x64xf32, #tpu.memory_space<hbm>>
    %dma_start3A_199 = arith.constant 0 : i32
    %dma_start3A_200 = arith.constant 0 : i32
    %dma_start3A_201 = tpu.memref_slice %arg6[%dma_start3A_190, %dma_start3A_199, %dma_start3A_200] : memref<2x640x64xf32, #tpu.memory_space<vmem>> -> memref<1x640x64xf32, #tpu.memory_space<vmem>>
    %dma_start3A_202 = tpu.memref_squeeze %dma_start3A_201 : memref<1x640x64xf32, #tpu.memory_space<vmem>> -> memref<640x64xf32, #tpu.memory_space<vmem>>
    tpu.enqueue_dma source(%dma_start3A_202 : memref<640x64xf32, #tpu.memory_space<vmem>>) target(%dma_start3A_198 : memref<640x64xf32, #tpu.memory_space<hbm>>) target_semaphore(%arg10 : memref<!tpu.dma_semaphore, #tpu.memory_space<semaphore_mem>>)
    %dma_wait3A_203 = arith.constant 1 : i32
    %dma_wait3A_204 = arith.constant 0 : i32
    %dma_wait3A_205 = arith.constant 0 : i32
    %dma_wait3A_206 = tpu.memref_slice %arg6[%dma_wait3A_203, %dma_wait3A_204, %dma_wait3A_205] : memref<2x640x64xf32, #tpu.memory_space<vmem>> -> memref<1x640x64xf32, #tpu.memory_space<vmem>>
    %dma_wait3A_207 = tpu.memref_squeeze %dma_wait3A_206 : memref<1x640x64xf32, #tpu.memory_space<vmem>> -> memref<640x64xf32, #tpu.memory_space<vmem>>
    %dma_wait3A_208 = arith.constant 0 : i32
    %dma_wait3A_209 = tpu.memref_slice %arg4[%add3A_189, %dma_wait3A_208] : memref<204800x64xf32, #tpu.memory_space<hbm>> -> memref<640x64xf32, #tpu.memory_space<hbm>>
    %dma_wait3A_210 = arith.constant 0 : i32
    %dma_wait3A_211 = tpu.memref_slice %arg4[%add3A_189, %dma_wait3A_210] : memref<204800x64xf32, #tpu.memory_space<hbm>> -> memref<640x64xf32, #tpu.memory_space<hbm>>
    %dma_wait3A_212 = arith.constant 0 : i32
    %dma_wait3A_213 = arith.constant 0 : i32
    %dma_wait3A_214 = tpu.memref_slice %arg6[%dma_wait3A_203, %dma_wait3A_212, %dma_wait3A_213] : memref<2x640x64xf32, #tpu.memory_space<vmem>> -> memref<1x640x64xf32, #tpu.memory_space<vmem>>
    %dma_wait3A_215 = tpu.memref_squeeze %dma_wait3A_214 : memref<1x640x64xf32, #tpu.memory_space<vmem>> -> memref<640x64xf32, #tpu.memory_space<vmem>>
    tpu.wait_dma2 semaphore(%arg10 : memref<!tpu.dma_semaphore, #tpu.memory_space<semaphore_mem>>) src(%dma_wait3A_215 : memref<640x64xf32, #tpu.memory_space<vmem>>) dst(%dma_wait3A_211 : memref<640x64xf32, #tpu.memory_space<hbm>>)
    return
  }
}

</mosaic_0001>

<sc_bundles>
// kernel: _run.11.cloned.1.call-start
scs
__scs_entry_jumppad:
0x0: {  	(pc) =	sbr.rel $0x88, $3  }
0x1: {  	(tag) =	ssettag $0x0;
	lr =	simm.s32 $0x1  }
0x2: {  	[smem:$0x3F9D] =	sst lr;
	_ =	strace $0xD0000000  }
0x3: {  	_ = 	snop  }
0x4: {  	_ = 	snop  }
0x5: {  	_ = 	snop  }
0x6: {  	_ = 	snop  }
0x7: {  	_ = 	snop  }
__scs_overlays_trampoline_lowered:
0x8: {  	[smem:$0x3FAC] =	sst s0  }
0x9: {  	[smem:$0x3FAD] =	sst s1  }
0xa: {  	[smem:$0x3FAE] =	sst s2  }
0xb: {  	[smem:$0x3FAF] =	sst s3  }
0xc: {  	[smem:$0x3FB0] =	sst s4  }
0xd: {  	[smem:$0x3FB1] =	sst s5  }
0xe: {  	[smem:$0x3FB2] =	sst s6  }
0xf: {  	[smem:$0x3FB3] =	sst s7  }
0x10: {  	[smem:$0x3FB4] =	sst s8  }
0x11: {  	[smem:$0x3FB5] =	sst s9;
	s0 =	simm.s32 @!p0 $0x0  }
0x12: {  	s1 =	sld [smem:$0x3F9B];
	s0 =	simm.s32 @p0 $0x1  }
0x13: {  	[smem:$0x3FB6] =	sst s0;
	s0 =	simm.s32 @!p1 $0x0  }
0x14: {  	s2 =	sld [smem:$0x3F9A];
	s0 =	simm.s32 @p1 $0x1  }
0x15: {  	[smem:$0x3FB7] =	sst s0;
	s0 =	simm.s32 @!p2 $0x0  }
0x16: {  	s3 =	sld [smem:$0x3FDB];
	s0 =	simm.s32 @p2 $0x1  }
0x17: {  	s4 =	simm.s32 $0x1BF5;
	[smem:$0x3FB9] =	sst s0  }
0x18: {  	s0 =	sld [smem:$0x3F9C];
	_ =	swait.ge [sflag:s4], $0x0  }
0x19: {  	s7 =	sld [smem:$0x3F9D]  }
0x1a: {  	s8 =	sadd.s32 $0xFFFFE003, lr  }
0x1b: {  	s9 =	sadd.s32 $0xFFFFFEF7, lr;
	s5 =	simm.s32 $0xFFFFFFFF;
	p2 =	slt.u32 s8, $0xFFFFF086  }
0x1c: {  	p1 =	slt.u32 s9, $0xF7A;
	s5 =	simm.s32 @!p2 $0x0  }
0x1d: {  	s5 =	simm.s32 @p1 $0x1;
	p0 =	seq.s32 s7, s2  }
0x1e: {  	s7 =	smul.u32 @!p0 $0xF7A, s2;
	p2 =	seq.s32 @!p0 s5, $0x0  }
0x1f: {  	s9 =	smul.u32 $0xF7A, s1;
	s8 =	simm.s32 @!p0 $0x1BF5;
	p2 =	por !p2, p0  }
0x20: {  	[sflag:s8] =	ssyncset.s32 @!p0 $0xFFFFF086;
	s6 =	sadd.s32 @!p0 s3, s7;
	s7 =	simm.s32 @!p0 $0x108  }
0x21: {  	s3 =	sadd.s32 s3, s9;
	s6 =	sadd.s32 @!p0 $0x88, s6;
	s7 =	simm.s32 @p2 $0x1082  }
0x22: {  	[simem:s7], [sflag:s8] =	dma.local @!p0 [hbm:s6], $0xF7A  }
0x23: {  	s9 =	sor.u32 $0xD0000000, s2;
	s6 =	simm.s32 $0x108;
	_ =	swait.ge @!p0 [sflag:s8], $0x0  }
0x24: {  	s3 =	sadd.s32 $0x88, s3;
	s6 =	simm.s32 @!p1 $0x1082;
	[sflag:s4] =	ssyncset.s32 $0xFFFFF086  }
0x25: {  	[simem:s6], [sflag:s4] =	dma.local [hbm:s3], $0xF7A  }
0x26: {  	[smem:$0x3F9D] =	sst s1;
	(tag) =	ssettag s2;
	_ =	strace s9  }
0x27: {  	s1 =	sld [smem:$0x3FAD]  }
0x28: {  	s2 =	sld [smem:$0x3FAE]  }
0x29: {  	s4 =	sld [smem:$0x3FB0]  }
0x2a: {  	p0 =	seq.s32 s5, $0x0;
	s5 =	sld [smem:$0x3FB1]  }
0x2b: {  	s6 =	sld [smem:$0x3FB2]  }
0x2c: {  	s7 =	sld [smem:$0x3FB3]  }
0x2d: {  	s3 =	simm.s32 $0x108;
	s8 =	sld [smem:$0x3FB4]  }
0x2e: {  	s3 =	simm.s32 @!p0 $0x1082;
	s9 =	sld [smem:$0x3FB5]  }
0x2f: {  	lr =	sadd.s32 s0, s3;
	s0 =	sld [smem:$0x3FAC]  }
0x30: {  	s3 =	sld [smem:$0x3FAF]  }
0x31: {  	[smem:$0x3FB8] =	sst s10  }
0x32: {  	s10 =	sld [smem:$0x3FB6];
	_ =	sdelay $0x3  }
0x33: {  	p0 =	seq.s32 s10, $0x1;
	s10 =	sld [smem:$0x3FB8];
	_ =	sdelay $0x3  }
0x34: {  	[smem:$0x3FB8] =	sst s10  }
0x35: {  	s10 =	sld [smem:$0x3FB7];
	_ =	sdelay $0x3  }
0x36: {  	p1 =	seq.s32 s10, $0x1;
	s10 =	sld [smem:$0x3FB8];
	_ =	sdelay $0x3  }
0x37: {  	[smem:$0x3FB8] =	sst s10  }
0x38: {  	s10 =	sld [smem:$0x3FB9]  }
0x39: {  	_ = 	snop;
	(pc) =	sbr.ind lr, $3  }
0x3a: {  	_ = 	snop  }
0x3b: {  	_ = 	snop  }
0x3c: {  	p2 =	seq.s32 s10, $0x1;
	s10 =	sld [smem:$0x3FB8]  }
0x3d: {  	_ =	shalt  }
0x3e: {  	_ =	shalt  }
0x3f: {  	_ =	shalt  }
0x40: {  	_ =	shalt  }
0x41: {  	_ =	shalt  }
0x42: {  	_ =	shalt  }
0x43: {  	_ =	shalt  }
0x44: {  	_ =	shalt  }
0x45: {  	_ =	shalt  }
0x46: {  	_ =	shalt  }
0x47: {  	_ =	shalt  }
0x48: {  	_ =	shalt  }
0x49: {  	_ =	shalt  }
0x4a: {  	_ =	shalt  }
0x4b: {  	_ =	shalt  }
0x4c: {  	_ =	shalt  }
0x4d: {  	_ =	shalt  }
0x4e: {  	_ =	shalt  }
0x4f: {  	_ =	shalt  }
0x50: {  	_ =	shalt  }
0x51: {  	_ =	shalt  }
0x52: {  	_ =	shalt  }
0x53: {  	_ =	shalt  }
0x54: {  	_ =	shalt  }
0x55: {  	_ =	shalt  }
0x56: {  	_ =	shalt  }
0x57: {  	_ =	shalt  }
0x58: {  	_ =	shalt  }
0x59: {  	_ =	shalt  }
0x5a: {  	_ =	shalt  }
0x5b: {  	_ =	shalt  }
0x5c: {  	_ =	shalt  }
0x5d: {  	_ =	shalt  }
0x5e: {  	_ =	shalt  }
0x5f: {  	_ =	shalt  }
0x60: {  	_ =	shalt  }
0x61: {  	_ =	shalt  }
0x62: {  	_ =	shalt  }
0x63: {  	_ =	shalt  }
0x64: {  	_ =	shalt  }
0x65: {  	_ =	shalt  }
0x66: {  	_ =	shalt  }
0x67: {  	_ =	shalt  }
0x68: {  	_ =	shalt  }
0x69: {  	_ =	shalt  }
0x6a: {  	_ =	shalt  }
0x6b: {  	_ =	shalt  }
0x6c: {  	_ =	shalt  }
0x6d: {  	_ =	shalt  }
0x6e: {  	_ =	shalt  }
0x6f: {  	_ =	shalt  }
0x70: {  	_ =	shalt  }
0x71: {  	_ =	shalt  }
0x72: {  	_ =	shalt  }
0x73: {  	_ =	shalt  }
0x74: {  	_ =	shalt  }
0x75: {  	_ =	shalt  }
0x76: {  	_ =	shalt  }
0x77: {  	_ =	shalt  }
0x78: {  	_ =	shalt  }
0x79: {  	_ =	shalt  }
0x7a: {  	_ =	shalt  }
0x7b: {  	_ =	shalt  }
0x7c: {  	_ =	shalt  }
0x7d: {  	_ =	shalt  }
0x7e: {  	_ =	shalt  }
0x7f: {  	_ =	shalt  }
0x80: {  	_ =	shalt  }
0x81: {  	_ =	shalt  }
0x82: {  	_ =	shalt  }
0x83: {  	_ =	shalt  }
0x84: {  	_ =	shalt  }
0x85: {  	_ =	shalt  }
0x86: {  	_ =	shalt  }
0x87: {  	_ =	shalt  }
.Lfunc_end0:
.L_simem_size_0:
called_computation.4_lowered:
.L_overlay_start_0:
0x88: {  	s2 =	sld [smem:$0x3FD9]  }
0x89: {  	s3 =	sld [smem:$0x3FFE];
	_ =	sdelay $0x1  }
0x8a: {  	s1 =	srdreg.scid  }
0x8b: {  	s0 =	sand.u32 $0x1, s1  }
0x8c: {  	s15 =	sshll.u32 s0, $0xA;
	s2 =	sadd.s32 s3, s2  }
0x8d: {  	s2 =	sadd.s32 s2, s15  }
0x8e: {  	[smem:$0x3FC4] =	sst s2  }
0x8f: {  	_ = 	snop  }
0x90: {  	s16 =	sld [smem:$0x3FD0];
	_ =	sdelay $0x2  }
0x91: {  	s4 =	simm.s32 $0xC;
	s5 =	simm.s32 $0x10;
	s2 =	sld [smem:$0x3FC7]  }
0x92: {  	[smem:s5], [sflag:s4] =	dma.local [hbm:s16], $0x1  }
0x93: {  	_ =	swait.eq [sflag:s4], $0x1  }
0x94: {  	[sflag:s4] =	ssyncset.done $0x0  }
0x95: {  	[sflag:s4] =	ssyncadd.s32 $0xFFFFFFFF  }
0x96: {  	s17 =	sld [smem:$0x12];
	(tm) =	ssettm $0x1  }
0x97: {  	s18 =	sld [smem:$0x3FFB];
	_ =	sdelay $0x3  }
0x98: {  	_ =	strace s18  }
0x99: {  	s3 =	sld [smem:$0x3FFC];
	_ =	sdelay $0x3  }
0x9a: {  	_ =	strace s3  }
0x9b: {  	s3 =	sld [smem:$0x3FFD];
	_ =	sdelay $0x3  }
0x9c: {  	_ =	strace s3  }
0x9d: {  	_ =	strace $0x8FFFFFFF  }
0x9e: {  	s19 =	sld [smem:$0x3FDB];
	_ =	sdelay $0x1  }
0x9f: {  	s20 =	simm.s32 $_scs_section_size  }
0xa0: {  	s6 =	simm.s32 $_size__tile_overlayer_lowered;
	s7 =	simm.s32 $_tile_overlayer_lowered  }
0xa1: {  	s8 =	simm.s32 $0x1BFF;
	s21 =	sshll.u32 s7, $0x1;
	s5 =	sadd.s32 s20, s19  }
0xa2: {  	s22 =	simm.s32 $0x0;
	s6 =	sshll.u32 s6, $0x1;
	s7 =	sadd.s32 s21, s5  }
0xa3: {  	[timem:s22], [sflag:s8] =	dma.local [hbm:s7], s6  }
0xa4: {  	_ =	swait.ge [sflag:s8], s6  }
0xa5: {  	s6 =	ssub.s32 $0x0, s6;
	[sflag:s8] =	ssyncset.done $0x0  }
0xa6: {  	[sflag:s8] =	ssyncadd.s32 s6;
	_ =	sdelay $0x1  }
0xa7: {  	s23 =	simm.s32 $0x1B8B  }
0xa8: {  	_ =	swait.ge [sflag:s23], $0x1  }
0xa9: {  	[sflag:s23] =	ssyncset.done $0x0  }
0xaa: {  	[sflag:s23] =	ssyncadd.s32 $0xFFFFFFFF  }
0xab: {  	s6 =	sld [smem:$0x0]  }
0xac: {  	s7 =	sand.u32 $0xFFFFFFFE, s1  }
0xad: {  	p0 =	sne.s32 s1, s7  }
0xae: {  	s7 =	sshll.u32 @p0 s7, $0xE  }
0xaf: {  	s7 =	sadd.s32 @p0 $0x11B8D, s7;
	s8 =	sshll.u32 @p0 s6, $0x11  }
0xb0: {  	s7 =	sor.u32 @p0 s8, s7  }
0xb1: {  	[sflag:s7] =	ssyncadd.remote.s32 @p0 $0x1;
	_ =	sdelay $0x1  }
0xb2: {  	s7 =	simm.s32 @p0 $0x1B8D  }
0xb3: {  	_ =	swait.eq @p0 [sflag:s7], $0x1  }
0xb4: {  	[sflag:s7] =	ssyncadd.s32 @p0 $0xFFFFFFFF  }
0xb5: {  	s8 =	sshll.u32 @!p0 s1, $0xE  }
0xb6: {  	s8 =	sor.u32 @!p0 $0x4000, s8;
	s7 =	simm.s32 @!p0 $0x1B8D  }
0xb7: {  	s6 =	sshll.u32 @!p0 s6, $0x11;
	s8 =	sadd.s32 @!p0 $0x11B8D, s8;
	_ =	swait.eq @!p0 [sflag:s7], $0x1  }
0xb8: {  	s6 =	sor.u32 @!p0 s6, s8;
	[sflag:s7] =	ssyncadd.s32 @!p0 $0xFFFFFFFF  }
0xb9: {  	s25 =	simm.s32 $0x1B8E;
	s24 =	sld [smem:$0x3FFE];
	[sflag:s6] =	ssyncadd.remote.s32 @!p0 $0x1  }
0xba: {  	s26 =	simm.s32 $execute0_lowered;
	[smem:$0x3FD2] =	sst s25  }
0xbb: {  	s7 =	sshll.u32 s26, $0x1;
	_ =	strace $0x8000004C;
	[dreg:$0x1] =	wrdreg $0xFFFFFFFF  }
0xbc: {  	s28 =	simm.s32 $_size_execute0_lowered;
	s5 =	sadd.s32 s5, s7;
	[dreg:$0x0] =	wrdreg $0x0  }
0xbd: {  	s7 =	sshll.u32 s28, $0x1;
	[dreg:$0x2] =	wrdreg s5  }
0xbe: {  	[dreg:$0x3] =	wrdreg s7  }
0xbf: {  	[dreg:$0x4] =	wrdreg $0xC0  }
0xc0: {  	_ =	task [dreg:s22], $0x5FFFF  }
0xc1: {  	[dreg:$0x1] =	wrdreg $0xFFFFFFFF  }
0xc2: {  	[dreg:$0x0] =	wrdreg $0x60  }
0xc3: {  	[dreg:$0x2] =	wrdreg s2  }
0xc4: {  	[dreg:$0x3] =	wrdreg s24  }
0xc5: {  	[dreg:$0x4] =	wrdreg s17  }
0xc6: {  	[dreg:$0x5] =	wrdreg $0x9  }
0xc7: {  	_ =	task.clear_ibuf [dreg:s22], $0x6FFFF;
	_ =	strace $0x9000004C  }
0xc8: {  	s29 =	simm.s32 $0x9;
	_ =	strace $0x8000004E  }
0xc9: {  	_ =	swait.ge [sflag:s29], $0x1  }
0xca: {  	[sflag:s29] =	ssyncadd.s32 $0xFFFFFFFF  }
0xcb: {  	_ =	strace $0x9000004E  }
0xcc: {  	_ =	sfence  }
0xcd: {  	s30 =	sld [smem:$0x0];
	_ =	sdelay $0x2  }
0xce: {  	s31 =	sshll.u32 s1, $0xD;
	s1 =	sshrl.u32 s1, $0x2  }
0xcf: {  	s4 =	sand.u32 $0x4000, s31;
	s1 =	sadd.s32 s1, s30  }
0xd0: {  	s0 =	sor.u32 s4, s0;
	s1 =	sshll.u32 s1, $0x11  }
0xd1: {  	s0 =	sor.u32 s1, s0  }
0xd2: {  	s0 =	sadd.s32 $0x8F2B, s0  }
0xd3: {  	[sflag:s0] =	ssyncadd.remote.s32 $0x1  }
0xd4: {  	_ =	sfence.sel $0xFFFF  }
0xd5: {  	[dreg:$0x0] =	wrdreg $0xFFFFFFFF;
	(pc) =	sbr.abs _section_cstart, $3  }
0xd6: {  	[dreg:$0x1] =	wrdreg $0xFFFFFFFF  }
0xd7: {  	_ =	task.clear_ibuf [dreg:s22], $0x2FFFF;
	_ =	strace $0x9FFFFFFF  }
0xd8: {  	(tm) =	ssettm $0x7FFFFFFF  }
0xd9: {  	_ =	shalt  }
tec
execute0_lowered:
.L_overlay_start_1:
0x0: {  	(tag) =	ssettag $0x1  }
0x1: {  	s3 =	rddreg [dreg:$0x0]  }
0x2: {  	s1 =	srdreg.scid;
	s0 =	stileid.u32  }
0x3: {  	s5 =	rddreg [dreg:$0x1];
	s11 =	sand.u32 $0x1, s1;
	s30 =	sshll.u32 s0, $0x1  }
0x4: {  	s16 =	rddreg [dreg:$0x2];
	s17 =	sor.u32 s11, s30  }
0x5: {  	s2 =	simm.s32 $0x0;
	s1 =	rddreg [dreg:$0x3];
	s4 =	smul.u32 $0x50, s17  }
0x6: {  	[smem:$0x7FF] =	sst s2  }
0x7: {  	_ =	strace $0x8000004D;
	s4 =	sadd.s32 s3, s4;
	s3 =	simm.s32 $0x2  }
0x8: {  	[tilespmem:s2], [sflag:$0x2] =	stream.linear.gather [hbm4b:s4+s2], $0x280, $0x38;
	[tilespmem:$0x14280] =	vst v63  }
0x9: {  	_ =	swait.ge [sflag:s3], $0x280  }
0xa: {  	s6 =	simm.s32 $0x80;
	[sflag:s3] =	ssyncset.done $0x0  }
0xb: {  	s7 =	simm.s32 $0x280;
	s5 =	sadd.s32 $0x1400, s5;
	[sflag:s3] =	ssyncadd.s32 $0xFFFFFD80  }
0xc: {  	[tilespmem:s7], [sflag:$0x1] =	stream.indirect.gather [hbm4b:s5+s6], $0x40, s2, s6, $0xb8;
	[tilespmem:$0x14280] =	vst v63  }
0xd: {  	s8 =	simm.s32 $0x2280;
	s9 =	simm.s32 $0x100;
	s18 =	ssub.s32 $0x2, s11  }
0xe: {  	[tilespmem:s8], [sflag:$0x1] =	stream.indirect.gather [hbm4b:s5+s6], $0x40, s6, s6, $0xb8;
	[tilespmem:$0x14280] =	vst v63  }
0xf: {  	s10 =	simm.s32 $0x4280;
	s12 =	simm.s32 $0x6280;
	s19 =	sshrl.u32 s18, $0x1  }
0x10: {  	[tilespmem:s10], [sflag:$0x1] =	stream.indirect.gather [hbm4b:s5+s6], $0x40, s9, s6, $0xb8;
	[tilespmem:$0x14280] =	vst v63  }
0x11: {  	s13 =	simm.s32 $0x200;
	s11 =	simm.s32 $0x180;
	s18 =	ssub.s32 s18, s19  }
0x12: {  	[tilespmem:s12], [sflag:$0x1] =	stream.indirect.gather [hbm4b:s5+s6], $0x40, s11, s6, $0xb8;
	[tilespmem:$0x14280] =	vst v63  }
0x13: {  	s14 =	simm.s32 $0x8280;
	s15 =	simm.s32 $0x1;
	s31 =	smax.u32 s18, $0x1  }
0x14: {  	[tilespmem:s14], [sflag:$0x1] =	stream.indirect.gather [hbm4b:s5+s6], $0x40, s13, s6, $0xb8;
	[tilespmem:$0x14280] =	vst v63  }
0x15: {  	s17 =	smul.u32 $0x1400, s17;
	p0 =	sne.s32 s31, $0x1;
	_ =	swait.ge [sflag:s15], $0xA000  }
.Ltmp0:
0x16: {  	[sflag:s15] =	ssyncset.done $0x0;
	(pc) =	sbr.rel @!p0 .LBB2_2-.Ltmp0, $4  }
0x17: {  	s16 =	sadd.s32 s16, s17;
	[sflag:s15] =	ssyncadd.s32 $0xFFFF6000  }
0x18: {  	[hbm4b:s16+s2] =	stream.linear.scatter [tilespmem:s7], [sflag:$0x2], $0xA000, $0x38;
	[tilespmem:$0x14280] =	vst v63  }
0x19: {  	_ =	swait.ge [sflag:s3], $0xA000  }
0x1a: {  	s17 =	sadd.s32 $0xFFFFFFFF, s31;
	[sflag:s3] =	ssyncset.done $0x0  }
.LBB2_1:
0x1b: {  	p0 =	sne.s32 s17, $0x1;
	s17 =	sadd.s32 $0xFFFFFFFF, s17;
	[sflag:s3] =	ssyncadd.s32 $0xFFFF6000  }
0x1c: {  	[tilespmem:s2], [sflag:$0x2] =	stream.linear.gather [hbm4b:s4+s2], $0x280, $0x38;
	[tilespmem:$0x14280] =	vst v63  }
0x1d: {  	_ =	swait.ge [sflag:s3], $0x280  }
0x1e: {  	[sflag:s3] =	ssyncset.done $0x0  }
0x1f: {  	[sflag:s3] =	ssyncadd.s32 $0xFFFFFD80  }
0x20: {  	[tilespmem:s7], [sflag:$0x1] =	stream.indirect.gather [hbm4b:s5+s6], $0x40, s2, s6, $0xb8;
	[tilespmem:$0x14280] =	vst v63  }
0x21: {  	_ = 	snop  }
0x22: {  	[tilespmem:s8], [sflag:$0x1] =	stream.indirect.gather [hbm4b:s5+s6], $0x40, s6, s6, $0xb8;
	[tilespmem:$0x14280] =	vst v63  }
0x23: {  	_ = 	snop  }
0x24: {  	[tilespmem:s10], [sflag:$0x1] =	stream.indirect.gather [hbm4b:s5+s6], $0x40, s9, s6, $0xb8;
	[tilespmem:$0x14280] =	vst v63  }
0x25: {  	_ = 	snop  }
0x26: {  	[tilespmem:s12], [sflag:$0x1] =	stream.indirect.gather [hbm4b:s5+s6], $0x40, s11, s6, $0xb8;
	[tilespmem:$0x14280] =	vst v63  }
0x27: {  	_ = 	snop  }
0x28: {  	[tilespmem:s14], [sflag:$0x1] =	stream.indirect.gather [hbm4b:s5+s6], $0x40, s13, s6, $0xb8;
	[tilespmem:$0x14280] =	vst v63  }
0x29: {  	_ =	swait.ge [sflag:s15], $0xA000  }
.Ltmp1:
0x2a: {  	[sflag:s15] =	ssyncset.done $0x0;
	(pc) =	sbr.rel @p0 .LBB2_1-.Ltmp1, $4  }
0x2b: {  	[sflag:s15] =	ssyncadd.s32 $0xFFFF6000  }
0x2c: {  	[hbm4b:s16+s2] =	stream.linear.scatter [tilespmem:s7], [sflag:$0x2], $0xA000, $0x38;
	[tilespmem:$0x14280] =	vst v63  }
0x2d: {  	_ =	swait.ge [sflag:s3], $0xA000  }
0x2e: {  	[sflag:s3] =	ssyncset.done $0x0  }
.LBB2_2:
0x2f: {  	[sflag:s3] =	ssyncadd.s32 $0xFFFF6000  }
0x30: {  	_ =	sfence.sel $0x180000  }
0x31: {  	[bflag:$0x0] =	sbarrier.arrive $0xFFFF  }
0x32: {  	p0 =	sne.s32 s0, $0x0;
	_ =	strace $0x9000004D  }
0x33: {  	s0 =	sadd.s32 @!p0 $0x100000, s1;
	[bflag:$0x2] =	sbarrier.arrive $0xFFFF  }
0x34: {  	[sflag:s0] =	ssyncadd.tile.s32 @!p0 $0x1;
	_ =	shalt  }
.Lfunc_end2:
_tile_overlayer_lowered:
.L_overlay_start_2:
0x35: {  	(tag) =	ssettag $0x2  }
0x36: {  	s0 =	rddreg [dreg:$0x0];
	s2 =	stileid.u32  }
0x37: {  	s1 =	rddreg [dreg:$0x1];
	p0 =	sne.s32 s2, $0x0  }
0x38: {  	s3 =	rddreg [dreg:$0x2];
	[bflag:$0x3] =	sbarrier.arrive $0xFFFF;
	s2 =	simm.s32 @!p0 $0x1C02  }
0x39: {  	[timem:s3], [sflag:s2] =	dma.local @!p0 [hbm:s0], s1  }
0x3a: {  	s0 =	simm.s32 @!p0 $0x2  }
0x3b: {  	_ =	swait.ge @!p0 [sflag:s0], s1  }
0x3c: {  	s1 =	ssub.s32 @!p0 $0x0, s1;
	[sflag:s0] =	ssyncset.done @!p0 $0x0  }
0x3d: {  	[sflag:s0] =	ssyncadd.s32 @!p0 s1  }
0x3e: {  	[bflag:$0x3] =	sbarrier.arrive $0xFFFF  }
0x3f: {  	_ =	shalt  }

// kernel: _run.5.cloned.1.call-start
scs
__scs_entry_jumppad:
0x0: {  	(pc) =	sbr.rel $0x88, $3  }
0x1: {  	(tag) =	ssettag $0x0;
	lr =	simm.s32 $0x1  }
0x2: {  	[smem:$0x3F9D] =	sst lr;
	_ =	strace $0xD0000000  }
0x3: {  	_ = 	snop  }
0x4: {  	_ = 	snop  }
0x5: {  	_ = 	snop  }
0x6: {  	_ = 	snop  }
0x7: {  	_ = 	snop  }
__scs_overlays_trampoline_lowered:
0x8: {  	[smem:$0x3FAC] =	sst s0  }
0x9: {  	[smem:$0x3FAD] =	sst s1  }
0xa: {  	[smem:$0x3FAE] =	sst s2  }
0xb: {  	[smem:$0x3FAF] =	sst s3  }
0xc: {  	[smem:$0x3FB0] =	sst s4  }
0xd: {  	[smem:$0x3FB1] =	sst s5  }
0xe: {  	[smem:$0x3FB2] =	sst s6  }
0xf: {  	[smem:$0x3FB3] =	sst s7  }
0x10: {  	[smem:$0x3FB4] =	sst s8  }
0x11: {  	[smem:$0x3FB5] =	sst s9;
	s0 =	simm.s32 @!p0 $0x0  }
0x12: {  	s1 =	sld [smem:$0x3F9B];
	s0 =	simm.s32 @p0 $0x1  }
0x13: {  	[smem:$0x3FB6] =	sst s0;
	s0 =	simm.s32 @!p1 $0x0  }
0x14: {  	s2 =	sld [smem:$0x3F9A];
	s0 =	simm.s32 @p1 $0x1  }
0x15: {  	[smem:$0x3FB7] =	sst s0;
	s0 =	simm.s32 @!p2 $0x0  }
0x16: {  	s3 =	sld [smem:$0x3FDB];
	s0 =	simm.s32 @p2 $0x1  }
0x17: {  	s4 =	simm.s32 $0x1BF5;
	[smem:$0x3FB9] =	sst s0  }
0x18: {  	s0 =	sld [smem:$0x3F9C];
	_ =	swait.ge [sflag:s4], $0x0  }
0x19: {  	s7 =	sld [smem:$0x3F9D]  }
0x1a: {  	s8 =	sadd.s32 $0xFFFFE003, lr  }
0x1b: {  	s9 =	sadd.s32 $0xFFFFFEF7, lr;
	s5 =	simm.s32 $0xFFFFFFFF;
	p2 =	slt.u32 s8, $0xFFFFF086  }
0x1c: {  	p1 =	slt.u32 s9, $0xF7A;
	s5 =	simm.s32 @!p2 $0x0  }
0x1d: {  	s5 =	simm.s32 @p1 $0x1;
	p0 =	seq.s32 s7, s2  }
0x1e: {  	s7 =	smul.u32 @!p0 $0xF7A, s2;
	p2 =	seq.s32 @!p0 s5, $0x0  }
0x1f: {  	s9 =	smul.u32 $0xF7A, s1;
	s8 =	simm.s32 @!p0 $0x1BF5;
	p2 =	por !p2, p0  }
0x20: {  	[sflag:s8] =	ssyncset.s32 @!p0 $0xFFFFF086;
	s6 =	sadd.s32 @!p0 s3, s7;
	s7 =	simm.s32 @!p0 $0x108  }
0x21: {  	s3 =	sadd.s32 s3, s9;
	s6 =	sadd.s32 @!p0 $0x88, s6;
	s7 =	simm.s32 @p2 $0x1082  }
0x22: {  	[simem:s7], [sflag:s8] =	dma.local @!p0 [hbm:s6], $0xF7A  }
0x23: {  	s9 =	sor.u32 $0xD0000000, s2;
	s6 =	simm.s32 $0x108;
	_ =	swait.ge @!p0 [sflag:s8], $0x0  }
0x24: {  	s3 =	sadd.s32 $0x88, s3;
	s6 =	simm.s32 @!p1 $0x1082;
	[sflag:s4] =	ssyncset.s32 $0xFFFFF086  }
0x25: {  	[simem:s6], [sflag:s4] =	dma.local [hbm:s3], $0xF7A  }
0x26: {  	[smem:$0x3F9D] =	sst s1;
	(tag) =	ssettag s2;
	_ =	strace s9  }
0x27: {  	s1 =	sld [smem:$0x3FAD]  }
0x28: {  	s2 =	sld [smem:$0x3FAE]  }
0x29: {  	s4 =	sld [smem:$0x3FB0]  }
0x2a: {  	p0 =	seq.s32 s5, $0x0;
	s5 =	sld [smem:$0x3FB1]  }
0x2b: {  	s6 =	sld [smem:$0x3FB2]  }
0x2c: {  	s7 =	sld [smem:$0x3FB3]  }
0x2d: {  	s3 =	simm.s32 $0x108;
	s8 =	sld [smem:$0x3FB4]  }
0x2e: {  	s3 =	simm.s32 @!p0 $0x1082;
	s9 =	sld [smem:$0x3FB5]  }
0x2f: {  	lr =	sadd.s32 s0, s3;
	s0 =	sld [smem:$0x3FAC]  }
0x30: {  	s3 =	sld [smem:$0x3FAF]  }
0x31: {  	[smem:$0x3FB8] =	sst s10  }
0x32: {  	s10 =	sld [smem:$0x3FB6];
	_ =	sdelay $0x3  }
0x33: {  	p0 =	seq.s32 s10, $0x1;
	s10 =	sld [smem:$0x3FB8];
	_ =	sdelay $0x3  }
0x34: {  	[smem:$0x3FB8] =	sst s10  }
0x35: {  	s10 =	sld [smem:$0x3FB7];
	_ =	sdelay $0x3  }
0x36: {  	p1 =	seq.s32 s10, $0x1;
	s10 =	sld [smem:$0x3FB8];
	_ =	sdelay $0x3  }
0x37: {  	[smem:$0x3FB8] =	sst s10  }
0x38: {  	s10 =	sld [smem:$0x3FB9]  }
0x39: {  	_ = 	snop;
	(pc) =	sbr.ind lr, $3  }
0x3a: {  	_ = 	snop  }
0x3b: {  	_ = 	snop  }
0x3c: {  	p2 =	seq.s32 s10, $0x1;
	s10 =	sld [smem:$0x3FB8]  }
0x3d: {  	_ =	shalt  }
0x3e: {  	_ =	shalt  }
0x3f: {  	_ =	shalt  }
0x40: {  	_ =	shalt  }
0x41: {  	_ =	shalt  }
0x42: {  	_ =	shalt  }
0x43: {  	_ =	shalt  }
0x44: {  	_ =	shalt  }
0x45: {  	_ =	shalt  }
0x46: {  	_ =	shalt  }
0x47: {  	_ =	shalt  }
0x48: {  	_ =	shalt  }
0x49: {  	_ =	shalt  }
0x4a: {  	_ =	shalt  }
0x4b: {  	_ =	shalt  }
0x4c: {  	_ =	shalt  }
0x4d: {  	_ =	shalt  }
0x4e: {  	_ =	shalt  }
0x4f: {  	_ =	shalt  }
0x50: {  	_ =	shalt  }
0x51: {  	_ =	shalt  }
0x52: {  	_ =	shalt  }
0x53: {  	_ =	shalt  }
0x54: {  	_ =	shalt  }
0x55: {  	_ =	shalt  }
0x56: {  	_ =	shalt  }
0x57: {  	_ =	shalt  }
0x58: {  	_ =	shalt  }
0x59: {  	_ =	shalt  }
0x5a: {  	_ =	shalt  }
0x5b: {  	_ =	shalt  }
0x5c: {  	_ =	shalt  }
0x5d: {  	_ =	shalt  }
0x5e: {  	_ =	shalt  }
0x5f: {  	_ =	shalt  }
0x60: {  	_ =	shalt  }
0x61: {  	_ =	shalt  }
0x62: {  	_ =	shalt  }
0x63: {  	_ =	shalt  }
0x64: {  	_ =	shalt  }
0x65: {  	_ =	shalt  }
0x66: {  	_ =	shalt  }
0x67: {  	_ =	shalt  }
0x68: {  	_ =	shalt  }
0x69: {  	_ =	shalt  }
0x6a: {  	_ =	shalt  }
0x6b: {  	_ =	shalt  }
0x6c: {  	_ =	shalt  }
0x6d: {  	_ =	shalt  }
0x6e: {  	_ =	shalt  }
0x6f: {  	_ =	shalt  }
0x70: {  	_ =	shalt  }
0x71: {  	_ =	shalt  }
0x72: {  	_ =	shalt  }
0x73: {  	_ =	shalt  }
0x74: {  	_ =	shalt  }
0x75: {  	_ =	shalt  }
0x76: {  	_ =	shalt  }
0x77: {  	_ =	shalt  }
0x78: {  	_ =	shalt  }
0x79: {  	_ =	shalt  }
0x7a: {  	_ =	shalt  }
0x7b: {  	_ =	shalt  }
0x7c: {  	_ =	shalt  }
0x7d: {  	_ =	shalt  }
0x7e: {  	_ =	shalt  }
0x7f: {  	_ =	shalt  }
0x80: {  	_ =	shalt  }
0x81: {  	_ =	shalt  }
0x82: {  	_ =	shalt  }
0x83: {  	_ =	shalt  }
0x84: {  	_ =	shalt  }
0x85: {  	_ =	shalt  }
0x86: {  	_ =	shalt  }
0x87: {  	_ =	shalt  }
.Lfunc_end0:
.L_simem_size_0:
called_computation.2_lowered:
.L_overlay_start_0:
0x88: {  	s2 =	sld [smem:$0x3FD9]  }
0x89: {  	s3 =	sld [smem:$0x3FFE];
	_ =	sdelay $0x1  }
0x8a: {  	s1 =	srdreg.scid  }
0x8b: {  	s0 =	sand.u32 $0x1, s1  }
0x8c: {  	s15 =	sshll.u32 s0, $0xA;
	s2 =	sadd.s32 s3, s2  }
0x8d: {  	s2 =	sadd.s32 s2, s15  }
0x8e: {  	[smem:$0x3FC4] =	sst s2  }
0x8f: {  	_ = 	snop  }
0x90: {  	s16 =	sld [smem:$0x3FD0];
	_ =	sdelay $0x2  }
0x91: {  	s4 =	simm.s32 $0xC;
	s5 =	simm.s32 $0x10;
	s2 =	sld [smem:$0x3FC9]  }
0x92: {  	[smem:s5], [sflag:s4] =	dma.local [hbm:s16], $0x1  }
0x93: {  	_ =	swait.eq [sflag:s4], $0x1  }
0x94: {  	[sflag:s4] =	ssyncset.done $0x0  }
0x95: {  	[sflag:s4] =	ssyncadd.s32 $0xFFFFFFFF  }
0x96: {  	s17 =	sld [smem:$0x10];
	(tm) =	ssettm $0x1  }
0x97: {  	s18 =	sld [smem:$0x3FFB];
	_ =	sdelay $0x3  }
0x98: {  	_ =	strace s18  }
0x99: {  	s3 =	sld [smem:$0x3FFC];
	_ =	sdelay $0x3  }
0x9a: {  	_ =	strace s3  }
0x9b: {  	s3 =	sld [smem:$0x3FFD];
	_ =	sdelay $0x3  }
0x9c: {  	_ =	strace s3  }
0x9d: {  	_ =	strace $0x8FFFFFFF  }
0x9e: {  	s19 =	sld [smem:$0x3FDB];
	_ =	sdelay $0x1  }
0x9f: {  	s20 =	simm.s32 $_scs_section_size  }
0xa0: {  	s6 =	simm.s32 $_size__tile_overlayer_lowered;
	s7 =	simm.s32 $_tile_overlayer_lowered  }
0xa1: {  	s8 =	simm.s32 $0x1BFF;
	s21 =	sshll.u32 s7, $0x1;
	s5 =	sadd.s32 s20, s19  }
0xa2: {  	s22 =	simm.s32 $0x0;
	s6 =	sshll.u32 s6, $0x1;
	s7 =	sadd.s32 s21, s5  }
0xa3: {  	[timem:s22], [sflag:s8] =	dma.local [hbm:s7], s6  }
0xa4: {  	_ =	swait.ge [sflag:s8], s6  }
0xa5: {  	s6 =	ssub.s32 $0x0, s6;
	[sflag:s8] =	ssyncset.done $0x0  }
0xa6: {  	[sflag:s8] =	ssyncadd.s32 s6;
	_ =	sdelay $0x1  }
0xa7: {  	s23 =	simm.s32 $0x1B8B  }
0xa8: {  	_ =	swait.ge [sflag:s23], $0x1  }
0xa9: {  	[sflag:s23] =	ssyncset.done $0x0  }
0xaa: {  	[sflag:s23] =	ssyncadd.s32 $0xFFFFFFFF  }
0xab: {  	s6 =	sld [smem:$0x0]  }
0xac: {  	s7 =	sand.u32 $0xFFFFFFFE, s1  }
0xad: {  	p0 =	sne.s32 s1, s7  }
0xae: {  	s7 =	sshll.u32 @p0 s7, $0xE  }
0xaf: {  	s7 =	sadd.s32 @p0 $0x11B8D, s7;
	s8 =	sshll.u32 @p0 s6, $0x11  }
0xb0: {  	s7 =	sor.u32 @p0 s8, s7  }
0xb1: {  	[sflag:s7] =	ssyncadd.remote.s32 @p0 $0x1;
	_ =	sdelay $0x1  }
0xb2: {  	s7 =	simm.s32 @p0 $0x1B8D  }
0xb3: {  	_ =	swait.eq @p0 [sflag:s7], $0x1  }
0xb4: {  	[sflag:s7] =	ssyncadd.s32 @p0 $0xFFFFFFFF  }
0xb5: {  	s8 =	sshll.u32 @!p0 s1, $0xE  }
0xb6: {  	s8 =	sor.u32 @!p0 $0x4000, s8;
	s7 =	simm.s32 @!p0 $0x1B8D  }
0xb7: {  	s6 =	sshll.u32 @!p0 s6, $0x11;
	s8 =	sadd.s32 @!p0 $0x11B8D, s8;
	_ =	swait.eq @!p0 [sflag:s7], $0x1  }
0xb8: {  	s6 =	sor.u32 @!p0 s6, s8;
	[sflag:s7] =	ssyncadd.s32 @!p0 $0xFFFFFFFF  }
0xb9: {  	s25 =	simm.s32 $0x1B8E;
	s24 =	sld [smem:$0x3FFE];
	[sflag:s6] =	ssyncadd.remote.s32 @!p0 $0x1  }
0xba: {  	s26 =	simm.s32 $execute0_lowered;
	[smem:$0x3FD2] =	sst s25  }
0xbb: {  	s7 =	sshll.u32 s26, $0x1;
	_ =	strace $0x80000049;
	[dreg:$0x1] =	wrdreg $0xFFFFFFFF  }
0xbc: {  	s28 =	simm.s32 $_size_execute0_lowered;
	s5 =	sadd.s32 s5, s7;
	[dreg:$0x0] =	wrdreg $0x0  }
0xbd: {  	s7 =	sshll.u32 s28, $0x1;
	[dreg:$0x2] =	wrdreg s5  }
0xbe: {  	[dreg:$0x3] =	wrdreg s7  }
0xbf: {  	[dreg:$0x4] =	wrdreg $0xC0  }
0xc0: {  	_ =	task [dreg:s22], $0x5FFFF  }
0xc1: {  	[dreg:$0x1] =	wrdreg $0xFFFFFFFF  }
0xc2: {  	[dreg:$0x0] =	wrdreg $0x60  }
0xc3: {  	[dreg:$0x2] =	wrdreg s2  }
0xc4: {  	[dreg:$0x3] =	wrdreg s24  }
0xc5: {  	[dreg:$0x4] =	wrdreg s17  }
0xc6: {  	[dreg:$0x5] =	wrdreg $0xB  }
0xc7: {  	_ =	task.clear_ibuf [dreg:s22], $0x6FFFF;
	_ =	strace $0x90000049  }
0xc8: {  	s29 =	simm.s32 $0xB;
	_ =	strace $0x8000004B  }
0xc9: {  	_ =	swait.ge [sflag:s29], $0x1  }
0xca: {  	[sflag:s29] =	ssyncadd.s32 $0xFFFFFFFF  }
0xcb: {  	_ =	strace $0x9000004B  }
0xcc: {  	_ =	sfence  }
0xcd: {  	s30 =	sld [smem:$0x0];
	_ =	sdelay $0x2  }
0xce: {  	s31 =	sshll.u32 s1, $0xD;
	s1 =	sshrl.u32 s1, $0x2  }
0xcf: {  	s4 =	sand.u32 $0x4000, s31;
	s1 =	sadd.s32 s1, s30  }
0xd0: {  	s0 =	sor.u32 s4, s0;
	s1 =	sshll.u32 s1, $0x11  }
0xd1: {  	s0 =	sor.u32 s1, s0  }
0xd2: {  	s0 =	sadd.s32 $0x8F2B, s0  }
0xd3: {  	[sflag:s0] =	ssyncadd.remote.s32 $0x1  }
0xd4: {  	_ =	sfence.sel $0xFFFF  }
0xd5: {  	[dreg:$0x0] =	wrdreg $0xFFFFFFFF;
	(pc) =	sbr.abs _section_cstart, $3  }
0xd6: {  	[dreg:$0x1] =	wrdreg $0xFFFFFFFF  }
0xd7: {  	_ =	task.clear_ibuf [dreg:s22], $0x2FFFF;
	_ =	strace $0x9FFFFFFF  }
0xd8: {  	(tm) =	ssettm $0x7FFFFFFF  }
0xd9: {  	_ =	shalt  }
tec
execute0_lowered:
.L_overlay_start_1:
0x0: {  	(tag) =	ssettag $0x1  }
0x1: {  	s0 =	rddreg [dreg:$0x0]  }
0x2: {  	s1 =	srdreg.scid;
	s19 =	stileid.u32  }
0x3: {  	s3 =	rddreg [dreg:$0x1];
	s1 =	sand.u32 $0x1, s1;
	s2 =	sshll.u32 s19, $0x1  }
0x4: {  	s4 =	rddreg [dreg:$0x2];
	s5 =	sor.u32 s1, s2;
	s2 =	simm.s32 $0x0  }
0x5: {  	s8 =	simm.s32 $0x280;
	[smem:$0x7FF] =	sst s2  }
0x6: {  	s9 =	simm.s32 $0x300;
	_ =	strace $0x8000004A;
	[dreg:$0x11] =	wrdreg s8  }
0x7: {  	s10 =	simm.s32 $0x380;
	[dreg:$0x12] =	wrdreg s9  }
0x8: {  	s11 =	simm.s32 $0x400;
	[dreg:$0x13] =	wrdreg s10  }
0x9: {  	s12 =	simm.s32 $0x480;
	[dreg:$0x14] =	wrdreg s11  }
0xa: {  	s13 =	simm.s32 $0x500;
	[dreg:$0x15] =	wrdreg s12  }
0xb: {  	s14 =	simm.s32 $0x580;
	[dreg:$0x16] =	wrdreg s13  }
0xc: {  	s15 =	simm.s32 $0x600;
	[dreg:$0x17] =	wrdreg s14  }
0xd: {  	s16 =	simm.s32 $0x680;
	[dreg:$0x18] =	wrdreg s15  }
0xe: {  	[dreg:$0x19] =	wrdreg s16;
	s8 =	simm.s32 $0xC00  }
0xf: {  	s9 =	simm.s32 $0xC80;
	[smem:$0x7EE] =	sst s8  }
0x10: {  	s10 =	simm.s32 $0xD00;
	[smem:$0x7EF] =	sst s9  }
0x11: {  	s11 =	simm.s32 $0xD80;
	[smem:$0x7F0] =	sst s10  }
0x12: {  	s12 =	simm.s32 $0xE00;
	[smem:$0x7F1] =	sst s11  }
0x13: {  	s6 =	smul.u32 $0x64000, s5;
	s13 =	simm.s32 $0xE80;
	[smem:$0x7F2] =	sst s12  }
0x14: {  	s7 =	smul.u32 $0x320, s5;
	s15 =	simm.s32 $0xF00;
	[smem:$0x7F3] =	sst s13  }
0x15: {  	s5 =	smul.u32 $0xC800, s5;
	s16 =	simm.s32 $0xF80;
	[smem:$0x7F4] =	sst s15  }
0x16: {  	s0 =	sadd.s32 s0, s7;
	[smem:$0x7F5] =	sst s16  }
0x17: {  	s24 =	sadd.s32 s4, s5;
	s5 =	simm.s32 $0x100;
	[dreg:$0x4] =	wrdreg s0  }
0x18: {  	s31 =	simm.s32 $0x5;
	s7 =	simm.s32 $0x200;
	[dreg:$0xe] =	wrdreg s5  }
0x19: {  	s28 =	simm.s32 $0x1480;
	s20 =	sadd.s32 $0x1400, s24;
	[dreg:$0x10] =	wrdreg s7  }
0x1a: {  	s29 =	simm.s32 $0x1500;
	s21 =	sadd.s32 $0x2800, s24;
	[dreg:$0x7] =	wrdreg s20  }
0x1b: {  	s30 =	simm.s32 $0x1580;
	s22 =	sadd.s32 $0x3C00, s24;
	[dreg:$0x8] =	wrdreg s21  }
0x1c: {  	p0 =	por $0x0, $0x0;
	s23 =	sadd.s32 $0x5000, s24;
	[dreg:$0x9] =	wrdreg s22  }
0x1d: {  	s3 =	sadd.s32 $0x1400, s3;
	s25 =	sadd.s32 $0x6400, s24;
	[dreg:$0xa] =	wrdreg s23  }
0x1e: {  	s6 =	sshrl.u32 s6, $0x3;
	s26 =	sadd.s32 $0x7800, s24;
	[dreg:$0xb] =	wrdreg s25  }
0x1f: {  	s6 =	sadd.s32 s4, s6;
	s4 =	sadd.s32 $0x8C00, s24;
	[dreg:$0xc] =	wrdreg s26  }
0x20: {  	s1 =	ssub.s32 $0x2, s1;
	s5 =	simm.s32 $0xA80;
	[dreg:$0xd] =	wrdreg s4  }
0x21: {  	s14 =	simm.s32 $0x9900;
	s7 =	simm.s32 $0xB80;
	[smem:$0x7EB] =	sst s5  }
0x22: {  	s8 =	simm.s32 $0x5900;
	s10 =	simm.s32 $0x7900;
	[smem:$0x7ED] =	sst s7  }
0x23: {  	s9 =	simm.s32 $0xD900;
	s17 =	sadd.s32 $0xA000, s6;
	s0 =	rddreg [dreg:$0x4]  }
0x24: {  	s11 =	simm.s32 $0xF900;
	s18 =	sadd.s32 $0xB400, s6;
	[dreg:$0x5] =	wrdreg s17  }
0x25: {  	s15 =	simm.s32 $0x11900;
	s6 =	simm.s32 $0x180;
	[dreg:$0x6] =	wrdreg s18  }
0x26: {  	s16 =	simm.s32 $0x3;
	s20 =	simm.s32 $0x800;
	[dreg:$0xf] =	wrdreg s6  }
0x27: {  	s13 =	simm.s32 $0x2;
	s21 =	simm.s32 $0x880;
	[dreg:$0x1c] =	wrdreg s20  }
0x28: {  	s12 =	simm.s32 $0x4;
	s22 =	simm.s32 $0x900;
	[dreg:$0x1d] =	wrdreg s21  }
0x29: {  	s23 =	simm.s32 $0x980;
	s25 =	simm.s32 $0xA00;
	[dreg:$0x1e] =	wrdreg s22  }
0x2a: {  	s26 =	sshrl.u32 s1, $0x1;
	s5 =	simm.s32 $0x80;
	[dreg:$0x1f] =	wrdreg s23  }
0x2b: {  	s4 =	simm.s32 $0x1900;
	s17 =	simm.s32 $0x700;
	[smem:$0x7EA] =	sst s25  }
0x2c: {  	s7 =	simm.s32 $0x3900;
	s18 =	simm.s32 $0x780;
	[dreg:$0x1a] =	wrdreg s17  }
0x2d: {  	s1 =	ssub.s32 s1, s26;
	s6 =	simm.s32 $0xB00;
	[dreg:$0x1b] =	wrdreg s18  }
0x2e: {  	s20 =	simm.s32 $0x1100;
	s21 =	simm.s32 $0x1180;
	[smem:$0x7EC] =	sst s6  }
0x2f: {  	s22 =	simm.s32 $0x1200;
	s23 =	simm.s32 $0x1280;
	[smem:$0x7F8] =	sst s20  }
0x30: {  	s25 =	simm.s32 $0x1300;
	s26 =	simm.s32 $0x1380;
	[smem:$0x7F9] =	sst s21  }
0x31: {  	s1 =	smax.u32 s1, $0x1;
	s6 =	simm.s32 $0xB900;
	[smem:$0x7FA] =	sst s22  }
0x32: {  	s17 =	simm.s32 $0x1000;
	[smem:$0x7FB] =	sst s23;
	p1 =	sne.s32 s1, $0x1  }
.Ltmp0:
0x33: {  	s18 =	simm.s32 $0x1080;
	[smem:$0x7FC] =	sst s25;
	(pc) =	sbr.rel @!p1 .LBB2_1-.Ltmp0, $4  }
0x34: {  	[smem:$0x7FD] =	sst s26;
	s26 =	simm.s32 $0x1600;
	s20 =	simm.s32 $0x1680  }
0x35: {  	s21 =	simm.s32 $0x1700;
	s22 =	simm.s32 $0x1780;
	[smem:$0x7F6] =	sst s17  }
0x36: {  	s23 =	simm.s32 $0x1800;
	s25 =	simm.s32 $0x1880;
	[smem:$0x7F7] =	sst s18  }
0x37: {  	s18 =	simm.s32 $0x13900;
	s17 =	simm.s32 $0x1;
	s1 =	sadd.s32 $0xFFFFFFFF, s1  }
0x38: {  	[tilespmem:s2], [sflag:$0x5] =	stream.linear.gather [hbm4b:s0+s2], $0x1900, $0x38;
	[tilespmem:$0x15900] =	vst v63  }
0x39: {  	_ =	swait.ge [sflag:s31], $0x1900  }
0x3a: {  	[sflag:s31] =	ssyncset.done $0x0  }
0x3b: {  	[sflag:s31] =	ssyncadd.s32 $0xFFFFE700  }
0x3c: {  	[tilespmem:s4], [sflag:$0x1] =	stream.indirect.gather [hbm4b:s3+s5], $0x40, s2, s5, $0xb8;
	[tilespmem:$0x15900] =	vst v63  }
0x3d: {  	_ = 	snop  }
0x3e: {  	[tilespmem:s7], [sflag:$0x1] =	stream.indirect.gather [hbm4b:s3+s5], $0x40, s5, s5, $0xb8;
	[tilespmem:$0x15900] =	vst v63  }
0x3f: {  	s0 =	rddreg [dreg:$0xe]  }
0x40: {  	[tilespmem:s8], [sflag:$0x1] =	stream.indirect.gather [hbm4b:s3+s5], $0x40, s0, s5, $0xb8;
	[tilespmem:$0x15900] =	vst v63  }
0x41: {  	s19 =	smov.u32 s1;
	s1 =	rddreg [dreg:$0xf]  }
0x42: {  	[tilespmem:s10], [sflag:$0x1] =	stream.indirect.gather [hbm4b:s3+s5], $0x40, s1, s5, $0xb8;
	[tilespmem:$0x15900] =	vst v63  }
0x43: {  	s0 =	rddreg [dreg:$0x10]  }
0x44: {  	[tilespmem:s14], [sflag:$0x1] =	stream.indirect.gather [hbm4b:s3+s5], $0x40, s0, s5, $0xb8;
	[tilespmem:$0x15900] =	vst v63  }
0x45: {  	s1 =	rddreg [dreg:$0x11]  }
0x46: {  	[tilespmem:s6], [sflag:$0x2] =	stream.indirect.gather [hbm4b:s3+s5], $0x40, s1, s5, $0xb8;
	[tilespmem:$0x15900] =	vst v63  }
0x47: {  	s0 =	rddreg [dreg:$0x12]  }
0x48: {  	[tilespmem:s9], [sflag:$0x2] =	stream.indirect.gather [hbm4b:s3+s5], $0x40, s0, s5, $0xb8;
	[tilespmem:$0x15900] =	vst v63  }
0x49: {  	s1 =	rddreg [dreg:$0x13]  }
0x4a: {  	[tilespmem:s11], [sflag:$0x2] =	stream.indirect.gather [hbm4b:s3+s5], $0x40, s1, s5, $0xb8;
	[tilespmem:$0x15900] =	vst v63  }
0x4b: {  	s0 =	rddreg [dreg:$0x14]  }
0x4c: {  	[tilespmem:s15], [sflag:$0x2] =	stream.indirect.gather [hbm4b:s3+s5], $0x40, s0, s5, $0xb8;
	[tilespmem:$0x15900] =	vst v63  }
0x4d: {  	s1 =	rddreg [dreg:$0x15]  }
0x4e: {  	[tilespmem:s18], [sflag:$0x2] =	stream.indirect.gather [hbm4b:s3+s5], $0x40, s1, s5, $0xb8;
	[tilespmem:$0x15900] =	vst v63  }
0x4f: {  	_ =	swait.ge [sflag:s17], $0xA000  }
0x50: {  	[sflag:s17] =	ssyncset.done $0x0  }
0x51: {  	[sflag:s17] =	ssyncadd.s32 $0xFFFF6000  }
0x52: {  	[hbm4b:s24+s2] =	stream.linear.scatter [tilespmem:s4], [sflag:$0x3], $0xA000, $0x38;
	[tilespmem:$0x15900] =	vst v63  }
0x53: {  	_ =	swait.ge [sflag:s16], $0xA000  }
0x54: {  	[sflag:s16] =	ssyncset.done $0x0  }
0x55: {  	s0 =	rddreg [dreg:$0x16];
	[sflag:s16] =	ssyncadd.s32 $0xFFFF6000  }
0x56: {  	[tilespmem:s4], [sflag:$0x1] =	stream.indirect.gather [hbm4b:s3+s5], $0x40, s0, s5, $0xb8;
	[tilespmem:$0x15900] =	vst v63  }
0x57: {  	s1 =	rddreg [dreg:$0x17]  }
0x58: {  	[tilespmem:s7], [sflag:$0x1] =	stream.indirect.gather [hbm4b:s3+s5], $0x40, s1, s5, $0xb8;
	[tilespmem:$0x15900] =	vst v63  }
0x59: {  	s0 =	rddreg [dreg:$0x18]  }
0x5a: {  	[tilespmem:s8], [sflag:$0x1] =	stream.indirect.gather [hbm4b:s3+s5], $0x40, s0, s5, $0xb8;
	[tilespmem:$0x15900] =	vst v63  }
0x5b: {  	s1 =	rddreg [dreg:$0x19]  }
0x5c: {  	[tilespmem:s10], [sflag:$0x1] =	stream.indirect.gather [hbm4b:s3+s5], $0x40, s1, s5, $0xb8;
	[tilespmem:$0x15900] =	vst v63  }
0x5d: {  	s0 =	rddreg [dreg:$0x1a]  }
0x5e: {  	[tilespmem:s14], [sflag:$0x1] =	stream.indirect.gather [hbm4b:s3+s5], $0x40, s0, s5, $0xb8;
	[tilespmem:$0x15900] =	vst v63  }
0x5f: {  	_ =	swait.ge [sflag:s13], $0xA000  }
0x60: {  	[sflag:s13] =	ssyncset.done $0x0  }
0x61: {  	s1 =	rddreg [dreg:$0x7];
	[sflag:s13] =	ssyncadd.s32 $0xFFFF6000  }
0x62: {  	[hbm4b:s1+s2] =	stream.linear.scatter [tilespmem:s6], [sflag:$0x4], $0xA000, $0x38;
	[tilespmem:$0x15900] =	vst v63  }
0x63: {  	_ =	swait.ge [sflag:s12], $0xA000  }
0x64: {  	[sflag:s12] =	ssyncset.done $0x0  }
0x65: {  	s0 =	rddreg [dreg:$0x1b];
	[sflag:s12] =	ssyncadd.s32 $0xFFFF6000  }
0x66: {  	[tilespmem:s6], [sflag:$0x2] =	stream.indirect.gather [hbm4b:s3+s5], $0x40, s0, s5, $0xb8;
	[tilespmem:$0x15900] =	vst v63  }
0x67: {  	s1 =	rddreg [dreg:$0x1c]  }
0x68: {  	[tilespmem:s9], [sflag:$0x2] =	stream.indirect.gather [hbm4b:s3+s5], $0x40, s1, s5, $0xb8;
	[tilespmem:$0x15900] =	vst v63  }
0x69: {  	s0 =	rddreg [dreg:$0x1d]  }
0x6a: {  	[tilespmem:s11], [sflag:$0x2] =	stream.indirect.gather [hbm4b:s3+s5], $0x40, s0, s5, $0xb8;
	[tilespmem:$0x15900] =	vst v63  }
0x6b: {  	s1 =	rddreg [dreg:$0x1e]  }
0x6c: {  	[tilespmem:s15], [sflag:$0x2] =	stream.indirect.gather [hbm4b:s3+s5], $0x40, s1, s5, $0xb8;
	[tilespmem:$0x15900] =	vst v63  }
0x6d: {  	s0 =	rddreg [dreg:$0x1f]  }
0x6e: {  	[tilespmem:s18], [sflag:$0x2] =	stream.indirect.gather [hbm4b:s3+s5], $0x40, s0, s5, $0xb8;
	[tilespmem:$0x15900] =	vst v63  }
0x6f: {  	_ =	swait.ge [sflag:s17], $0xA000  }
0x70: {  	[sflag:s17] =	ssyncset.done $0x0  }
0x71: {  	s1 =	rddreg [dreg:$0x8];
	[sflag:s17] =	ssyncadd.s32 $0xFFFF6000  }
0x72: {  	[hbm4b:s1+s2] =	stream.linear.scatter [tilespmem:s4], [sflag:$0x3], $0xA000, $0x38;
	[tilespmem:$0x15900] =	vst v63  }
0x73: {  	_ =	swait.ge [sflag:s16], $0xA000  }
0x74: {  	s0 =	sld [smem:$0x7EA]  }
0x75: {  	[sflag:s16] =	ssyncset.done $0x0  }
0x76: {  	s1 =	sld [smem:$0x7EB];
	[sflag:s16] =	ssyncadd.s32 $0xFFFF6000  }
0x77: {  	[tilespmem:s4], [sflag:$0x1] =	stream.indirect.gather [hbm4b:s3+s5], $0x40, s0, s5, $0xb8;
	[tilespmem:$0x15900] =	vst v63  }
0x78: {  	s0 =	sld [smem:$0x7EC]  }
0x79: {  	[tilespmem:s7], [sflag:$0x1] =	stream.indirect.gather [hbm4b:s3+s5], $0x40, s1, s5, $0xb8;
	[tilespmem:$0x15900] =	vst v63  }
0x7a: {  	s1 =	sld [smem:$0x7ED]  }
0x7b: {  	[tilespmem:s8], [sflag:$0x1] =	stream.indirect.gather [hbm4b:s3+s5], $0x40, s0, s5, $0xb8;
	[tilespmem:$0x15900] =	vst v63  }
0x7c: {  	s0 =	sld [smem:$0x7EE]  }
0x7d: {  	[tilespmem:s10], [sflag:$0x1] =	stream.indirect.gather [hbm4b:s3+s5], $0x40, s1, s5, $0xb8;
	[tilespmem:$0x15900] =	vst v63  }
0x7e: {  	_ = 	snop  }
0x7f: {  	[tilespmem:s14], [sflag:$0x1] =	stream.indirect.gather [hbm4b:s3+s5], $0x40, s0, s5, $0xb8;
	[tilespmem:$0x15900] =	vst v63  }
0x80: {  	_ =	swait.ge [sflag:s13], $0xA000  }
0x81: {  	[sflag:s13] =	ssyncset.done $0x0  }
0x82: {  	s1 =	rddreg [dreg:$0x9];
	[sflag:s13] =	ssyncadd.s32 $0xFFFF6000  }
0x83: {  	[hbm4b:s1+s2] =	stream.linear.scatter [tilespmem:s6], [sflag:$0x4], $0xA000, $0x38;
	[tilespmem:$0x15900] =	vst v63  }
0x84: {  	_ =	swait.ge [sflag:s12], $0xA000  }
0x85: {  	s0 =	sld [smem:$0x7EF]  }
0x86: {  	[sflag:s12] =	ssyncset.done $0x0  }
0x87: {  	s1 =	sld [smem:$0x7F0];
	[sflag:s12] =	ssyncadd.s32 $0xFFFF6000  }
0x88: {  	[tilespmem:s6], [sflag:$0x2] =	stream.indirect.gather [hbm4b:s3+s5], $0x40, s0, s5, $0xb8;
	[tilespmem:$0x15900] =	vst v63  }
0x89: {  	s0 =	sld [smem:$0x7F1]  }
0x8a: {  	[tilespmem:s9], [sflag:$0x2] =	stream.indirect.gather [hbm4b:s3+s5], $0x40, s1, s5, $0xb8;
	[tilespmem:$0x15900] =	vst v63  }
0x8b: {  	s1 =	sld [smem:$0x7F2]  }
0x8c: {  	[tilespmem:s11], [sflag:$0x2] =	stream.indirect.gather [hbm4b:s3+s5], $0x40, s0, s5, $0xb8;
	[tilespmem:$0x15900] =	vst v63  }
0x8d: {  	s0 =	sld [smem:$0x7F3]  }
0x8e: {  	[tilespmem:s15], [sflag:$0x2] =	stream.indirect.gather [hbm4b:s3+s5], $0x40, s1, s5, $0xb8;
	[tilespmem:$0x15900] =	vst v63  }
0x8f: {  	_ = 	snop  }
0x90: {  	[tilespmem:s18], [sflag:$0x2] =	stream.indirect.gather [hbm4b:s3+s5], $0x40, s0, s5, $0xb8;
	[tilespmem:$0x15900] =	vst v63  }
0x91: {  	_ =	swait.ge [sflag:s17], $0xA000  }
0x92: {  	[sflag:s17] =	ssyncset.done $0x0  }
0x93: {  	s1 =	rddreg [dreg:$0xa];
	[sflag:s17] =	ssyncadd.s32 $0xFFFF6000  }
0x94: {  	[hbm4b:s1+s2] =	stream.linear.scatter [tilespmem:s4], [sflag:$0x3], $0xA000, $0x38;
	[tilespmem:$0x15900] =	vst v63  }
0x95: {  	_ =	swait.ge [sflag:s16], $0xA000  }
0x96: {  	s0 =	sld [smem:$0x7F4]  }
0x97: {  	[sflag:s16] =	ssyncset.done $0x0  }
0x98: {  	s1 =	sld [smem:$0x7F5];
	[sflag:s16] =	ssyncadd.s32 $0xFFFF6000  }
0x99: {  	[tilespmem:s4], [sflag:$0x1] =	stream.indirect.gather [hbm4b:s3+s5], $0x40, s0, s5, $0xb8;
	[tilespmem:$0x15900] =	vst v63  }
0x9a: {  	s0 =	sld [smem:$0x7F6]  }
0x9b: {  	[tilespmem:s7], [sflag:$0x1] =	stream.indirect.gather [hbm4b:s3+s5], $0x40, s1, s5, $0xb8;
	[tilespmem:$0x15900] =	vst v63  }
0x9c: {  	s1 =	sld [smem:$0x7F7]  }
0x9d: {  	[tilespmem:s8], [sflag:$0x1] =	stream.indirect.gather [hbm4b:s3+s5], $0x40, s0, s5, $0xb8;
	[tilespmem:$0x15900] =	vst v63  }
0x9e: {  	s0 =	sld [smem:$0x7F8]  }
0x9f: {  	[tilespmem:s10], [sflag:$0x1] =	stream.indirect.gather [hbm4b:s3+s5], $0x40, s1, s5, $0xb8;
	[tilespmem:$0x15900] =	vst v63  }
0xa0: {  	_ = 	snop  }
0xa1: {  	[tilespmem:s14], [sflag:$0x1] =	stream.indirect.gather [hbm4b:s3+s5], $0x40, s0, s5, $0xb8;
	[tilespmem:$0x15900] =	vst v63  }
0xa2: {  	_ =	swait.ge [sflag:s13], $0xA000  }
0xa3: {  	[sflag:s13] =	ssyncset.done $0x0  }
0xa4: {  	s1 =	rddreg [dreg:$0xb];
	[sflag:s13] =	ssyncadd.s32 $0xFFFF6000  }
0xa5: {  	[hbm4b:s1+s2] =	stream.linear.scatter [tilespmem:s6], [sflag:$0x4], $0xA000, $0x38;
	[tilespmem:$0x15900] =	vst v63  }
0xa6: {  	_ =	swait.ge [sflag:s12], $0xA000  }
0xa7: {  	s0 =	sld [smem:$0x7F9]  }
0xa8: {  	[sflag:s12] =	ssyncset.done $0x0  }
0xa9: {  	s1 =	sld [smem:$0x7FA];
	[sflag:s12] =	ssyncadd.s32 $0xFFFF6000  }
0xaa: {  	[tilespmem:s6], [sflag:$0x2] =	stream.indirect.gather [hbm4b:s3+s5], $0x40, s0, s5, $0xb8;
	[tilespmem:$0x15900] =	vst v63  }
0xab: {  	s0 =	sld [smem:$0x7FB]  }
0xac: {  	[tilespmem:s9], [sflag:$0x2] =	stream.indirect.gather [hbm4b:s3+s5], $0x40, s1, s5, $0xb8;
	[tilespmem:$0x15900] =	vst v63  }
0xad: {  	s1 =	sld [smem:$0x7FC]  }
0xae: {  	[tilespmem:s11], [sflag:$0x2] =	stream.indirect.gather [hbm4b:s3+s5], $0x40, s0, s5, $0xb8;
	[tilespmem:$0x15900] =	vst v63  }
0xaf: {  	s0 =	sld [smem:$0x7FD]  }
0xb0: {  	[tilespmem:s15], [sflag:$0x2] =	stream.indirect.gather [hbm4b:s3+s5], $0x40, s1, s5, $0xb8;
	[tilespmem:$0x15900] =	vst v63  }
0xb1: {  	_ = 	snop  }
0xb2: {  	[tilespmem:s18], [sflag:$0x2] =	stream.indirect.gather [hbm4b:s3+s5], $0x40, s0, s5, $0xb8;
	[tilespmem:$0x15900] =	vst v63  }
0xb3: {  	_ =	swait.ge [sflag:s17], $0xA000  }
0xb4: {  	[sflag:s17] =	ssyncset.done $0x0  }
0xb5: {  	s1 =	rddreg [dreg:$0xc];
	[sflag:s17] =	ssyncadd.s32 $0xFFFF6000  }
0xb6: {  	[hbm4b:s1+s2] =	stream.linear.scatter [tilespmem:s4], [sflag:$0x3], $0xA000, $0x38;
	[tilespmem:$0x15900] =	vst v63  }
0xb7: {  	_ =	swait.ge [sflag:s16], $0xA000  }
0xb8: {  	[sflag:s16] =	ssyncset.done $0x0  }
0xb9: {  	s1 =	simm.s32 $0x1400;
	[sflag:s16] =	ssyncadd.s32 $0xFFFF6000  }
0xba: {  	[tilespmem:s4], [sflag:$0x1] =	stream.indirect.gather [hbm4b:s3+s5], $0x40, s1, s5, $0xb8;
	[tilespmem:$0x15900] =	vst v63  }
0xbb: {  	_ = 	snop  }
0xbc: {  	[tilespmem:s7], [sflag:$0x1] =	stream.indirect.gather [hbm4b:s3+s5], $0x40, s28, s5, $0xb8;
	[tilespmem:$0x15900] =	vst v63  }
0xbd: {  	_ = 	snop  }
0xbe: {  	[tilespmem:s8], [sflag:$0x1] =	stream.indirect.gather [hbm4b:s3+s5], $0x40, s29, s5, $0xb8;
	[tilespmem:$0x15900] =	vst v63  }
0xbf: {  	_ = 	snop  }
0xc0: {  	[tilespmem:s10], [sflag:$0x1] =	stream.indirect.gather [hbm4b:s3+s5], $0x40, s30, s5, $0xb8;
	[tilespmem:$0x15900] =	vst v63  }
0xc1: {  	_ = 	snop  }
0xc2: {  	[tilespmem:s14], [sflag:$0x1] =	stream.indirect.gather [hbm4b:s3+s5], $0x40, s26, s5, $0xb8;
	[tilespmem:$0x15900] =	vst v63  }
0xc3: {  	_ =	swait.ge [sflag:s13], $0xA000  }
0xc4: {  	[sflag:s13] =	ssyncset.done $0x0  }
0xc5: {  	s1 =	rddreg [dreg:$0xd];
	[sflag:s13] =	ssyncadd.s32 $0xFFFF6000  }
0xc6: {  	[hbm4b:s1+s2] =	stream.linear.scatter [tilespmem:s6], [sflag:$0x4], $0xA000, $0x38;
	[tilespmem:$0x15900] =	vst v63  }
0xc7: {  	_ =	swait.ge [sflag:s12], $0xA000  }
0xc8: {  	[sflag:s12] =	ssyncset.done $0x0  }
0xc9: {  	[sflag:s12] =	ssyncadd.s32 $0xFFFF6000  }
0xca: {  	[tilespmem:s6], [sflag:$0x2] =	stream.indirect.gather [hbm4b:s3+s5], $0x40, s20, s5, $0xb8;
	[tilespmem:$0x15900] =	vst v63  }
0xcb: {  	_ = 	snop  }
0xcc: {  	[tilespmem:s9], [sflag:$0x2] =	stream.indirect.gather [hbm4b:s3+s5], $0x40, s21, s5, $0xb8;
	[tilespmem:$0x15900] =	vst v63  }
0xcd: {  	_ = 	snop  }
0xce: {  	[tilespmem:s11], [sflag:$0x2] =	stream.indirect.gather [hbm4b:s3+s5], $0x40, s22, s5, $0xb8;
	[tilespmem:$0x15900] =	vst v63  }
0xcf: {  	_ = 	snop  }
0xd0: {  	[tilespmem:s15], [sflag:$0x2] =	stream.indirect.gather [hbm4b:s3+s5], $0x40, s23, s5, $0xb8;
	[tilespmem:$0x15900] =	vst v63  }
0xd1: {  	_ = 	snop  }
0xd2: {  	[tilespmem:s18], [sflag:$0x2] =	stream.indirect.gather [hbm4b:s3+s5], $0x40, s25, s5, $0xb8;
	[tilespmem:$0x15900] =	vst v63  }
0xd3: {  	_ =	swait.ge [sflag:s17], $0xA000  }
0xd4: {  	[sflag:s17] =	ssyncset.done $0x0  }
0xd5: {  	s1 =	rddreg [dreg:$0x5];
	[sflag:s17] =	ssyncadd.s32 $0xFFFF6000  }
0xd6: {  	[hbm4b:s1+s2] =	stream.linear.scatter [tilespmem:s4], [sflag:$0x3], $0xA000, $0x38;
	[tilespmem:$0x15900] =	vst v63  }
0xd7: {  	_ =	swait.ge [sflag:s16], $0xA000  }
0xd8: {  	[sflag:s16] =	ssyncset.done $0x0  }
0xd9: {  	[sflag:s16] =	ssyncadd.s32 $0xFFFF6000  }
0xda: {  	p1 =	sne.s32 s19, $0x1;
	_ =	swait.ge [sflag:s13], $0xA000  }
.Ltmp1:
0xdb: {  	[sflag:s13] =	ssyncset.done $0x0;
	(pc) =	sbr.rel @!p1 .LBB2_3-.Ltmp1, $4  }
0xdc: {  	s1 =	rddreg [dreg:$0x6];
	[sflag:s13] =	ssyncadd.s32 $0xFFFF6000  }
0xdd: {  	[hbm4b:s1+s2] =	stream.linear.scatter [tilespmem:s6], [sflag:$0x4], $0xA000, $0x38;
	[tilespmem:$0x15900] =	vst v63  }
0xde: {  	p0 =	por $0x1, $0x1;
	_ =	swait.ge [sflag:s12], $0xA000  }
0xdf: {  	s1 =	sadd.s32 $0xFFFFFFFF, s19;
	s0 =	rddreg [dreg:$0x4];
	[sflag:s12] =	ssyncset.done $0x0  }
.LBB2_4:
0xe0: {  	[sflag:s12] =	ssyncadd.s32 $0xFFFF6000  }
0xe1: {  	[tilespmem:s2], [sflag:$0x5] =	stream.linear.gather [hbm4b:s0+s2], $0x1900, $0x38;
	[tilespmem:$0x15900] =	vst v63  }
0xe2: {  	_ =	swait.ge [sflag:s31], $0x1900  }
0xe3: {  	[sflag:s31] =	ssyncset.done $0x0  }
0xe4: {  	[sflag:s31] =	ssyncadd.s32 $0xFFFFE700  }
0xe5: {  	[tilespmem:s4], [sflag:$0x1] =	stream.indirect.gather [hbm4b:s3+s5], $0x40, s2, s5, $0xb8;
	[tilespmem:$0x15900] =	vst v63  }
0xe6: {  	_ = 	snop  }
0xe7: {  	[tilespmem:s7], [sflag:$0x1] =	stream.indirect.gather [hbm4b:s3+s5], $0x40, s5, s5, $0xb8;
	[tilespmem:$0x15900] =	vst v63  }
0xe8: {  	s0 =	rddreg [dreg:$0xe]  }
0xe9: {  	[tilespmem:s8], [sflag:$0x1] =	stream.indirect.gather [hbm4b:s3+s5], $0x40, s0, s5, $0xb8;
	[tilespmem:$0x15900] =	vst v63  }
0xea: {  	s19 =	rddreg [dreg:$0xf]  }
0xeb: {  	[tilespmem:s10], [sflag:$0x1] =	stream.indirect.gather [hbm4b:s3+s5], $0x40, s19, s5, $0xb8;
	[tilespmem:$0x15900] =	vst v63  }
0xec: {  	s0 =	rddreg [dreg:$0x10]  }
0xed: {  	[tilespmem:s14], [sflag:$0x1] =	stream.indirect.gather [hbm4b:s3+s5], $0x40, s0, s5, $0xb8;
	[tilespmem:$0x15900] =	vst v63  }
0xee: {  	s19 =	rddreg [dreg:$0x11]  }
0xef: {  	[tilespmem:s6], [sflag:$0x2] =	stream.indirect.gather [hbm4b:s3+s5], $0x40, s19, s5, $0xb8;
	[tilespmem:$0x15900] =	vst v63  }
0xf0: {  	s0 =	rddreg [dreg:$0x12]  }
0xf1: {  	[tilespmem:s9], [sflag:$0x2] =	stream.indirect.gather [hbm4b:s3+s5], $0x40, s0, s5, $0xb8;
	[tilespmem:$0x15900] =	vst v63  }
0xf2: {  	s19 =	rddreg [dreg:$0x13]  }
0xf3: {  	[tilespmem:s11], [sflag:$0x2] =	stream.indirect.gather [hbm4b:s3+s5], $0x40, s19, s5, $0xb8;
	[tilespmem:$0x15900] =	vst v63  }
0xf4: {  	s0 =	rddreg [dreg:$0x14]  }
0xf5: {  	[tilespmem:s15], [sflag:$0x2] =	stream.indirect.gather [hbm4b:s3+s5], $0x40, s0, s5, $0xb8;
	[tilespmem:$0x15900] =	vst v63  }
0xf6: {  	s19 =	rddreg [dreg:$0x15]  }
0xf7: {  	[tilespmem:s18], [sflag:$0x2] =	stream.indirect.gather [hbm4b:s3+s5], $0x40, s19, s5, $0xb8;
	[tilespmem:$0x15900] =	vst v63  }
0xf8: {  	_ =	swait.ge [sflag:s17], $0xA000  }
0xf9: {  	[sflag:s17] =	ssyncset.done $0x0  }
0xfa: {  	[sflag:s17] =	ssyncadd.s32 $0xFFFF6000  }
0xfb: {  	[hbm4b:s24+s2] =	stream.linear.scatter [tilespmem:s4], [sflag:$0x3], $0xA000, $0x38;
	[tilespmem:$0x15900] =	vst v63  }
0xfc: {  	_ =	swait.ge [sflag:s16], $0xA000  }
0xfd: {  	[sflag:s16] =	ssyncset.done $0x0  }
0xfe: {  	s0 =	rddreg [dreg:$0x16];
	[sflag:s16] =	ssyncadd.s32 $0xFFFF6000  }
0xff: {  	[tilespmem:s4], [sflag:$0x1] =	stream.indirect.gather [hbm4b:s3+s5], $0x40, s0, s5, $0xb8;
	[tilespmem:$0x15900] =	vst v63  }
0x100: {  	s19 =	rddreg [dreg:$0x17]  }
0x101: {  	[tilespmem:s7], [sflag:$0x1] =	stream.indirect.gather [hbm4b:s3+s5], $0x40, s19, s5, $0xb8;
	[tilespmem:$0x15900] =	vst v63  }
0x102: {  	s0 =	rddreg [dreg:$0x18]  }
0x103: {  	[tilespmem:s8], [sflag:$0x1] =	stream.indirect.gather [hbm4b:s3+s5], $0x40, s0, s5, $0xb8;
	[tilespmem:$0x15900] =	vst v63  }
0x104: {  	s19 =	rddreg [dreg:$0x19]  }
0x105: {  	[tilespmem:s10], [sflag:$0x1] =	stream.indirect.gather [hbm4b:s3+s5], $0x40, s19, s5, $0xb8;
	[tilespmem:$0x15900] =	vst v63  }
0x106: {  	s0 =	rddreg [dreg:$0x1a]  }
0x107: {  	[tilespmem:s14], [sflag:$0x1] =	stream.indirect.gather [hbm4b:s3+s5], $0x40, s0, s5, $0xb8;
	[tilespmem:$0x15900] =	vst v63  }
0x108: {  	_ =	swait.ge [sflag:s13], $0xA000  }
0x109: {  	[sflag:s13] =	ssyncset.done $0x0  }
0x10a: {  	s19 =	rddreg [dreg:$0x7];
	[sflag:s13] =	ssyncadd.s32 $0xFFFF6000  }
0x10b: {  	[hbm4b:s19+s2] =	stream.linear.scatter [tilespmem:s6], [sflag:$0x4], $0xA000, $0x38;
	[tilespmem:$0x15900] =	vst v63  }
0x10c: {  	_ =	swait.ge [sflag:s12], $0xA000  }
0x10d: {  	[sflag:s12] =	ssyncset.done $0x0  }
0x10e: {  	s0 =	rddreg [dreg:$0x1b];
	[sflag:s12] =	ssyncadd.s32 $0xFFFF6000  }
0x10f: {  	[tilespmem:s6], [sflag:$0x2] =	stream.indirect.gather [hbm4b:s3+s5], $0x40, s0, s5, $0xb8;
	[tilespmem:$0x15900] =	vst v63  }
0x110: {  	s19 =	rddreg [dreg:$0x1c]  }
0x111: {  	[tilespmem:s9], [sflag:$0x2] =	stream.indirect.gather [hbm4b:s3+s5], $0x40, s19, s5, $0xb8;
	[tilespmem:$0x15900] =	vst v63  }
0x112: {  	s0 =	rddreg [dreg:$0x1d]  }
0x113: {  	[tilespmem:s11], [sflag:$0x2] =	stream.indirect.gather [hbm4b:s3+s5], $0x40, s0, s5, $0xb8;
	[tilespmem:$0x15900] =	vst v63  }
0x114: {  	s19 =	rddreg [dreg:$0x1e]  }
0x115: {  	[tilespmem:s15], [sflag:$0x2] =	stream.indirect.gather [hbm4b:s3+s5], $0x40, s19, s5, $0xb8;
	[tilespmem:$0x15900] =	vst v63  }
0x116: {  	s0 =	rddreg [dreg:$0x1f]  }
0x117: {  	[tilespmem:s18], [sflag:$0x2] =	stream.indirect.gather [hbm4b:s3+s5], $0x40, s0, s5, $0xb8;
	[tilespmem:$0x15900] =	vst v63  }
0x118: {  	_ =	swait.ge [sflag:s17], $0xA000  }
0x119: {  	[sflag:s17] =	ssyncset.done $0x0  }
0x11a: {  	s19 =	rddreg [dreg:$0x8];
	[sflag:s17] =	ssyncadd.s32 $0xFFFF6000  }
0x11b: {  	[hbm4b:s19+s2] =	stream.linear.scatter [tilespmem:s4], [sflag:$0x3], $0xA000, $0x38;
	[tilespmem:$0x15900] =	vst v63  }
0x11c: {  	_ =	swait.ge [sflag:s16], $0xA000  }
0x11d: {  	s0 =	sld [smem:$0x7EA]  }
0x11e: {  	[sflag:s16] =	ssyncset.done $0x0  }
0x11f: {  	s19 =	sld [smem:$0x7EB];
	[sflag:s16] =	ssyncadd.s32 $0xFFFF6000  }
0x120: {  	[tilespmem:s4], [sflag:$0x1] =	stream.indirect.gather [hbm4b:s3+s5], $0x40, s0, s5, $0xb8;
	[tilespmem:$0x15900] =	vst v63  }
0x121: {  	s0 =	sld [smem:$0x7EC]  }
0x122: {  	[tilespmem:s7], [sflag:$0x1] =	stream.indirect.gather [hbm4b:s3+s5], $0x40, s19, s5, $0xb8;
	[tilespmem:$0x15900] =	vst v63  }
0x123: {  	s19 =	sld [smem:$0x7ED]  }
0x124: {  	[tilespmem:s8], [sflag:$0x1] =	stream.indirect.gather [hbm4b:s3+s5], $0x40, s0, s5, $0xb8;
	[tilespmem:$0x15900] =	vst v63  }
0x125: {  	s0 =	sld [smem:$0x7EE]  }
0x126: {  	[tilespmem:s10], [sflag:$0x1] =	stream.indirect.gather [hbm4b:s3+s5], $0x40, s19, s5, $0xb8;
	[tilespmem:$0x15900] =	vst v63  }
0x127: {  	_ = 	snop  }
0x128: {  	[tilespmem:s14], [sflag:$0x1] =	stream.indirect.gather [hbm4b:s3+s5], $0x40, s0, s5, $0xb8;
	[tilespmem:$0x15900] =	vst v63  }
0x129: {  	_ =	swait.ge [sflag:s13], $0xA000  }
0x12a: {  	[sflag:s13] =	ssyncset.done $0x0  }
0x12b: {  	s19 =	rddreg [dreg:$0x9];
	[sflag:s13] =	ssyncadd.s32 $0xFFFF6000  }
0x12c: {  	[hbm4b:s19+s2] =	stream.linear.scatter [tilespmem:s6], [sflag:$0x4], $0xA000, $0x38;
	[tilespmem:$0x15900] =	vst v63  }
0x12d: {  	_ =	swait.ge [sflag:s12], $0xA000  }
0x12e: {  	s0 =	sld [smem:$0x7EF]  }
0x12f: {  	[sflag:s12] =	ssyncset.done $0x0  }
0x130: {  	s19 =	sld [smem:$0x7F0];
	[sflag:s12] =	ssyncadd.s32 $0xFFFF6000  }
0x131: {  	[tilespmem:s6], [sflag:$0x2] =	stream.indirect.gather [hbm4b:s3+s5], $0x40, s0, s5, $0xb8;
	[tilespmem:$0x15900] =	vst v63  }
0x132: {  	s0 =	sld [smem:$0x7F1]  }
0x133: {  	[tilespmem:s9], [sflag:$0x2] =	stream.indirect.gather [hbm4b:s3+s5], $0x40, s19, s5, $0xb8;
	[tilespmem:$0x15900] =	vst v63  }
0x134: {  	s19 =	sld [smem:$0x7F2]  }
0x135: {  	[tilespmem:s11], [sflag:$0x2] =	stream.indirect.gather [hbm4b:s3+s5], $0x40, s0, s5, $0xb8;
	[tilespmem:$0x15900] =	vst v63  }
0x136: {  	s0 =	sld [smem:$0x7F3]  }
0x137: {  	[tilespmem:s15], [sflag:$0x2] =	stream.indirect.gather [hbm4b:s3+s5], $0x40, s19, s5, $0xb8;
	[tilespmem:$0x15900] =	vst v63  }
0x138: {  	_ = 	snop  }
0x139: {  	[tilespmem:s18], [sflag:$0x2] =	stream.indirect.gather [hbm4b:s3+s5], $0x40, s0, s5, $0xb8;
	[tilespmem:$0x15900] =	vst v63  }
0x13a: {  	_ =	swait.ge [sflag:s17], $0xA000  }
0x13b: {  	[sflag:s17] =	ssyncset.done $0x0  }
0x13c: {  	s19 =	rddreg [dreg:$0xa];
	[sflag:s17] =	ssyncadd.s32 $0xFFFF6000  }
0x13d: {  	[hbm4b:s19+s2] =	stream.linear.scatter [tilespmem:s4], [sflag:$0x3], $0xA000, $0x38;
	[tilespmem:$0x15900] =	vst v63  }
0x13e: {  	_ =	swait.ge [sflag:s16], $0xA000  }
0x13f: {  	s0 =	sld [smem:$0x7F4]  }
0x140: {  	[sflag:s16] =	ssyncset.done $0x0  }
0x141: {  	s19 =	sld [smem:$0x7F5];
	[sflag:s16] =	ssyncadd.s32 $0xFFFF6000  }
0x142: {  	[tilespmem:s4], [sflag:$0x1] =	stream.indirect.gather [hbm4b:s3+s5], $0x40, s0, s5, $0xb8;
	[tilespmem:$0x15900] =	vst v63  }
0x143: {  	s0 =	sld [smem:$0x7F6]  }
0x144: {  	[tilespmem:s7], [sflag:$0x1] =	stream.indirect.gather [hbm4b:s3+s5], $0x40, s19, s5, $0xb8;
	[tilespmem:$0x15900] =	vst v63  }
0x145: {  	s19 =	sld [smem:$0x7F7]  }
0x146: {  	[tilespmem:s8], [sflag:$0x1] =	stream.indirect.gather [hbm4b:s3+s5], $0x40, s0, s5, $0xb8;
	[tilespmem:$0x15900] =	vst v63  }
0x147: {  	s0 =	sld [smem:$0x7F8]  }
0x148: {  	[tilespmem:s10], [sflag:$0x1] =	stream.indirect.gather [hbm4b:s3+s5], $0x40, s19, s5, $0xb8;
	[tilespmem:$0x15900] =	vst v63  }
0x149: {  	_ = 	snop  }
0x14a: {  	[tilespmem:s14], [sflag:$0x1] =	stream.indirect.gather [hbm4b:s3+s5], $0x40, s0, s5, $0xb8;
	[tilespmem:$0x15900] =	vst v63  }
0x14b: {  	_ =	swait.ge [sflag:s13], $0xA000  }
0x14c: {  	[sflag:s13] =	ssyncset.done $0x0  }
0x14d: {  	s19 =	rddreg [dreg:$0xb];
	[sflag:s13] =	ssyncadd.s32 $0xFFFF6000  }
0x14e: {  	[hbm4b:s19+s2] =	stream.linear.scatter [tilespmem:s6], [sflag:$0x4], $0xA000, $0x38;
	[tilespmem:$0x15900] =	vst v63  }
0x14f: {  	_ =	swait.ge [sflag:s12], $0xA000  }
0x150: {  	s0 =	sld [smem:$0x7F9]  }
0x151: {  	[sflag:s12] =	ssyncset.done $0x0  }
0x152: {  	s19 =	sld [smem:$0x7FA];
	[sflag:s12] =	ssyncadd.s32 $0xFFFF6000  }
0x153: {  	[tilespmem:s6], [sflag:$0x2] =	stream.indirect.gather [hbm4b:s3+s5], $0x40, s0, s5, $0xb8;
	[tilespmem:$0x15900] =	vst v63  }
0x154: {  	s0 =	sld [smem:$0x7FB]  }
0x155: {  	[tilespmem:s9], [sflag:$0x2] =	stream.indirect.gather [hbm4b:s3+s5], $0x40, s19, s5, $0xb8;
	[tilespmem:$0x15900] =	vst v63  }
0x156: {  	s19 =	sld [smem:$0x7FC]  }
0x157: {  	[tilespmem:s11], [sflag:$0x2] =	stream.indirect.gather [hbm4b:s3+s5], $0x40, s0, s5, $0xb8;
	[tilespmem:$0x15900] =	vst v63  }
0x158: {  	s0 =	sld [smem:$0x7FD]  }
0x159: {  	[tilespmem:s15], [sflag:$0x2] =	stream.indirect.gather [hbm4b:s3+s5], $0x40, s19, s5, $0xb8;
	[tilespmem:$0x15900] =	vst v63  }
0x15a: {  	_ = 	snop  }
0x15b: {  	[tilespmem:s18], [sflag:$0x2] =	stream.indirect.gather [hbm4b:s3+s5], $0x40, s0, s5, $0xb8;
	[tilespmem:$0x15900] =	vst v63  }
0x15c: {  	_ =	swait.ge [sflag:s17], $0xA000  }
0x15d: {  	[sflag:s17] =	ssyncset.done $0x0  }
0x15e: {  	s19 =	rddreg [dreg:$0xc];
	[sflag:s17] =	ssyncadd.s32 $0xFFFF6000  }
0x15f: {  	[hbm4b:s19+s2] =	stream.linear.scatter [tilespmem:s4], [sflag:$0x3], $0xA000, $0x38;
	[tilespmem:$0x15900] =	vst v63  }
0x160: {  	_ =	swait.ge [sflag:s16], $0xA000  }
0x161: {  	[sflag:s16] =	ssyncset.done $0x0  }
0x162: {  	s19 =	simm.s32 $0x1400;
	[sflag:s16] =	ssyncadd.s32 $0xFFFF6000  }
0x163: {  	[tilespmem:s4], [sflag:$0x1] =	stream.indirect.gather [hbm4b:s3+s5], $0x40, s19, s5, $0xb8;
	[tilespmem:$0x15900] =	vst v63  }
0x164: {  	_ = 	snop  }
0x165: {  	[tilespmem:s7], [sflag:$0x1] =	stream.indirect.gather [hbm4b:s3+s5], $0x40, s28, s5, $0xb8;
	[tilespmem:$0x15900] =	vst v63  }
0x166: {  	_ = 	snop  }
0x167: {  	[tilespmem:s8], [sflag:$0x1] =	stream.indirect.gather [hbm4b:s3+s5], $0x40, s29, s5, $0xb8;
	[tilespmem:$0x15900] =	vst v63  }
0x168: {  	_ = 	snop  }
0x169: {  	[tilespmem:s10], [sflag:$0x1] =	stream.indirect.gather [hbm4b:s3+s5], $0x40, s30, s5, $0xb8;
	[tilespmem:$0x15900] =	vst v63  }
0x16a: {  	_ = 	snop  }
0x16b: {  	[tilespmem:s14], [sflag:$0x1] =	stream.indirect.gather [hbm4b:s3+s5], $0x40, s26, s5, $0xb8;
	[tilespmem:$0x15900] =	vst v63  }
0x16c: {  	_ =	swait.ge [sflag:s13], $0xA000  }
0x16d: {  	[sflag:s13] =	ssyncset.done $0x0  }
0x16e: {  	s19 =	rddreg [dreg:$0xd];
	[sflag:s13] =	ssyncadd.s32 $0xFFFF6000  }
0x16f: {  	[hbm4b:s19+s2] =	stream.linear.scatter [tilespmem:s6], [sflag:$0x4], $0xA000, $0x38;
	[tilespmem:$0x15900] =	vst v63  }
0x170: {  	_ =	swait.ge [sflag:s12], $0xA000  }
0x171: {  	[sflag:s12] =	ssyncset.done $0x0  }
0x172: {  	[sflag:s12] =	ssyncadd.s32 $0xFFFF6000  }
0x173: {  	[tilespmem:s6], [sflag:$0x2] =	stream.indirect.gather [hbm4b:s3+s5], $0x40, s20, s5, $0xb8;
	[tilespmem:$0x15900] =	vst v63  }
0x174: {  	_ = 	snop  }
0x175: {  	[tilespmem:s9], [sflag:$0x2] =	stream.indirect.gather [hbm4b:s3+s5], $0x40, s21, s5, $0xb8;
	[tilespmem:$0x15900] =	vst v63  }
0x176: {  	_ = 	snop  }
0x177: {  	[tilespmem:s11], [sflag:$0x2] =	stream.indirect.gather [hbm4b:s3+s5], $0x40, s22, s5, $0xb8;
	[tilespmem:$0x15900] =	vst v63  }
0x178: {  	_ = 	snop  }
0x179: {  	[tilespmem:s15], [sflag:$0x2] =	stream.indirect.gather [hbm4b:s3+s5], $0x40, s23, s5, $0xb8;
	[tilespmem:$0x15900] =	vst v63  }
0x17a: {  	_ = 	snop  }
0x17b: {  	[tilespmem:s18], [sflag:$0x2] =	stream.indirect.gather [hbm4b:s3+s5], $0x40, s25, s5, $0xb8;
	[tilespmem:$0x15900] =	vst v63  }
0x17c: {  	_ =	swait.ge [sflag:s17], $0xA000  }
0x17d: {  	[sflag:s17] =	ssyncset.done $0x0  }
0x17e: {  	s19 =	rddreg [dreg:$0x5];
	[sflag:s17] =	ssyncadd.s32 $0xFFFF6000  }
0x17f: {  	[hbm4b:s19+s2] =	stream.linear.scatter [tilespmem:s4], [sflag:$0x3], $0xA000, $0x38;
	[tilespmem:$0x15900] =	vst v63  }
0x180: {  	_ =	swait.ge [sflag:s16], $0xA000  }
0x181: {  	[sflag:s16] =	ssyncset.done $0x0  }
0x182: {  	[sflag:s16] =	ssyncadd.s32 $0xFFFF6000  }
0x183: {  	p1 =	sne.s32 s1, $0x1;
	_ =	swait.ge [sflag:s13], $0xA000  }
.Ltmp2:
0x184: {  	[sflag:s13] =	ssyncset.done $0x0;
	(pc) =	sbr.rel @p1 .LBB2_4-.Ltmp2, $4  }
0x185: {  	s19 =	rddreg [dreg:$0x6];
	[sflag:s13] =	ssyncadd.s32 $0xFFFF6000  }
0x186: {  	[hbm4b:s19+s2] =	stream.linear.scatter [tilespmem:s6], [sflag:$0x4], $0xA000, $0x38;
	[tilespmem:$0x15900] =	vst v63  }
0x187: {  	_ =	swait.ge [sflag:s12], $0xA000  }
0x188: {  	s1 =	sadd.s32 $0xFFFFFFFF, s1;
	s0 =	rddreg [dreg:$0x4];
	[sflag:s12] =	ssyncset.done $0x0  }
0x189: {  	s25 =	simm.s32 $0x1600  }
0x18a: {  	s30 =	simm.s32 $0x1580;
	s29 =	simm.s32 $0x1500;
	s28 =	simm.s32 $0x1480  }
0x18b: {  	s26 =	simm.s32 $0x1400;
	s23 =	simm.s32 $0x1800;
	s22 =	simm.s32 $0x1780  }
0x18c: {  	s21 =	simm.s32 $0x1700;
	s20 =	simm.s32 $0x1680;
	s19 =	stileid.u32  }
.LBB2_6:
0x18d: {  	[sflag:s12] =	ssyncadd.s32 @p0 $0xFFFF6000  }
0x18e: {  	[tilespmem:s2], [sflag:$0x5] =	stream.linear.gather [hbm4b:s0+s2], $0x1900, $0x38;
	[tilespmem:$0x15900] =	vst v63  }
0x18f: {  	_ =	swait.ge [sflag:s31], $0x1900  }
0x190: {  	[sflag:s31] =	ssyncset.done $0x0  }
0x191: {  	[sflag:s31] =	ssyncadd.s32 $0xFFFFE700  }
0x192: {  	[tilespmem:s4], [sflag:$0x1] =	stream.indirect.gather [hbm4b:s3+s5], $0x40, s2, s5, $0xb8;
	[tilespmem:$0x15900] =	vst v63  }
0x193: {  	_ = 	snop  }
0x194: {  	[tilespmem:s7], [sflag:$0x1] =	stream.indirect.gather [hbm4b:s3+s5], $0x40, s5, s5, $0xb8;
	[tilespmem:$0x15900] =	vst v63  }
0x195: {  	s31 =	rddreg [dreg:$0xe]  }
0x196: {  	[tilespmem:s8], [sflag:$0x1] =	stream.indirect.gather [hbm4b:s3+s5], $0x40, s31, s5, $0xb8;
	[tilespmem:$0x15900] =	vst v63  }
0x197: {  	s1 =	rddreg [dreg:$0xf]  }
0x198: {  	[tilespmem:s10], [sflag:$0x1] =	stream.indirect.gather [hbm4b:s3+s5], $0x40, s1, s5, $0xb8;
	[tilespmem:$0x15900] =	vst v63  }
0x199: {  	s0 =	rddreg [dreg:$0x10]  }
0x19a: {  	[tilespmem:s14], [sflag:$0x1] =	stream.indirect.gather [hbm4b:s3+s5], $0x40, s0, s5, $0xb8;
	[tilespmem:$0x15900] =	vst v63  }
0x19b: {  	s31 =	rddreg [dreg:$0x11]  }
0x19c: {  	[tilespmem:s6], [sflag:$0x2] =	stream.indirect.gather [hbm4b:s3+s5], $0x40, s31, s5, $0xb8;
	[tilespmem:$0x15900] =	vst v63  }
0x19d: {  	s0 =	rddreg [dreg:$0x12]  }
0x19e: {  	[tilespmem:s9], [sflag:$0x2] =	stream.indirect.gather [hbm4b:s3+s5], $0x40, s0, s5, $0xb8;
	[tilespmem:$0x15900] =	vst v63  }
0x19f: {  	s31 =	rddreg [dreg:$0x13]  }
0x1a0: {  	[tilespmem:s11], [sflag:$0x2] =	stream.indirect.gather [hbm4b:s3+s5], $0x40, s31, s5, $0xb8;
	[tilespmem:$0x15900] =	vst v63  }
0x1a1: {  	s0 =	rddreg [dreg:$0x14]  }
0x1a2: {  	[tilespmem:s15], [sflag:$0x2] =	stream.indirect.gather [hbm4b:s3+s5], $0x40, s0, s5, $0xb8;
	[tilespmem:$0x15900] =	vst v63  }
0x1a3: {  	s31 =	rddreg [dreg:$0x15]  }
0x1a4: {  	[tilespmem:s18], [sflag:$0x2] =	stream.indirect.gather [hbm4b:s3+s5], $0x40, s31, s5, $0xb8;
	[tilespmem:$0x15900] =	vst v63  }
0x1a5: {  	_ =	swait.ge [sflag:s17], $0xA000  }
0x1a6: {  	[sflag:s17] =	ssyncset.done $0x0  }
0x1a7: {  	[sflag:s17] =	ssyncadd.s32 $0xFFFF6000  }
0x1a8: {  	[hbm4b:s24+s2] =	stream.linear.scatter [tilespmem:s4], [sflag:$0x3], $0xA000, $0x38;
	[tilespmem:$0x15900] =	vst v63  }
0x1a9: {  	_ =	swait.ge [sflag:s16], $0xA000  }
0x1aa: {  	[sflag:s16] =	ssyncset.done $0x0  }
0x1ab: {  	s24 =	rddreg [dreg:$0x16];
	[sflag:s16] =	ssyncadd.s32 $0xFFFF6000  }
0x1ac: {  	[tilespmem:s4], [sflag:$0x1] =	stream.indirect.gather [hbm4b:s3+s5], $0x40, s24, s5, $0xb8;
	[tilespmem:$0x15900] =	vst v63  }
0x1ad: {  	s31 =	rddreg [dreg:$0x17]  }
0x1ae: {  	[tilespmem:s7], [sflag:$0x1] =	stream.indirect.gather [hbm4b:s3+s5], $0x40, s31, s5, $0xb8;
	[tilespmem:$0x15900] =	vst v63  }
0x1af: {  	s24 =	rddreg [dreg:$0x18]  }
0x1b0: {  	[tilespmem:s8], [sflag:$0x1] =	stream.indirect.gather [hbm4b:s3+s5], $0x40, s24, s5, $0xb8;
	[tilespmem:$0x15900] =	vst v63  }
0x1b1: {  	s31 =	rddreg [dreg:$0x19]  }
0x1b2: {  	[tilespmem:s10], [sflag:$0x1] =	stream.indirect.gather [hbm4b:s3+s5], $0x40, s31, s5, $0xb8;
	[tilespmem:$0x15900] =	vst v63  }
0x1b3: {  	s24 =	rddreg [dreg:$0x1a]  }
0x1b4: {  	[tilespmem:s14], [sflag:$0x1] =	stream.indirect.gather [hbm4b:s3+s5], $0x40, s24, s5, $0xb8;
	[tilespmem:$0x15900] =	vst v63  }
0x1b5: {  	_ =	swait.ge [sflag:s13], $0xA000  }
0x1b6: {  	[sflag:s13] =	ssyncset.done $0x0  }
0x1b7: {  	s31 =	rddreg [dreg:$0x7];
	[sflag:s13] =	ssyncadd.s32 $0xFFFF6000  }
0x1b8: {  	[hbm4b:s31+s2] =	stream.linear.scatter [tilespmem:s6], [sflag:$0x4], $0xA000, $0x38;
	[tilespmem:$0x15900] =	vst v63  }
0x1b9: {  	_ =	swait.ge [sflag:s12], $0xA000  }
0x1ba: {  	[sflag:s12] =	ssyncset.done $0x0  }
0x1bb: {  	s1 =	rddreg [dreg:$0x1b];
	[sflag:s12] =	ssyncadd.s32 $0xFFFF6000  }
0x1bc: {  	[tilespmem:s6], [sflag:$0x2] =	stream.indirect.gather [hbm4b:s3+s5], $0x40, s1, s5, $0xb8;
	[tilespmem:$0x15900] =	vst v63  }
0x1bd: {  	s24 =	rddreg [dreg:$0x1c]  }
0x1be: {  	[tilespmem:s9], [sflag:$0x2] =	stream.indirect.gather [hbm4b:s3+s5], $0x40, s24, s5, $0xb8;
	[tilespmem:$0x15900] =	vst v63  }
0x1bf: {  	s31 =	rddreg [dreg:$0x1d]  }
0x1c0: {  	[tilespmem:s11], [sflag:$0x2] =	stream.indirect.gather [hbm4b:s3+s5], $0x40, s31, s5, $0xb8;
	[tilespmem:$0x15900] =	vst v63  }
0x1c1: {  	s24 =	rddreg [dreg:$0x1e]  }
0x1c2: {  	[tilespmem:s15], [sflag:$0x2] =	stream.indirect.gather [hbm4b:s3+s5], $0x40, s24, s5, $0xb8;
	[tilespmem:$0x15900] =	vst v63  }
0x1c3: {  	s31 =	rddreg [dreg:$0x1f]  }
0x1c4: {  	[tilespmem:s18], [sflag:$0x2] =	stream.indirect.gather [hbm4b:s3+s5], $0x40, s31, s5, $0xb8;
	[tilespmem:$0x15900] =	vst v63  }
0x1c5: {  	_ =	swait.ge [sflag:s17], $0xA000  }
0x1c6: {  	[sflag:s17] =	ssyncset.done $0x0  }
0x1c7: {  	s1 =	rddreg [dreg:$0x8];
	[sflag:s17] =	ssyncadd.s32 $0xFFFF6000  }
0x1c8: {  	[hbm4b:s1+s2] =	stream.linear.scatter [tilespmem:s4], [sflag:$0x3], $0xA000, $0x38;
	[tilespmem:$0x15900] =	vst v63  }
0x1c9: {  	_ =	swait.ge [sflag:s16], $0xA000  }
0x1ca: {  	s24 =	sld [smem:$0x7EA]  }
0x1cb: {  	[sflag:s16] =	ssyncset.done $0x0  }
0x1cc: {  	s31 =	sld [smem:$0x7EB];
	[sflag:s16] =	ssyncadd.s32 $0xFFFF6000  }
0x1cd: {  	[tilespmem:s4], [sflag:$0x1] =	stream.indirect.gather [hbm4b:s3+s5], $0x40, s24, s5, $0xb8;
	[tilespmem:$0x15900] =	vst v63  }
0x1ce: {  	s24 =	sld [smem:$0x7EC]  }
0x1cf: {  	[tilespmem:s7], [sflag:$0x1] =	stream.indirect.gather [hbm4b:s3+s5], $0x40, s31, s5, $0xb8;
	[tilespmem:$0x15900] =	vst v63  }
0x1d0: {  	s31 =	sld [smem:$0x7ED]  }
0x1d1: {  	[tilespmem:s8], [sflag:$0x1] =	stream.indirect.gather [hbm4b:s3+s5], $0x40, s24, s5, $0xb8;
	[tilespmem:$0x15900] =	vst v63  }
0x1d2: {  	s24 =	sld [smem:$0x7EE]  }
0x1d3: {  	[tilespmem:s10], [sflag:$0x1] =	stream.indirect.gather [hbm4b:s3+s5], $0x40, s31, s5, $0xb8;
	[tilespmem:$0x15900] =	vst v63  }
0x1d4: {  	_ = 	snop  }
0x1d5: {  	[tilespmem:s14], [sflag:$0x1] =	stream.indirect.gather [hbm4b:s3+s5], $0x40, s24, s5, $0xb8;
	[tilespmem:$0x15900] =	vst v63  }
0x1d6: {  	_ =	swait.ge [sflag:s13], $0xA000  }
0x1d7: {  	[sflag:s13] =	ssyncset.done $0x0  }
0x1d8: {  	s31 =	rddreg [dreg:$0x9];
	[sflag:s13] =	ssyncadd.s32 $0xFFFF6000  }
0x1d9: {  	[hbm4b:s31+s2] =	stream.linear.scatter [tilespmem:s6], [sflag:$0x4], $0xA000, $0x38;
	[tilespmem:$0x15900] =	vst v63  }
0x1da: {  	_ =	swait.ge [sflag:s12], $0xA000  }
0x1db: {  	s1 =	sld [smem:$0x7EF]  }
0x1dc: {  	[sflag:s12] =	ssyncset.done $0x0  }
0x1dd: {  	s24 =	sld [smem:$0x7F0];
	[sflag:s12] =	ssyncadd.s32 $0xFFFF6000  }
0x1de: {  	[tilespmem:s6], [sflag:$0x2] =	stream.indirect.gather [hbm4b:s3+s5], $0x40, s1, s5, $0xb8;
	[tilespmem:$0x15900] =	vst v63  }
0x1df: {  	s31 =	sld [smem:$0x7F1]  }
0x1e0: {  	[tilespmem:s9], [sflag:$0x2] =	stream.indirect.gather [hbm4b:s3+s5], $0x40, s24, s5, $0xb8;
	[tilespmem:$0x15900] =	vst v63  }
0x1e1: {  	s24 =	sld [smem:$0x7F2]  }
0x1e2: {  	[tilespmem:s11], [sflag:$0x2] =	stream.indirect.gather [hbm4b:s3+s5], $0x40, s31, s5, $0xb8;
	[tilespmem:$0x15900] =	vst v63  }
0x1e3: {  	s31 =	sld [smem:$0x7F3]  }
0x1e4: {  	[tilespmem:s15], [sflag:$0x2] =	stream.indirect.gather [hbm4b:s3+s5], $0x40, s24, s5, $0xb8;
	[tilespmem:$0x15900] =	vst v63  }
0x1e5: {  	_ = 	snop  }
0x1e6: {  	[tilespmem:s18], [sflag:$0x2] =	stream.indirect.gather [hbm4b:s3+s5], $0x40, s31, s5, $0xb8;
	[tilespmem:$0x15900] =	vst v63  }
0x1e7: {  	_ =	swait.ge [sflag:s17], $0xA000  }
0x1e8: {  	[sflag:s17] =	ssyncset.done $0x0  }
0x1e9: {  	s1 =	rddreg [dreg:$0xa];
	[sflag:s17] =	ssyncadd.s32 $0xFFFF6000  }
0x1ea: {  	[hbm4b:s1+s2] =	stream.linear.scatter [tilespmem:s4], [sflag:$0x3], $0xA000, $0x38;
	[tilespmem:$0x15900] =	vst v63  }
0x1eb: {  	_ =	swait.ge [sflag:s16], $0xA000  }
0x1ec: {  	s24 =	sld [smem:$0x7F4]  }
0x1ed: {  	[sflag:s16] =	ssyncset.done $0x0  }
0x1ee: {  	s31 =	sld [smem:$0x7F5];
	[sflag:s16] =	ssyncadd.s32 $0xFFFF6000  }
0x1ef: {  	[tilespmem:s4], [sflag:$0x1] =	stream.indirect.gather [hbm4b:s3+s5], $0x40, s24, s5, $0xb8;
	[tilespmem:$0x15900] =	vst v63  }
0x1f0: {  	s24 =	sld [smem:$0x7F6]  }
0x1f1: {  	[tilespmem:s7], [sflag:$0x1] =	stream.indirect.gather [hbm4b:s3+s5], $0x40, s31, s5, $0xb8;
	[tilespmem:$0x15900] =	vst v63  }
0x1f2: {  	s31 =	sld [smem:$0x7F7]  }
0x1f3: {  	[tilespmem:s8], [sflag:$0x1] =	stream.indirect.gather [hbm4b:s3+s5], $0x40, s24, s5, $0xb8;
	[tilespmem:$0x15900] =	vst v63  }
0x1f4: {  	s24 =	sld [smem:$0x7F8]  }
0x1f5: {  	[tilespmem:s10], [sflag:$0x1] =	stream.indirect.gather [hbm4b:s3+s5], $0x40, s31, s5, $0xb8;
	[tilespmem:$0x15900] =	vst v63  }
0x1f6: {  	_ = 	snop  }
0x1f7: {  	[tilespmem:s14], [sflag:$0x1] =	stream.indirect.gather [hbm4b:s3+s5], $0x40, s24, s5, $0xb8;
	[tilespmem:$0x15900] =	vst v63  }
0x1f8: {  	_ =	swait.ge [sflag:s13], $0xA000  }
0x1f9: {  	[sflag:s13] =	ssyncset.done $0x0  }
0x1fa: {  	s31 =	rddreg [dreg:$0xb];
	[sflag:s13] =	ssyncadd.s32 $0xFFFF6000  }
0x1fb: {  	[hbm4b:s31+s2] =	stream.linear.scatter [tilespmem:s6], [sflag:$0x4], $0xA000, $0x38;
	[tilespmem:$0x15900] =	vst v63  }
0x1fc: {  	_ =	swait.ge [sflag:s12], $0xA000  }
0x1fd: {  	s1 =	sld [smem:$0x7F9]  }
0x1fe: {  	[sflag:s12] =	ssyncset.done $0x0  }
0x1ff: {  	s24 =	sld [smem:$0x7FA];
	[sflag:s12] =	ssyncadd.s32 $0xFFFF6000  }
0x200: {  	[tilespmem:s6], [sflag:$0x2] =	stream.indirect.gather [hbm4b:s3+s5], $0x40, s1, s5, $0xb8;
	[tilespmem:$0x15900] =	vst v63  }
0x201: {  	s31 =	sld [smem:$0x7FB]  }
0x202: {  	[tilespmem:s9], [sflag:$0x2] =	stream.indirect.gather [hbm4b:s3+s5], $0x40, s24, s5, $0xb8;
	[tilespmem:$0x15900] =	vst v63  }
0x203: {  	s24 =	sld [smem:$0x7FC]  }
0x204: {  	[tilespmem:s11], [sflag:$0x2] =	stream.indirect.gather [hbm4b:s3+s5], $0x40, s31, s5, $0xb8;
	[tilespmem:$0x15900] =	vst v63  }
0x205: {  	s31 =	sld [smem:$0x7FD]  }
0x206: {  	[tilespmem:s15], [sflag:$0x2] =	stream.indirect.gather [hbm4b:s3+s5], $0x40, s24, s5, $0xb8;
	[tilespmem:$0x15900] =	vst v63  }
0x207: {  	_ = 	snop  }
0x208: {  	[tilespmem:s18], [sflag:$0x2] =	stream.indirect.gather [hbm4b:s3+s5], $0x40, s31, s5, $0xb8;
	[tilespmem:$0x15900] =	vst v63  }
0x209: {  	_ =	swait.ge [sflag:s17], $0xA000  }
0x20a: {  	[sflag:s17] =	ssyncset.done $0x0  }
0x20b: {  	s24 =	rddreg [dreg:$0xc];
	[sflag:s17] =	ssyncadd.s32 $0xFFFF6000  }
0x20c: {  	[hbm4b:s24+s2] =	stream.linear.scatter [tilespmem:s4], [sflag:$0x3], $0xA000, $0x38;
	[tilespmem:$0x15900] =	vst v63  }
0x20d: {  	_ =	swait.ge [sflag:s16], $0xA000  }
0x20e: {  	[sflag:s16] =	ssyncset.done $0x0  }
0x20f: {  	[sflag:s16] =	ssyncadd.s32 $0xFFFF6000  }
0x210: {  	[tilespmem:s4], [sflag:$0x1] =	stream.indirect.gather [hbm4b:s3+s5], $0x40, s26, s5, $0xb8;
	[tilespmem:$0x15900] =	vst v63  }
0x211: {  	_ = 	snop  }
0x212: {  	[tilespmem:s7], [sflag:$0x1] =	stream.indirect.gather [hbm4b:s3+s5], $0x40, s28, s5, $0xb8;
	[tilespmem:$0x15900] =	vst v63  }
0x213: {  	_ = 	snop  }
0x214: {  	[tilespmem:s8], [sflag:$0x1] =	stream.indirect.gather [hbm4b:s3+s5], $0x40, s29, s5, $0xb8;
	[tilespmem:$0x15900] =	vst v63  }
0x215: {  	_ = 	snop  }
0x216: {  	[tilespmem:s10], [sflag:$0x1] =	stream.indirect.gather [hbm4b:s3+s5], $0x40, s30, s5, $0xb8;
	[tilespmem:$0x15900] =	vst v63  }
0x217: {  	_ = 	snop  }
0x218: {  	[tilespmem:s14], [sflag:$0x1] =	stream.indirect.gather [hbm4b:s3+s5], $0x40, s25, s5, $0xb8;
	[tilespmem:$0x15900] =	vst v63  }
0x219: {  	_ =	swait.ge [sflag:s13], $0xA000  }
0x21a: {  	[sflag:s13] =	ssyncset.done $0x0  }
0x21b: {  	s28 =	rddreg [dreg:$0xd];
	[sflag:s13] =	ssyncadd.s32 $0xFFFF6000  }
0x21c: {  	[hbm4b:s28+s2] =	stream.linear.scatter [tilespmem:s6], [sflag:$0x4], $0xA000, $0x38;
	[tilespmem:$0x15900] =	vst v63  }
0x21d: {  	_ =	swait.ge [sflag:s12], $0xA000  }
0x21e: {  	[sflag:s12] =	ssyncset.done $0x0  }
0x21f: {  	[sflag:s12] =	ssyncadd.s32 $0xFFFF6000  }
0x220: {  	[tilespmem:s6], [sflag:$0x2] =	stream.indirect.gather [hbm4b:s3+s5], $0x40, s20, s5, $0xb8;
	[tilespmem:$0x15900] =	vst v63  }
0x221: {  	_ = 	snop  }
0x222: {  	[tilespmem:s9], [sflag:$0x2] =	stream.indirect.gather [hbm4b:s3+s5], $0x40, s21, s5, $0xb8;
	[tilespmem:$0x15900] =	vst v63  }
0x223: {  	_ = 	snop  }
0x224: {  	[tilespmem:s11], [sflag:$0x2] =	stream.indirect.gather [hbm4b:s3+s5], $0x40, s22, s5, $0xb8;
	[tilespmem:$0x15900] =	vst v63  }
0x225: {  	_ = 	snop  }
0x226: {  	[tilespmem:s15], [sflag:$0x2] =	stream.indirect.gather [hbm4b:s3+s5], $0x40, s23, s5, $0xb8;
	[tilespmem:$0x15900] =	vst v63  }
0x227: {  	s29 =	simm.s32 $0x1880  }
0x228: {  	[tilespmem:s18], [sflag:$0x2] =	stream.indirect.gather [hbm4b:s3+s5], $0x40, s29, s5, $0xb8;
	[tilespmem:$0x15900] =	vst v63  }
0x229: {  	_ =	swait.ge [sflag:s17], $0xA000  }
0x22a: {  	[sflag:s17] =	ssyncset.done $0x0  }
0x22b: {  	s30 =	rddreg [dreg:$0x5];
	[sflag:s17] =	ssyncadd.s32 $0xFFFF6000  }
0x22c: {  	[hbm4b:s30+s2] =	stream.linear.scatter [tilespmem:s4], [sflag:$0x3], $0xA000, $0x38;
	[tilespmem:$0x15900] =	vst v63  }
0x22d: {  	_ =	swait.ge [sflag:s16], $0xA000  }
0x22e: {  	[sflag:s16] =	ssyncset.done $0x0  }
0x22f: {  	[sflag:s16] =	ssyncadd.s32 $0xFFFF6000  }
0x230: {  	_ =	swait.ge [sflag:s13], $0xA000  }
0x231: {  	[sflag:s13] =	ssyncset.done $0x0  }
0x232: {  	s31 =	rddreg [dreg:$0x6];
	[sflag:s13] =	ssyncadd.s32 $0xFFFF6000  }
0x233: {  	[hbm4b:s31+s2] =	stream.linear.scatter [tilespmem:s6], [sflag:$0x4], $0xA000, $0x38;
	[tilespmem:$0x15900] =	vst v63  }
0x234: {  	_ =	swait.ge [sflag:s12], $0xA000  }
0x235: {  	[sflag:s12] =	ssyncset.done $0x0  }
0x236: {  	[sflag:s12] =	ssyncadd.s32 $0xFFFF6000  }
0x237: {  	_ =	sfence.sel $0x180000  }
0x238: {  	[bflag:$0x0] =	sbarrier.arrive $0xFFFF  }
0x239: {  	_ =	strace $0x9000004A  }
0x23a: {  	[bflag:$0x2] =	sbarrier.arrive $0xFFFF  }
0x23b: {  	p0 =	sne.s32 s19, $0x0;
	s0 =	rddreg [dreg:$0x3]  }
0x23c: {  	s0 =	sadd.s32 @!p0 $0x100000, s0  }
0x23d: {  	[sflag:s0] =	ssyncadd.tile.s32 @!p0 $0x1;
	_ =	shalt  }
.LBB2_1:
.Ltmp3:
0x23e: {  	(pc) =	sbr.rel .LBB2_6-.Ltmp3, $4  }
0x23f: {  	_ = 	snop  }
0x240: {  	s25 =	simm.s32 $0x1600;
	s30 =	simm.s32 $0x1580;
	s29 =	simm.s32 $0x1500  }
0x241: {  	s28 =	simm.s32 $0x1480;
	s26 =	simm.s32 $0x1400;
	s23 =	simm.s32 $0x1800  }
0x242: {  	s22 =	simm.s32 $0x1780;
	s21 =	simm.s32 $0x1700;
	s20 =	simm.s32 $0x1680  }
.LBB2_3:
.Ltmp4:
0x243: {  	(pc) =	sbr.rel .LBB2_6-.Ltmp4, $4  }
0x244: {  	s25 =	simm.s32 $0x1600  }
0x245: {  	s30 =	simm.s32 $0x1580;
	s29 =	simm.s32 $0x1500;
	s28 =	simm.s32 $0x1480  }
0x246: {  	s26 =	simm.s32 $0x1400;
	s23 =	simm.s32 $0x1800;
	s22 =	simm.s32 $0x1780  }
0x247: {  	s21 =	simm.s32 $0x1700;
	s20 =	simm.s32 $0x1680;
	s19 =	stileid.u32  }
.Lfunc_end2:
_tile_overlayer_lowered:
.L_overlay_start_2:
0x248: {  	(tag) =	ssettag $0x2  }
0x249: {  	s0 =	rddreg [dreg:$0x0];
	s2 =	stileid.u32  }
0x24a: {  	s1 =	rddreg [dreg:$0x1];
	p0 =	sne.s32 s2, $0x0  }
0x24b: {  	s3 =	rddreg [dreg:$0x2];
	[bflag:$0x3] =	sbarrier.arrive $0xFFFF;
	s2 =	simm.s32 @!p0 $0x1C05  }
0x24c: {  	[timem:s3], [sflag:s2] =	dma.local @!p0 [hbm:s0], s1  }
0x24d: {  	s0 =	simm.s32 @!p0 $0x5  }
0x24e: {  	_ =	swait.ge @!p0 [sflag:s0], s1  }
0x24f: {  	s1 =	ssub.s32 @!p0 $0x0, s1;
	[sflag:s0] =	ssyncset.done @!p0 $0x0  }
0x250: {  	[sflag:s0] =	ssyncadd.s32 @!p0 s1  }
0x251: {  	[bflag:$0x3] =	sbarrier.arrive $0xFFFF  }
0x252: {  	_ =	shalt  }

// kernel: _run.8.cloned.1.call-start
scs
__scs_entry_jumppad:
0x0: {  	(pc) =	sbr.rel $0x88, $3  }
0x1: {  	(tag) =	ssettag $0x0;
	lr =	simm.s32 $0x1  }
0x2: {  	[smem:$0x3F9D] =	sst lr;
	_ =	strace $0xD0000000  }
0x3: {  	_ = 	snop  }
0x4: {  	_ = 	snop  }
0x5: {  	_ = 	snop  }
0x6: {  	_ = 	snop  }
0x7: {  	_ = 	snop  }
__scs_overlays_trampoline_lowered:
0x8: {  	[smem:$0x3FAC] =	sst s0  }
0x9: {  	[smem:$0x3FAD] =	sst s1  }
0xa: {  	[smem:$0x3FAE] =	sst s2  }
0xb: {  	[smem:$0x3FAF] =	sst s3  }
0xc: {  	[smem:$0x3FB0] =	sst s4  }
0xd: {  	[smem:$0x3FB1] =	sst s5  }
0xe: {  	[smem:$0x3FB2] =	sst s6  }
0xf: {  	[smem:$0x3FB3] =	sst s7  }
0x10: {  	[smem:$0x3FB4] =	sst s8  }
0x11: {  	[smem:$0x3FB5] =	sst s9;
	s0 =	simm.s32 @!p0 $0x0  }
0x12: {  	s1 =	sld [smem:$0x3F9B];
	s0 =	simm.s32 @p0 $0x1  }
0x13: {  	[smem:$0x3FB6] =	sst s0;
	s0 =	simm.s32 @!p1 $0x0  }
0x14: {  	s2 =	sld [smem:$0x3F9A];
	s0 =	simm.s32 @p1 $0x1  }
0x15: {  	[smem:$0x3FB7] =	sst s0;
	s0 =	simm.s32 @!p2 $0x0  }
0x16: {  	s3 =	sld [smem:$0x3FDB];
	s0 =	simm.s32 @p2 $0x1  }
0x17: {  	s4 =	simm.s32 $0x1BF5;
	[smem:$0x3FB9] =	sst s0  }
0x18: {  	s0 =	sld [smem:$0x3F9C];
	_ =	swait.ge [sflag:s4], $0x0  }
0x19: {  	s7 =	sld [smem:$0x3F9D]  }
0x1a: {  	s8 =	sadd.s32 $0xFFFFE003, lr  }
0x1b: {  	s9 =	sadd.s32 $0xFFFFFEF7, lr;
	s5 =	simm.s32 $0xFFFFFFFF;
	p2 =	slt.u32 s8, $0xFFFFF086  }
0x1c: {  	p1 =	slt.u32 s9, $0xF7A;
	s5 =	simm.s32 @!p2 $0x0  }
0x1d: {  	s5 =	simm.s32 @p1 $0x1;
	p0 =	seq.s32 s7, s2  }
0x1e: {  	s7 =	smul.u32 @!p0 $0xF7A, s2;
	p2 =	seq.s32 @!p0 s5, $0x0  }
0x1f: {  	s9 =	smul.u32 $0xF7A, s1;
	s8 =	simm.s32 @!p0 $0x1BF5;
	p2 =	por !p2, p0  }
0x20: {  	[sflag:s8] =	ssyncset.s32 @!p0 $0xFFFFF086;
	s6 =	sadd.s32 @!p0 s3, s7;
	s7 =	simm.s32 @!p0 $0x108  }
0x21: {  	s3 =	sadd.s32 s3, s9;
	s6 =	sadd.s32 @!p0 $0x88, s6;
	s7 =	simm.s32 @p2 $0x1082  }
0x22: {  	[simem:s7], [sflag:s8] =	dma.local @!p0 [hbm:s6], $0xF7A  }
0x23: {  	s9 =	sor.u32 $0xD0000000, s2;
	s6 =	simm.s32 $0x108;
	_ =	swait.ge @!p0 [sflag:s8], $0x0  }
0x24: {  	s3 =	sadd.s32 $0x88, s3;
	s6 =	simm.s32 @!p1 $0x1082;
	[sflag:s4] =	ssyncset.s32 $0xFFFFF086  }
0x25: {  	[simem:s6], [sflag:s4] =	dma.local [hbm:s3], $0xF7A  }
0x26: {  	[smem:$0x3F9D] =	sst s1;
	(tag) =	ssettag s2;
	_ =	strace s9  }
0x27: {  	s1 =	sld [smem:$0x3FAD]  }
0x28: {  	s2 =	sld [smem:$0x3FAE]  }
0x29: {  	s4 =	sld [smem:$0x3FB0]  }
0x2a: {  	p0 =	seq.s32 s5, $0x0;
	s5 =	sld [smem:$0x3FB1]  }
0x2b: {  	s6 =	sld [smem:$0x3FB2]  }
0x2c: {  	s7 =	sld [smem:$0x3FB3]  }
0x2d: {  	s3 =	simm.s32 $0x108;
	s8 =	sld [smem:$0x3FB4]  }
0x2e: {  	s3 =	simm.s32 @!p0 $0x1082;
	s9 =	sld [smem:$0x3FB5]  }
0x2f: {  	lr =	sadd.s32 s0, s3;
	s0 =	sld [smem:$0x3FAC]  }
0x30: {  	s3 =	sld [smem:$0x3FAF]  }
0x31: {  	[smem:$0x3FB8] =	sst s10  }
0x32: {  	s10 =	sld [smem:$0x3FB6];
	_ =	sdelay $0x3  }
0x33: {  	p0 =	seq.s32 s10, $0x1;
	s10 =	sld [smem:$0x3FB8];
	_ =	sdelay $0x3  }
0x34: {  	[smem:$0x3FB8] =	sst s10  }
0x35: {  	s10 =	sld [smem:$0x3FB7];
	_ =	sdelay $0x3  }
0x36: {  	p1 =	seq.s32 s10, $0x1;
	s10 =	sld [smem:$0x3FB8];
	_ =	sdelay $0x3  }
0x37: {  	[smem:$0x3FB8] =	sst s10  }
0x38: {  	s10 =	sld [smem:$0x3FB9]  }
0x39: {  	_ = 	snop;
	(pc) =	sbr.ind lr, $3  }
0x3a: {  	_ = 	snop  }
0x3b: {  	_ = 	snop  }
0x3c: {  	p2 =	seq.s32 s10, $0x1;
	s10 =	sld [smem:$0x3FB8]  }
0x3d: {  	_ =	shalt  }
0x3e: {  	_ =	shalt  }
0x3f: {  	_ =	shalt  }
0x40: {  	_ =	shalt  }
0x41: {  	_ =	shalt  }
0x42: {  	_ =	shalt  }
0x43: {  	_ =	shalt  }
0x44: {  	_ =	shalt  }
0x45: {  	_ =	shalt  }
0x46: {  	_ =	shalt  }
0x47: {  	_ =	shalt  }
0x48: {  	_ =	shalt  }
0x49: {  	_ =	shalt  }
0x4a: {  	_ =	shalt  }
0x4b: {  	_ =	shalt  }
0x4c: {  	_ =	shalt  }
0x4d: {  	_ =	shalt  }
0x4e: {  	_ =	shalt  }
0x4f: {  	_ =	shalt  }
0x50: {  	_ =	shalt  }
0x51: {  	_ =	shalt  }
0x52: {  	_ =	shalt  }
0x53: {  	_ =	shalt  }
0x54: {  	_ =	shalt  }
0x55: {  	_ =	shalt  }
0x56: {  	_ =	shalt  }
0x57: {  	_ =	shalt  }
0x58: {  	_ =	shalt  }
0x59: {  	_ =	shalt  }
0x5a: {  	_ =	shalt  }
0x5b: {  	_ =	shalt  }
0x5c: {  	_ =	shalt  }
0x5d: {  	_ =	shalt  }
0x5e: {  	_ =	shalt  }
0x5f: {  	_ =	shalt  }
0x60: {  	_ =	shalt  }
0x61: {  	_ =	shalt  }
0x62: {  	_ =	shalt  }
0x63: {  	_ =	shalt  }
0x64: {  	_ =	shalt  }
0x65: {  	_ =	shalt  }
0x66: {  	_ =	shalt  }
0x67: {  	_ =	shalt  }
0x68: {  	_ =	shalt  }
0x69: {  	_ =	shalt  }
0x6a: {  	_ =	shalt  }
0x6b: {  	_ =	shalt  }
0x6c: {  	_ =	shalt  }
0x6d: {  	_ =	shalt  }
0x6e: {  	_ =	shalt  }
0x6f: {  	_ =	shalt  }
0x70: {  	_ =	shalt  }
0x71: {  	_ =	shalt  }
0x72: {  	_ =	shalt  }
0x73: {  	_ =	shalt  }
0x74: {  	_ =	shalt  }
0x75: {  	_ =	shalt  }
0x76: {  	_ =	shalt  }
0x77: {  	_ =	shalt  }
0x78: {  	_ =	shalt  }
0x79: {  	_ =	shalt  }
0x7a: {  	_ =	shalt  }
0x7b: {  	_ =	shalt  }
0x7c: {  	_ =	shalt  }
0x7d: {  	_ =	shalt  }
0x7e: {  	_ =	shalt  }
0x7f: {  	_ =	shalt  }
0x80: {  	_ =	shalt  }
0x81: {  	_ =	shalt  }
0x82: {  	_ =	shalt  }
0x83: {  	_ =	shalt  }
0x84: {  	_ =	shalt  }
0x85: {  	_ =	shalt  }
0x86: {  	_ =	shalt  }
0x87: {  	_ =	shalt  }
.Lfunc_end0:
.L_simem_size_0:
called_computation.3_lowered:
.L_overlay_start_0:
0x88: {  	s2 =	sld [smem:$0x3FD9]  }
0x89: {  	s3 =	sld [smem:$0x3FFE];
	_ =	sdelay $0x1  }
0x8a: {  	s1 =	srdreg.scid  }
0x8b: {  	s0 =	sand.u32 $0x1, s1  }
0x8c: {  	s14 =	sshll.u32 s0, $0xA;
	s2 =	sadd.s32 s3, s2  }
0x8d: {  	s2 =	sadd.s32 s2, s14  }
0x8e: {  	[smem:$0x3FC4] =	sst s2  }
0x8f: {  	_ = 	snop  }
0x90: {  	s2 =	sld [smem:$0x3FD0];
	_ =	sdelay $0x2  }
0x91: {  	s4 =	simm.s32 $0xC;
	s5 =	simm.s32 $0x10;
	s15 =	sld [smem:$0x3FC8]  }
0x92: {  	[smem:s5], [sflag:s4] =	dma.local [hbm:s2], $0x1  }
0x93: {  	_ =	swait.eq [sflag:s4], $0x1  }
0x94: {  	[sflag:s4] =	ssyncset.done $0x0  }
0x95: {  	[sflag:s4] =	ssyncadd.s32 $0xFFFFFFFF  }
0x96: {  	s16 =	sld [smem:$0x11];
	(tm) =	ssettm $0x1  }
0x97: {  	s17 =	sld [smem:$0x3FFB];
	_ =	sdelay $0x3  }
0x98: {  	_ =	strace s17  }
0x99: {  	s4 =	sld [smem:$0x3FFC];
	_ =	sdelay $0x3  }
0x9a: {  	_ =	strace s4  }
0x9b: {  	s4 =	sld [smem:$0x3FFD];
	_ =	sdelay $0x3  }
0x9c: {  	_ =	strace s4  }
0x9d: {  	_ =	strace $0x8FFFFFFF  }
0x9e: {  	s18 =	sld [smem:$0x3FDB];
	_ =	sdelay $0x1  }
0x9f: {  	s19 =	simm.s32 $_scs_section_size  }
0xa0: {  	s6 =	simm.s32 $_size__tile_overlayer_lowered;
	s7 =	simm.s32 $_tile_overlayer_lowered  }
0xa1: {  	s22 =	simm.s32 $0x1BFF;
	s21 =	sshll.u32 s7, $0x1;
	s4 =	sadd.s32 s19, s18  }
0xa2: {  	s8 =	simm.s32 $0x0;
	s20 =	sshll.u32 s6, $0x1;
	s6 =	sadd.s32 s21, s4  }
0xa3: {  	[timem:s8], [sflag:s22] =	dma.local [hbm:s6], s20  }
0xa4: {  	_ =	swait.ge [sflag:s22], s20  }
0xa5: {  	s5 =	ssub.s32 $0x0, s20;
	[sflag:s22] =	ssyncset.done $0x0  }
0xa6: {  	[sflag:s22] =	ssyncadd.s32 s5;
	_ =	sdelay $0x1  }
0xa7: {  	s23 =	simm.s32 $0x1B8B  }
0xa8: {  	_ =	swait.ge [sflag:s23], $0x1  }
0xa9: {  	[sflag:s23] =	ssyncset.done $0x0  }
0xaa: {  	s25 =	simm.s32 $0x1B8E;
	s24 =	sld [smem:$0x3FFE];
	[sflag:s23] =	ssyncadd.s32 $0xFFFFFFFF  }
0xab: {  	s26 =	simm.s32 $execute0_lowered;
	[smem:$0x3FD2] =	sst s25  }
0xac: {  	s6 =	sshll.u32 s26, $0x1;
	_ =	strace $0x80000046;
	[dreg:$0x1] =	wrdreg $0xFFFFFFFF  }
0xad: {  	s28 =	simm.s32 $_size_execute0_lowered;
	s4 =	sadd.s32 s4, s6;
	[dreg:$0x0] =	wrdreg $0x0  }
0xae: {  	s6 =	sshll.u32 s28, $0x1;
	[dreg:$0x2] =	wrdreg s4  }
0xaf: {  	[dreg:$0x3] =	wrdreg s6  }
0xb0: {  	[dreg:$0x4] =	wrdreg $0xC0  }
0xb1: {  	_ =	task [dreg:s8], $0x5FFFF  }
0xb2: {  	[dreg:$0x1] =	wrdreg $0xFFFFFFFF  }
0xb3: {  	[dreg:$0x0] =	wrdreg $0x60  }
0xb4: {  	[dreg:$0x2] =	wrdreg s15  }
0xb5: {  	[dreg:$0x3] =	wrdreg s24  }
0xb6: {  	[dreg:$0x4] =	wrdreg s16  }
0xb7: {  	[dreg:$0x5] =	wrdreg $0xA  }
0xb8: {  	_ =	task.clear_ibuf [dreg:s8], $0x6FFFF;
	_ =	strace $0x90000046  }
0xb9: {  	s29 =	simm.s32 $0xA;
	_ =	strace $0x80000048  }
0xba: {  	_ =	swait.ge [sflag:s29], $0x1  }
0xbb: {  	[sflag:s29] =	ssyncadd.s32 $0xFFFFFFFF  }
0xbc: {  	_ =	strace $0x90000048  }
0xbd: {  	_ =	sfence  }
0xbe: {  	s30 =	sld [smem:$0x0];
	_ =	sdelay $0x2  }
0xbf: {  	s31 =	sshll.u32 s1, $0xD;
	s1 =	sshrl.u32 s1, $0x2  }
0xc0: {  	s3 =	sand.u32 $0x4000, s31;
	s1 =	sadd.s32 s1, s30  }
0xc1: {  	s0 =	sor.u32 s3, s0;
	s1 =	sshll.u32 s1, $0x11  }
0xc2: {  	s0 =	sor.u32 s1, s0  }
0xc3: {  	s0 =	sadd.s32 $0x8F2B, s0  }
0xc4: {  	[sflag:s0] =	ssyncadd.remote.s32 $0x1  }
0xc5: {  	_ =	sfence.sel $0xFFFF  }
0xc6: {  	[dreg:$0x0] =	wrdreg $0xFFFFFFFF;
	(pc) =	sbr.abs _section_cstart, $3  }
0xc7: {  	[dreg:$0x1] =	wrdreg $0xFFFFFFFF  }
0xc8: {  	_ =	task.clear_ibuf [dreg:s8], $0x2FFFF;
	_ =	strace $0x9FFFFFFF  }
0xc9: {  	(tm) =	ssettm $0x7FFFFFFF  }
tec
execute0_lowered:
.L_overlay_start_1:
0x0: {  	(tag) =	ssettag $0x1  }
0x1: {  	s0 =	rddreg [dreg:$0x0]  }
0x2: {  	s1 =	srdreg.scid;
	s19 =	stileid.u32  }
0x3: {  	s3 =	rddreg [dreg:$0x1];
	s1 =	sand.u32 $0x1, s1;
	s2 =	sshll.u32 s19, $0x1  }
0x4: {  	s4 =	rddreg [dreg:$0x2];
	s5 =	sor.u32 s1, s2;
	s2 =	simm.s32 $0x0  }
0x5: {  	s8 =	simm.s32 $0x280;
	[smem:$0x7FF] =	sst s2  }
0x6: {  	s9 =	simm.s32 $0x300;
	_ =	strace $0x80000047;
	[dreg:$0x11] =	wrdreg s8  }
0x7: {  	s10 =	simm.s32 $0x380;
	[dreg:$0x12] =	wrdreg s9  }
0x8: {  	s11 =	simm.s32 $0x400;
	[dreg:$0x13] =	wrdreg s10  }
0x9: {  	s12 =	simm.s32 $0x480;
	[dreg:$0x14] =	wrdreg s11  }
0xa: {  	s13 =	simm.s32 $0x500;
	[dreg:$0x15] =	wrdreg s12  }
0xb: {  	s14 =	simm.s32 $0x580;
	[dreg:$0x16] =	wrdreg s13  }
0xc: {  	s15 =	simm.s32 $0x600;
	[dreg:$0x17] =	wrdreg s14  }
0xd: {  	s16 =	simm.s32 $0x680;
	[dreg:$0x18] =	wrdreg s15  }
0xe: {  	[dreg:$0x19] =	wrdreg s16;
	s8 =	simm.s32 $0xC00  }
0xf: {  	s9 =	simm.s32 $0xC80;
	[smem:$0x7EE] =	sst s8  }
0x10: {  	s10 =	simm.s32 $0xD00;
	[smem:$0x7EF] =	sst s9  }
0x11: {  	s11 =	simm.s32 $0xD80;
	[smem:$0x7F0] =	sst s10  }
0x12: {  	s12 =	simm.s32 $0xE00;
	[smem:$0x7F1] =	sst s11  }
0x13: {  	s6 =	smul.u32 $0x64000, s5;
	s13 =	simm.s32 $0xE80;
	[smem:$0x7F2] =	sst s12  }
0x14: {  	s7 =	smul.u32 $0x320, s5;
	s15 =	simm.s32 $0xF00;
	[smem:$0x7F3] =	sst s13  }
0x15: {  	s5 =	smul.u32 $0xC800, s5;
	s16 =	simm.s32 $0xF80;
	[smem:$0x7F4] =	sst s15  }
0x16: {  	s0 =	sadd.s32 s0, s7;
	[smem:$0x7F5] =	sst s16  }
0x17: {  	s24 =	sadd.s32 s4, s5;
	s5 =	simm.s32 $0x100;
	[dreg:$0x4] =	wrdreg s0  }
0x18: {  	s31 =	simm.s32 $0x5;
	s7 =	simm.s32 $0x200;
	[dreg:$0xe] =	wrdreg s5  }
0x19: {  	s28 =	simm.s32 $0x1480;
	s20 =	sadd.s32 $0x1400, s24;
	[dreg:$0x10] =	wrdreg s7  }
0x1a: {  	s29 =	simm.s32 $0x1500;
	s21 =	sadd.s32 $0x2800, s24;
	[dreg:$0x7] =	wrdreg s20  }
0x1b: {  	s30 =	simm.s32 $0x1580;
	s22 =	sadd.s32 $0x3C00, s24;
	[dreg:$0x8] =	wrdreg s21  }
0x1c: {  	p0 =	por $0x0, $0x0;
	s23 =	sadd.s32 $0x5000, s24;
	[dreg:$0x9] =	wrdreg s22  }
0x1d: {  	s3 =	sadd.s32 $0x1400, s3;
	s25 =	sadd.s32 $0x6400, s24;
	[dreg:$0xa] =	wrdreg s23  }
0x1e: {  	s6 =	sshrl.u32 s6, $0x3;
	s26 =	sadd.s32 $0x7800, s24;
	[dreg:$0xb] =	wrdreg s25  }
0x1f: {  	s6 =	sadd.s32 s4, s6;
	s4 =	sadd.s32 $0x8C00, s24;
	[dreg:$0xc] =	wrdreg s26  }
0x20: {  	s1 =	ssub.s32 $0x2, s1;
	s5 =	simm.s32 $0xA80;
	[dreg:$0xd] =	wrdreg s4  }
0x21: {  	s14 =	simm.s32 $0x9900;
	s7 =	simm.s32 $0xB80;
	[smem:$0x7EB] =	sst s5  }
0x22: {  	s8 =	simm.s32 $0x5900;
	s10 =	simm.s32 $0x7900;
	[smem:$0x7ED] =	sst s7  }
0x23: {  	s9 =	simm.s32 $0xD900;
	s17 =	sadd.s32 $0xA000, s6;
	s0 =	rddreg [dreg:$0x4]  }
0x24: {  	s11 =	simm.s32 $0xF900;
	s18 =	sadd.s32 $0xB400, s6;
	[dreg:$0x5] =	wrdreg s17  }
0x25: {  	s15 =	simm.s32 $0x11900;
	s6 =	simm.s32 $0x180;
	[dreg:$0x6] =	wrdreg s18  }
0x26: {  	s16 =	simm.s32 $0x3;
	s20 =	simm.s32 $0x800;
	[dreg:$0xf] =	wrdreg s6  }
0x27: {  	s13 =	simm.s32 $0x2;
	s21 =	simm.s32 $0x880;
	[dreg:$0x1c] =	wrdreg s20  }
0x28: {  	s12 =	simm.s32 $0x4;
	s22 =	simm.s32 $0x900;
	[dreg:$0x1d] =	wrdreg s21  }
0x29: {  	s23 =	simm.s32 $0x980;
	s25 =	simm.s32 $0xA00;
	[dreg:$0x1e] =	wrdreg s22  }
0x2a: {  	s26 =	sshrl.u32 s1, $0x1;
	s5 =	simm.s32 $0x80;
	[dreg:$0x1f] =	wrdreg s23  }
0x2b: {  	s4 =	simm.s32 $0x1900;
	s17 =	simm.s32 $0x700;
	[smem:$0x7EA] =	sst s25  }
0x2c: {  	s7 =	simm.s32 $0x3900;
	s18 =	simm.s32 $0x780;
	[dreg:$0x1a] =	wrdreg s17  }
0x2d: {  	s1 =	ssub.s32 s1, s26;
	s6 =	simm.s32 $0xB00;
	[dreg:$0x1b] =	wrdreg s18  }
0x2e: {  	s20 =	simm.s32 $0x1100;
	s21 =	simm.s32 $0x1180;
	[smem:$0x7EC] =	sst s6  }
0x2f: {  	s22 =	simm.s32 $0x1200;
	s23 =	simm.s32 $0x1280;
	[smem:$0x7F8] =	sst s20  }
0x30: {  	s25 =	simm.s32 $0x1300;
	s26 =	simm.s32 $0x1380;
	[smem:$0x7F9] =	sst s21  }
0x31: {  	s1 =	smax.u32 s1, $0x1;
	s6 =	simm.s32 $0xB900;
	[smem:$0x7FA] =	sst s22  }
0x32: {  	s17 =	simm.s32 $0x1000;
	[smem:$0x7FB] =	sst s23;
	p1 =	sne.s32 s1, $0x1  }
.Ltmp0:
0x33: {  	s18 =	simm.s32 $0x1080;
	[smem:$0x7FC] =	sst s25;
	(pc) =	sbr.rel @!p1 .LBB2_1-.Ltmp0, $4  }
0x34: {  	[smem:$0x7FD] =	sst s26;
	s26 =	simm.s32 $0x1600;
	s20 =	simm.s32 $0x1680  }
0x35: {  	s21 =	simm.s32 $0x1700;
	s22 =	simm.s32 $0x1780;
	[smem:$0x7F6] =	sst s17  }
0x36: {  	s23 =	simm.s32 $0x1800;
	s25 =	simm.s32 $0x1880;
	[smem:$0x7F7] =	sst s18  }
0x37: {  	s18 =	simm.s32 $0x13900;
	s17 =	simm.s32 $0x1;
	s1 =	sadd.s32 $0xFFFFFFFF, s1  }
0x38: {  	[tilespmem:s2], [sflag:$0x5] =	stream.linear.gather [hbm4b:s0+s2], $0x1900, $0x38;
	[tilespmem:$0x15900] =	vst v63  }
0x39: {  	_ =	swait.ge [sflag:s31], $0x1900  }
0x3a: {  	[sflag:s31] =	ssyncset.done $0x0  }
0x3b: {  	[sflag:s31] =	ssyncadd.s32 $0xFFFFE700  }
0x3c: {  	[tilespmem:s4], [sflag:$0x1] =	stream.indirect.gather [hbm4b:s3+s5], $0x40, s2, s5, $0xb8;
	[tilespmem:$0x15900] =	vst v63  }
0x3d: {  	_ = 	snop  }
0x3e: {  	[tilespmem:s7], [sflag:$0x1] =	stream.indirect.gather [hbm4b:s3+s5], $0x40, s5, s5, $0xb8;
	[tilespmem:$0x15900] =	vst v63  }
0x3f: {  	s0 =	rddreg [dreg:$0xe]  }
0x40: {  	[tilespmem:s8], [sflag:$0x1] =	stream.indirect.gather [hbm4b:s3+s5], $0x40, s0, s5, $0xb8;
	[tilespmem:$0x15900] =	vst v63  }
0x41: {  	s19 =	smov.u32 s1;
	s1 =	rddreg [dreg:$0xf]  }
0x42: {  	[tilespmem:s10], [sflag:$0x1] =	stream.indirect.gather [hbm4b:s3+s5], $0x40, s1, s5, $0xb8;
	[tilespmem:$0x15900] =	vst v63  }
0x43: {  	s0 =	rddreg [dreg:$0x10]  }
0x44: {  	[tilespmem:s14], [sflag:$0x1] =	stream.indirect.gather [hbm4b:s3+s5], $0x40, s0, s5, $0xb8;
	[tilespmem:$0x15900] =	vst v63  }
0x45: {  	s1 =	rddreg [dreg:$0x11]  }
0x46: {  	[tilespmem:s6], [sflag:$0x2] =	stream.indirect.gather [hbm4b:s3+s5], $0x40, s1, s5, $0xb8;
	[tilespmem:$0x15900] =	vst v63  }
0x47: {  	s0 =	rddreg [dreg:$0x12]  }
0x48: {  	[tilespmem:s9], [sflag:$0x2] =	stream.indirect.gather [hbm4b:s3+s5], $0x40, s0, s5, $0xb8;
	[tilespmem:$0x15900] =	vst v63  }
0x49: {  	s1 =	rddreg [dreg:$0x13]  }
0x4a: {  	[tilespmem:s11], [sflag:$0x2] =	stream.indirect.gather [hbm4b:s3+s5], $0x40, s1, s5, $0xb8;
	[tilespmem:$0x15900] =	vst v63  }
0x4b: {  	s0 =	rddreg [dreg:$0x14]  }
0x4c: {  	[tilespmem:s15], [sflag:$0x2] =	stream.indirect.gather [hbm4b:s3+s5], $0x40, s0, s5, $0xb8;
	[tilespmem:$0x15900] =	vst v63  }
0x4d: {  	s1 =	rddreg [dreg:$0x15]  }
0x4e: {  	[tilespmem:s18], [sflag:$0x2] =	stream.indirect.gather [hbm4b:s3+s5], $0x40, s1, s5, $0xb8;
	[tilespmem:$0x15900] =	vst v63  }
0x4f: {  	_ =	swait.ge [sflag:s17], $0xA000  }
0x50: {  	[sflag:s17] =	ssyncset.done $0x0  }
0x51: {  	[sflag:s17] =	ssyncadd.s32 $0xFFFF6000  }
0x52: {  	[hbm4b:s24+s2] =	stream.linear.scatter [tilespmem:s4], [sflag:$0x3], $0xA000, $0x38;
	[tilespmem:$0x15900] =	vst v63  }
0x53: {  	_ =	swait.ge [sflag:s16], $0xA000  }
0x54: {  	[sflag:s16] =	ssyncset.done $0x0  }
0x55: {  	s0 =	rddreg [dreg:$0x16];
	[sflag:s16] =	ssyncadd.s32 $0xFFFF6000  }
0x56: {  	[tilespmem:s4], [sflag:$0x1] =	stream.indirect.gather [hbm4b:s3+s5], $0x40, s0, s5, $0xb8;
	[tilespmem:$0x15900] =	vst v63  }
0x57: {  	s1 =	rddreg [dreg:$0x17]  }
0x58: {  	[tilespmem:s7], [sflag:$0x1] =	stream.indirect.gather [hbm4b:s3+s5], $0x40, s1, s5, $0xb8;
	[tilespmem:$0x15900] =	vst v63  }
0x59: {  	s0 =	rddreg [dreg:$0x18]  }
0x5a: {  	[tilespmem:s8], [sflag:$0x1] =	stream.indirect.gather [hbm4b:s3+s5], $0x40, s0, s5, $0xb8;
	[tilespmem:$0x15900] =	vst v63  }
0x5b: {  	s1 =	rddreg [dreg:$0x19]  }
0x5c: {  	[tilespmem:s10], [sflag:$0x1] =	stream.indirect.gather [hbm4b:s3+s5], $0x40, s1, s5, $0xb8;
	[tilespmem:$0x15900] =	vst v63  }
0x5d: {  	s0 =	rddreg [dreg:$0x1a]  }
0x5e: {  	[tilespmem:s14], [sflag:$0x1] =	stream.indirect.gather [hbm4b:s3+s5], $0x40, s0, s5, $0xb8;
	[tilespmem:$0x15900] =	vst v63  }
0x5f: {  	_ =	swait.ge [sflag:s13], $0xA000  }
0x60: {  	[sflag:s13] =	ssyncset.done $0x0  }
0x61: {  	s1 =	rddreg [dreg:$0x7];
	[sflag:s13] =	ssyncadd.s32 $0xFFFF6000  }
0x62: {  	[hbm4b:s1+s2] =	stream.linear.scatter [tilespmem:s6], [sflag:$0x4], $0xA000, $0x38;
	[tilespmem:$0x15900] =	vst v63  }
0x63: {  	_ =	swait.ge [sflag:s12], $0xA000  }
0x64: {  	[sflag:s12] =	ssyncset.done $0x0  }
0x65: {  	s0 =	rddreg [dreg:$0x1b];
	[sflag:s12] =	ssyncadd.s32 $0xFFFF6000  }
0x66: {  	[tilespmem:s6], [sflag:$0x2] =	stream.indirect.gather [hbm4b:s3+s5], $0x40, s0, s5, $0xb8;
	[tilespmem:$0x15900] =	vst v63  }
0x67: {  	s1 =	rddreg [dreg:$0x1c]  }
0x68: {  	[tilespmem:s9], [sflag:$0x2] =	stream.indirect.gather [hbm4b:s3+s5], $0x40, s1, s5, $0xb8;
	[tilespmem:$0x15900] =	vst v63  }
0x69: {  	s0 =	rddreg [dreg:$0x1d]  }
0x6a: {  	[tilespmem:s11], [sflag:$0x2] =	stream.indirect.gather [hbm4b:s3+s5], $0x40, s0, s5, $0xb8;
	[tilespmem:$0x15900] =	vst v63  }
0x6b: {  	s1 =	rddreg [dreg:$0x1e]  }
0x6c: {  	[tilespmem:s15], [sflag:$0x2] =	stream.indirect.gather [hbm4b:s3+s5], $0x40, s1, s5, $0xb8;
	[tilespmem:$0x15900] =	vst v63  }
0x6d: {  	s0 =	rddreg [dreg:$0x1f]  }
0x6e: {  	[tilespmem:s18], [sflag:$0x2] =	stream.indirect.gather [hbm4b:s3+s5], $0x40, s0, s5, $0xb8;
	[tilespmem:$0x15900] =	vst v63  }
0x6f: {  	_ =	swait.ge [sflag:s17], $0xA000  }
0x70: {  	[sflag:s17] =	ssyncset.done $0x0  }
0x71: {  	s1 =	rddreg [dreg:$0x8];
	[sflag:s17] =	ssyncadd.s32 $0xFFFF6000  }
0x72: {  	[hbm4b:s1+s2] =	stream.linear.scatter [tilespmem:s4], [sflag:$0x3], $0xA000, $0x38;
	[tilespmem:$0x15900] =	vst v63  }
0x73: {  	_ =	swait.ge [sflag:s16], $0xA000  }
0x74: {  	s0 =	sld [smem:$0x7EA]  }
0x75: {  	[sflag:s16] =	ssyncset.done $0x0  }
0x76: {  	s1 =	sld [smem:$0x7EB];
	[sflag:s16] =	ssyncadd.s32 $0xFFFF6000  }
0x77: {  	[tilespmem:s4], [sflag:$0x1] =	stream.indirect.gather [hbm4b:s3+s5], $0x40, s0, s5, $0xb8;
	[tilespmem:$0x15900] =	vst v63  }
0x78: {  	s0 =	sld [smem:$0x7EC]  }
0x79: {  	[tilespmem:s7], [sflag:$0x1] =	stream.indirect.gather [hbm4b:s3+s5], $0x40, s1, s5, $0xb8;
	[tilespmem:$0x15900] =	vst v63  }
0x7a: {  	s1 =	sld [smem:$0x7ED]  }
0x7b: {  	[tilespmem:s8], [sflag:$0x1] =	stream.indirect.gather [hbm4b:s3+s5], $0x40, s0, s5, $0xb8;
	[tilespmem:$0x15900] =	vst v63  }
0x7c: {  	s0 =	sld [smem:$0x7EE]  }
0x7d: {  	[tilespmem:s10], [sflag:$0x1] =	stream.indirect.gather [hbm4b:s3+s5], $0x40, s1, s5, $0xb8;
	[tilespmem:$0x15900] =	vst v63  }
0x7e: {  	_ = 	snop  }
0x7f: {  	[tilespmem:s14], [sflag:$0x1] =	stream.indirect.gather [hbm4b:s3+s5], $0x40, s0, s5, $0xb8;
	[tilespmem:$0x15900] =	vst v63  }
0x80: {  	_ =	swait.ge [sflag:s13], $0xA000  }
0x81: {  	[sflag:s13] =	ssyncset.done $0x0  }
0x82: {  	s1 =	rddreg [dreg:$0x9];
	[sflag:s13] =	ssyncadd.s32 $0xFFFF6000  }
0x83: {  	[hbm4b:s1+s2] =	stream.linear.scatter [tilespmem:s6], [sflag:$0x4], $0xA000, $0x38;
	[tilespmem:$0x15900] =	vst v63  }
0x84: {  	_ =	swait.ge [sflag:s12], $0xA000  }
0x85: {  	s0 =	sld [smem:$0x7EF]  }
0x86: {  	[sflag:s12] =	ssyncset.done $0x0  }
0x87: {  	s1 =	sld [smem:$0x7F0];
	[sflag:s12] =	ssyncadd.s32 $0xFFFF6000  }
0x88: {  	[tilespmem:s6], [sflag:$0x2] =	stream.indirect.gather [hbm4b:s3+s5], $0x40, s0, s5, $0xb8;
	[tilespmem:$0x15900] =	vst v63  }
0x89: {  	s0 =	sld [smem:$0x7F1]  }
0x8a: {  	[tilespmem:s9], [sflag:$0x2] =	stream.indirect.gather [hbm4b:s3+s5], $0x40, s1, s5, $0xb8;
	[tilespmem:$0x15900] =	vst v63  }
0x8b: {  	s1 =	sld [smem:$0x7F2]  }
0x8c: {  	[tilespmem:s11], [sflag:$0x2] =	stream.indirect.gather [hbm4b:s3+s5], $0x40, s0, s5, $0xb8;
	[tilespmem:$0x15900] =	vst v63  }
0x8d: {  	s0 =	sld [smem:$0x7F3]  }
0x8e: {  	[tilespmem:s15], [sflag:$0x2] =	stream.indirect.gather [hbm4b:s3+s5], $0x40, s1, s5, $0xb8;
	[tilespmem:$0x15900] =	vst v63  }
0x8f: {  	_ = 	snop  }
0x90: {  	[tilespmem:s18], [sflag:$0x2] =	stream.indirect.gather [hbm4b:s3+s5], $0x40, s0, s5, $0xb8;
	[tilespmem:$0x15900] =	vst v63  }
0x91: {  	_ =	swait.ge [sflag:s17], $0xA000  }
0x92: {  	[sflag:s17] =	ssyncset.done $0x0  }
0x93: {  	s1 =	rddreg [dreg:$0xa];
	[sflag:s17] =	ssyncadd.s32 $0xFFFF6000  }
0x94: {  	[hbm4b:s1+s2] =	stream.linear.scatter [tilespmem:s4], [sflag:$0x3], $0xA000, $0x38;
	[tilespmem:$0x15900] =	vst v63  }
0x95: {  	_ =	swait.ge [sflag:s16], $0xA000  }
0x96: {  	s0 =	sld [smem:$0x7F4]  }
0x97: {  	[sflag:s16] =	ssyncset.done $0x0  }
0x98: {  	s1 =	sld [smem:$0x7F5];
	[sflag:s16] =	ssyncadd.s32 $0xFFFF6000  }
0x99: {  	[tilespmem:s4], [sflag:$0x1] =	stream.indirect.gather [hbm4b:s3+s5], $0x40, s0, s5, $0xb8;
	[tilespmem:$0x15900] =	vst v63  }
0x9a: {  	s0 =	sld [smem:$0x7F6]  }
0x9b: {  	[tilespmem:s7], [sflag:$0x1] =	stream.indirect.gather [hbm4b:s3+s5], $0x40, s1, s5, $0xb8;
	[tilespmem:$0x15900] =	vst v63  }
0x9c: {  	s1 =	sld [smem:$0x7F7]  }
0x9d: {  	[tilespmem:s8], [sflag:$0x1] =	stream.indirect.gather [hbm4b:s3+s5], $0x40, s0, s5, $0xb8;
	[tilespmem:$0x15900] =	vst v63  }
0x9e: {  	s0 =	sld [smem:$0x7F8]  }
0x9f: {  	[tilespmem:s10], [sflag:$0x1] =	stream.indirect.gather [hbm4b:s3+s5], $0x40, s1, s5, $0xb8;
	[tilespmem:$0x15900] =	vst v63  }
0xa0: {  	_ = 	snop  }
0xa1: {  	[tilespmem:s14], [sflag:$0x1] =	stream.indirect.gather [hbm4b:s3+s5], $0x40, s0, s5, $0xb8;
	[tilespmem:$0x15900] =	vst v63  }
0xa2: {  	_ =	swait.ge [sflag:s13], $0xA000  }
0xa3: {  	[sflag:s13] =	ssyncset.done $0x0  }
0xa4: {  	s1 =	rddreg [dreg:$0xb];
	[sflag:s13] =	ssyncadd.s32 $0xFFFF6000  }
0xa5: {  	[hbm4b:s1+s2] =	stream.linear.scatter [tilespmem:s6], [sflag:$0x4], $0xA000, $0x38;
	[tilespmem:$0x15900] =	vst v63  }
0xa6: {  	_ =	swait.ge [sflag:s12], $0xA000  }
0xa7: {  	s0 =	sld [smem:$0x7F9]  }
0xa8: {  	[sflag:s12] =	ssyncset.done $0x0  }
0xa9: {  	s1 =	sld [smem:$0x7FA];
	[sflag:s12] =	ssyncadd.s32 $0xFFFF6000  }
0xaa: {  	[tilespmem:s6], [sflag:$0x2] =	stream.indirect.gather [hbm4b:s3+s5], $0x40, s0, s5, $0xb8;
	[tilespmem:$0x15900] =	vst v63  }
0xab: {  	s0 =	sld [smem:$0x7FB]  }
0xac: {  	[tilespmem:s9], [sflag:$0x2] =	stream.indirect.gather [hbm4b:s3+s5], $0x40, s1, s5, $0xb8;
	[tilespmem:$0x15900] =	vst v63  }
0xad: {  	s1 =	sld [smem:$0x7FC]  }
0xae: {  	[tilespmem:s11], [sflag:$0x2] =	stream.indirect.gather [hbm4b:s3+s5], $0x40, s0, s5, $0xb8;
	[tilespmem:$0x15900] =	vst v63  }
0xaf: {  	s0 =	sld [smem:$0x7FD]  }
0xb0: {  	[tilespmem:s15], [sflag:$0x2] =	stream.indirect.gather [hbm4b:s3+s5], $0x40, s1, s5, $0xb8;
	[tilespmem:$0x15900] =	vst v63  }
0xb1: {  	_ = 	snop  }
0xb2: {  	[tilespmem:s18], [sflag:$0x2] =	stream.indirect.gather [hbm4b:s3+s5], $0x40, s0, s5, $0xb8;
	[tilespmem:$0x15900] =	vst v63  }
0xb3: {  	_ =	swait.ge [sflag:s17], $0xA000  }
0xb4: {  	[sflag:s17] =	ssyncset.done $0x0  }
0xb5: {  	s1 =	rddreg [dreg:$0xc];
	[sflag:s17] =	ssyncadd.s32 $0xFFFF6000  }
0xb6: {  	[hbm4b:s1+s2] =	stream.linear.scatter [tilespmem:s4], [sflag:$0x3], $0xA000, $0x38;
	[tilespmem:$0x15900] =	vst v63  }
0xb7: {  	_ =	swait.ge [sflag:s16], $0xA000  }
0xb8: {  	[sflag:s16] =	ssyncset.done $0x0  }
0xb9: {  	s1 =	simm.s32 $0x1400;
	[sflag:s16] =	ssyncadd.s32 $0xFFFF6000  }
0xba: {  	[tilespmem:s4], [sflag:$0x1] =	stream.indirect.gather [hbm4b:s3+s5], $0x40, s1, s5, $0xb8;
	[tilespmem:$0x15900] =	vst v63  }
0xbb: {  	_ = 	snop  }
0xbc: {  	[tilespmem:s7], [sflag:$0x1] =	stream.indirect.gather [hbm4b:s3+s5], $0x40, s28, s5, $0xb8;
	[tilespmem:$0x15900] =	vst v63  }
0xbd: {  	_ = 	snop  }
0xbe: {  	[tilespmem:s8], [sflag:$0x1] =	stream.indirect.gather [hbm4b:s3+s5], $0x40, s29, s5, $0xb8;
	[tilespmem:$0x15900] =	vst v63  }
0xbf: {  	_ = 	snop  }
0xc0: {  	[tilespmem:s10], [sflag:$0x1] =	stream.indirect.gather [hbm4b:s3+s5], $0x40, s30, s5, $0xb8;
	[tilespmem:$0x15900] =	vst v63  }
0xc1: {  	_ = 	snop  }
0xc2: {  	[tilespmem:s14], [sflag:$0x1] =	stream.indirect.gather [hbm4b:s3+s5], $0x40, s26, s5, $0xb8;
	[tilespmem:$0x15900] =	vst v63  }
0xc3: {  	_ =	swait.ge [sflag:s13], $0xA000  }
0xc4: {  	[sflag:s13] =	ssyncset.done $0x0  }
0xc5: {  	s1 =	rddreg [dreg:$0xd];
	[sflag:s13] =	ssyncadd.s32 $0xFFFF6000  }
0xc6: {  	[hbm4b:s1+s2] =	stream.linear.scatter [tilespmem:s6], [sflag:$0x4], $0xA000, $0x38;
	[tilespmem:$0x15900] =	vst v63  }
0xc7: {  	_ =	swait.ge [sflag:s12], $0xA000  }
0xc8: {  	[sflag:s12] =	ssyncset.done $0x0  }
0xc9: {  	[sflag:s12] =	ssyncadd.s32 $0xFFFF6000  }
0xca: {  	[tilespmem:s6], [sflag:$0x2] =	stream.indirect.gather [hbm4b:s3+s5], $0x40, s20, s5, $0xb8;
	[tilespmem:$0x15900] =	vst v63  }
0xcb: {  	_ = 	snop  }
0xcc: {  	[tilespmem:s9], [sflag:$0x2] =	stream.indirect.gather [hbm4b:s3+s5], $0x40, s21, s5, $0xb8;
	[tilespmem:$0x15900] =	vst v63  }
0xcd: {  	_ = 	snop  }
0xce: {  	[tilespmem:s11], [sflag:$0x2] =	stream.indirect.gather [hbm4b:s3+s5], $0x40, s22, s5, $0xb8;
	[tilespmem:$0x15900] =	vst v63  }
0xcf: {  	_ = 	snop  }
0xd0: {  	[tilespmem:s15], [sflag:$0x2] =	stream.indirect.gather [hbm4b:s3+s5], $0x40, s23, s5, $0xb8;
	[tilespmem:$0x15900] =	vst v63  }
0xd1: {  	_ = 	snop  }
0xd2: {  	[tilespmem:s18], [sflag:$0x2] =	stream.indirect.gather [hbm4b:s3+s5], $0x40, s25, s5, $0xb8;
	[tilespmem:$0x15900] =	vst v63  }
0xd3: {  	_ =	swait.ge [sflag:s17], $0xA000  }
0xd4: {  	[sflag:s17] =	ssyncset.done $0x0  }
0xd5: {  	s1 =	rddreg [dreg:$0x5];
	[sflag:s17] =	ssyncadd.s32 $0xFFFF6000  }
0xd6: {  	[hbm4b:s1+s2] =	stream.linear.scatter [tilespmem:s4], [sflag:$0x3], $0xA000, $0x38;
	[tilespmem:$0x15900] =	vst v63  }
0xd7: {  	_ =	swait.ge [sflag:s16], $0xA000  }
0xd8: {  	[sflag:s16] =	ssyncset.done $0x0  }
0xd9: {  	[sflag:s16] =	ssyncadd.s32 $0xFFFF6000  }
0xda: {  	p1 =	sne.s32 s19, $0x1;
	_ =	swait.ge [sflag:s13], $0xA000  }
.Ltmp1:
0xdb: {  	[sflag:s13] =	ssyncset.done $0x0;
	(pc) =	sbr.rel @!p1 .LBB2_3-.Ltmp1, $4  }
0xdc: {  	s1 =	rddreg [dreg:$0x6];
	[sflag:s13] =	ssyncadd.s32 $0xFFFF6000  }
0xdd: {  	[hbm4b:s1+s2] =	stream.linear.scatter [tilespmem:s6], [sflag:$0x4], $0xA000, $0x38;
	[tilespmem:$0x15900] =	vst v63  }
0xde: {  	p0 =	por $0x1, $0x1;
	_ =	swait.ge [sflag:s12], $0xA000  }
0xdf: {  	s1 =	sadd.s32 $0xFFFFFFFF, s19;
	s0 =	rddreg [dreg:$0x4];
	[sflag:s12] =	ssyncset.done $0x0  }
.LBB2_4:
0xe0: {  	[sflag:s12] =	ssyncadd.s32 $0xFFFF6000  }
0xe1: {  	[tilespmem:s2], [sflag:$0x5] =	stream.linear.gather [hbm4b:s0+s2], $0x1900, $0x38;
	[tilespmem:$0x15900] =	vst v63  }
0xe2: {  	_ =	swait.ge [sflag:s31], $0x1900  }
0xe3: {  	[sflag:s31] =	ssyncset.done $0x0  }
0xe4: {  	[sflag:s31] =	ssyncadd.s32 $0xFFFFE700  }
0xe5: {  	[tilespmem:s4], [sflag:$0x1] =	stream.indirect.gather [hbm4b:s3+s5], $0x40, s2, s5, $0xb8;
	[tilespmem:$0x15900] =	vst v63  }
0xe6: {  	_ = 	snop  }
0xe7: {  	[tilespmem:s7], [sflag:$0x1] =	stream.indirect.gather [hbm4b:s3+s5], $0x40, s5, s5, $0xb8;
	[tilespmem:$0x15900] =	vst v63  }
0xe8: {  	s0 =	rddreg [dreg:$0xe]  }
0xe9: {  	[tilespmem:s8], [sflag:$0x1] =	stream.indirect.gather [hbm4b:s3+s5], $0x40, s0, s5, $0xb8;
	[tilespmem:$0x15900] =	vst v63  }
0xea: {  	s19 =	rddreg [dreg:$0xf]  }
0xeb: {  	[tilespmem:s10], [sflag:$0x1] =	stream.indirect.gather [hbm4b:s3+s5], $0x40, s19, s5, $0xb8;
	[tilespmem:$0x15900] =	vst v63  }
0xec: {  	s0 =	rddreg [dreg:$0x10]  }
0xed: {  	[tilespmem:s14], [sflag:$0x1] =	stream.indirect.gather [hbm4b:s3+s5], $0x40, s0, s5, $0xb8;
	[tilespmem:$0x15900] =	vst v63  }
0xee: {  	s19 =	rddreg [dreg:$0x11]  }
0xef: {  	[tilespmem:s6], [sflag:$0x2] =	stream.indirect.gather [hbm4b:s3+s5], $0x40, s19, s5, $0xb8;
	[tilespmem:$0x15900] =	vst v63  }
0xf0: {  	s0 =	rddreg [dreg:$0x12]  }
0xf1: {  	[tilespmem:s9], [sflag:$0x2] =	stream.indirect.gather [hbm4b:s3+s5], $0x40, s0, s5, $0xb8;
	[tilespmem:$0x15900] =	vst v63  }
0xf2: {  	s19 =	rddreg [dreg:$0x13]  }
0xf3: {  	[tilespmem:s11], [sflag:$0x2] =	stream.indirect.gather [hbm4b:s3+s5], $0x40, s19, s5, $0xb8;
	[tilespmem:$0x15900] =	vst v63  }
0xf4: {  	s0 =	rddreg [dreg:$0x14]  }
0xf5: {  	[tilespmem:s15], [sflag:$0x2] =	stream.indirect.gather [hbm4b:s3+s5], $0x40, s0, s5, $0xb8;
	[tilespmem:$0x15900] =	vst v63  }
0xf6: {  	s19 =	rddreg [dreg:$0x15]  }
0xf7: {  	[tilespmem:s18], [sflag:$0x2] =	stream.indirect.gather [hbm4b:s3+s5], $0x40, s19, s5, $0xb8;
	[tilespmem:$0x15900] =	vst v63  }
0xf8: {  	_ =	swait.ge [sflag:s17], $0xA000  }
0xf9: {  	[sflag:s17] =	ssyncset.done $0x0  }
0xfa: {  	[sflag:s17] =	ssyncadd.s32 $0xFFFF6000  }
0xfb: {  	[hbm4b:s24+s2] =	stream.linear.scatter [tilespmem:s4], [sflag:$0x3], $0xA000, $0x38;
	[tilespmem:$0x15900] =	vst v63  }
0xfc: {  	_ =	swait.ge [sflag:s16], $0xA000  }
0xfd: {  	[sflag:s16] =	ssyncset.done $0x0  }
0xfe: {  	s0 =	rddreg [dreg:$0x16];
	[sflag:s16] =	ssyncadd.s32 $0xFFFF6000  }
0xff: {  	[tilespmem:s4], [sflag:$0x1] =	stream.indirect.gather [hbm4b:s3+s5], $0x40, s0, s5, $0xb8;
	[tilespmem:$0x15900] =	vst v63  }
0x100: {  	s19 =	rddreg [dreg:$0x17]  }
0x101: {  	[tilespmem:s7], [sflag:$0x1] =	stream.indirect.gather [hbm4b:s3+s5], $0x40, s19, s5, $0xb8;
	[tilespmem:$0x15900] =	vst v63  }
0x102: {  	s0 =	rddreg [dreg:$0x18]  }
0x103: {  	[tilespmem:s8], [sflag:$0x1] =	stream.indirect.gather [hbm4b:s3+s5], $0x40, s0, s5, $0xb8;
	[tilespmem:$0x15900] =	vst v63  }
0x104: {  	s19 =	rddreg [dreg:$0x19]  }
0x105: {  	[tilespmem:s10], [sflag:$0x1] =	stream.indirect.gather [hbm4b:s3+s5], $0x40, s19, s5, $0xb8;
	[tilespmem:$0x15900] =	vst v63  }
0x106: {  	s0 =	rddreg [dreg:$0x1a]  }
0x107: {  	[tilespmem:s14], [sflag:$0x1] =	stream.indirect.gather [hbm4b:s3+s5], $0x40, s0, s5, $0xb8;
	[tilespmem:$0x15900] =	vst v63  }
0x108: {  	_ =	swait.ge [sflag:s13], $0xA000  }
0x109: {  	[sflag:s13] =	ssyncset.done $0x0  }
0x10a: {  	s19 =	rddreg [dreg:$0x7];
	[sflag:s13] =	ssyncadd.s32 $0xFFFF6000  }
0x10b: {  	[hbm4b:s19+s2] =	stream.linear.scatter [tilespmem:s6], [sflag:$0x4], $0xA000, $0x38;
	[tilespmem:$0x15900] =	vst v63  }
0x10c: {  	_ =	swait.ge [sflag:s12], $0xA000  }
0x10d: {  	[sflag:s12] =	ssyncset.done $0x0  }
0x10e: {  	s0 =	rddreg [dreg:$0x1b];
	[sflag:s12] =	ssyncadd.s32 $0xFFFF6000  }
0x10f: {  	[tilespmem:s6], [sflag:$0x2] =	stream.indirect.gather [hbm4b:s3+s5], $0x40, s0, s5, $0xb8;
	[tilespmem:$0x15900] =	vst v63  }
0x110: {  	s19 =	rddreg [dreg:$0x1c]  }
0x111: {  	[tilespmem:s9], [sflag:$0x2] =	stream.indirect.gather [hbm4b:s3+s5], $0x40, s19, s5, $0xb8;
	[tilespmem:$0x15900] =	vst v63  }
0x112: {  	s0 =	rddreg [dreg:$0x1d]  }
0x113: {  	[tilespmem:s11], [sflag:$0x2] =	stream.indirect.gather [hbm4b:s3+s5], $0x40, s0, s5, $0xb8;
	[tilespmem:$0x15900] =	vst v63  }
0x114: {  	s19 =	rddreg [dreg:$0x1e]  }
0x115: {  	[tilespmem:s15], [sflag:$0x2] =	stream.indirect.gather [hbm4b:s3+s5], $0x40, s19, s5, $0xb8;
	[tilespmem:$0x15900] =	vst v63  }
0x116: {  	s0 =	rddreg [dreg:$0x1f]  }
0x117: {  	[tilespmem:s18], [sflag:$0x2] =	stream.indirect.gather [hbm4b:s3+s5], $0x40, s0, s5, $0xb8;
	[tilespmem:$0x15900] =	vst v63  }
0x118: {  	_ =	swait.ge [sflag:s17], $0xA000  }
0x119: {  	[sflag:s17] =	ssyncset.done $0x0  }
0x11a: {  	s19 =	rddreg [dreg:$0x8];
	[sflag:s17] =	ssyncadd.s32 $0xFFFF6000  }
0x11b: {  	[hbm4b:s19+s2] =	stream.linear.scatter [tilespmem:s4], [sflag:$0x3], $0xA000, $0x38;
	[tilespmem:$0x15900] =	vst v63  }
0x11c: {  	_ =	swait.ge [sflag:s16], $0xA000  }
0x11d: {  	s0 =	sld [smem:$0x7EA]  }
0x11e: {  	[sflag:s16] =	ssyncset.done $0x0  }
0x11f: {  	s19 =	sld [smem:$0x7EB];
	[sflag:s16] =	ssyncadd.s32 $0xFFFF6000  }
0x120: {  	[tilespmem:s4], [sflag:$0x1] =	stream.indirect.gather [hbm4b:s3+s5], $0x40, s0, s5, $0xb8;
	[tilespmem:$0x15900] =	vst v63  }
0x121: {  	s0 =	sld [smem:$0x7EC]  }
0x122: {  	[tilespmem:s7], [sflag:$0x1] =	stream.indirect.gather [hbm4b:s3+s5], $0x40, s19, s5, $0xb8;
	[tilespmem:$0x15900] =	vst v63  }
0x123: {  	s19 =	sld [smem:$0x7ED]  }
0x124: {  	[tilespmem:s8], [sflag:$0x1] =	stream.indirect.gather [hbm4b:s3+s5], $0x40, s0, s5, $0xb8;
	[tilespmem:$0x15900] =	vst v63  }
0x125: {  	s0 =	sld [smem:$0x7EE]  }
0x126: {  	[tilespmem:s10], [sflag:$0x1] =	stream.indirect.gather [hbm4b:s3+s5], $0x40, s19, s5, $0xb8;
	[tilespmem:$0x15900] =	vst v63  }
0x127: {  	_ = 	snop  }
0x128: {  	[tilespmem:s14], [sflag:$0x1] =	stream.indirect.gather [hbm4b:s3+s5], $0x40, s0, s5, $0xb8;
	[tilespmem:$0x15900] =	vst v63  }
0x129: {  	_ =	swait.ge [sflag:s13], $0xA000  }
0x12a: {  	[sflag:s13] =	ssyncset.done $0x0  }
0x12b: {  	s19 =	rddreg [dreg:$0x9];
	[sflag:s13] =	ssyncadd.s32 $0xFFFF6000  }
0x12c: {  	[hbm4b:s19+s2] =	stream.linear.scatter [tilespmem:s6], [sflag:$0x4], $0xA000, $0x38;
	[tilespmem:$0x15900] =	vst v63  }
0x12d: {  	_ =	swait.ge [sflag:s12], $0xA000  }
0x12e: {  	s0 =	sld [smem:$0x7EF]  }
0x12f: {  	[sflag:s12] =	ssyncset.done $0x0  }
0x130: {  	s19 =	sld [smem:$0x7F0];
	[sflag:s12] =	ssyncadd.s32 $0xFFFF6000  }
0x131: {  	[tilespmem:s6], [sflag:$0x2] =	stream.indirect.gather [hbm4b:s3+s5], $0x40, s0, s5, $0xb8;
	[tilespmem:$0x15900] =	vst v63  }
0x132: {  	s0 =	sld [smem:$0x7F1]  }
0x133: {  	[tilespmem:s9], [sflag:$0x2] =	stream.indirect.gather [hbm4b:s3+s5], $0x40, s19, s5, $0xb8;
	[tilespmem:$0x15900] =	vst v63  }
0x134: {  	s19 =	sld [smem:$0x7F2]  }
0x135: {  	[tilespmem:s11], [sflag:$0x2] =	stream.indirect.gather [hbm4b:s3+s5], $0x40, s0, s5, $0xb8;
	[tilespmem:$0x15900] =	vst v63  }
0x136: {  	s0 =	sld [smem:$0x7F3]  }
0x137: {  	[tilespmem:s15], [sflag:$0x2] =	stream.indirect.gather [hbm4b:s3+s5], $0x40, s19, s5, $0xb8;
	[tilespmem:$0x15900] =	vst v63  }
0x138: {  	_ = 	snop  }
0x139: {  	[tilespmem:s18], [sflag:$0x2] =	stream.indirect.gather [hbm4b:s3+s5], $0x40, s0, s5, $0xb8;
	[tilespmem:$0x15900] =	vst v63  }
0x13a: {  	_ =	swait.ge [sflag:s17], $0xA000  }
0x13b: {  	[sflag:s17] =	ssyncset.done $0x0  }
0x13c: {  	s19 =	rddreg [dreg:$0xa];
	[sflag:s17] =	ssyncadd.s32 $0xFFFF6000  }
0x13d: {  	[hbm4b:s19+s2] =	stream.linear.scatter [tilespmem:s4], [sflag:$0x3], $0xA000, $0x38;
	[tilespmem:$0x15900] =	vst v63  }
0x13e: {  	_ =	swait.ge [sflag:s16], $0xA000  }
0x13f: {  	s0 =	sld [smem:$0x7F4]  }
0x140: {  	[sflag:s16] =	ssyncset.done $0x0  }
0x141: {  	s19 =	sld [smem:$0x7F5];
	[sflag:s16] =	ssyncadd.s32 $0xFFFF6000  }
0x142: {  	[tilespmem:s4], [sflag:$0x1] =	stream.indirect.gather [hbm4b:s3+s5], $0x40, s0, s5, $0xb8;
	[tilespmem:$0x15900] =	vst v63  }
0x143: {  	s0 =	sld [smem:$0x7F6]  }
0x144: {  	[tilespmem:s7], [sflag:$0x1] =	stream.indirect.gather [hbm4b:s3+s5], $0x40, s19, s5, $0xb8;
	[tilespmem:$0x15900] =	vst v63  }
0x145: {  	s19 =	sld [smem:$0x7F7]  }
0x146: {  	[tilespmem:s8], [sflag:$0x1] =	stream.indirect.gather [hbm4b:s3+s5], $0x40, s0, s5, $0xb8;
	[tilespmem:$0x15900] =	vst v63  }
0x147: {  	s0 =	sld [smem:$0x7F8]  }
0x148: {  	[tilespmem:s10], [sflag:$0x1] =	stream.indirect.gather [hbm4b:s3+s5], $0x40, s19, s5, $0xb8;
	[tilespmem:$0x15900] =	vst v63  }
0x149: {  	_ = 	snop  }
0x14a: {  	[tilespmem:s14], [sflag:$0x1] =	stream.indirect.gather [hbm4b:s3+s5], $0x40, s0, s5, $0xb8;
	[tilespmem:$0x15900] =	vst v63  }
0x14b: {  	_ =	swait.ge [sflag:s13], $0xA000  }
0x14c: {  	[sflag:s13] =	ssyncset.done $0x0  }
0x14d: {  	s19 =	rddreg [dreg:$0xb];
	[sflag:s13] =	ssyncadd.s32 $0xFFFF6000  }
0x14e: {  	[hbm4b:s19+s2] =	stream.linear.scatter [tilespmem:s6], [sflag:$0x4], $0xA000, $0x38;
	[tilespmem:$0x15900] =	vst v63  }
0x14f: {  	_ =	swait.ge [sflag:s12], $0xA000  }
0x150: {  	s0 =	sld [smem:$0x7F9]  }
0x151: {  	[sflag:s12] =	ssyncset.done $0x0  }
0x152: {  	s19 =	sld [smem:$0x7FA];
	[sflag:s12] =	ssyncadd.s32 $0xFFFF6000  }
0x153: {  	[tilespmem:s6], [sflag:$0x2] =	stream.indirect.gather [hbm4b:s3+s5], $0x40, s0, s5, $0xb8;
	[tilespmem:$0x15900] =	vst v63  }
0x154: {  	s0 =	sld [smem:$0x7FB]  }
0x155: {  	[tilespmem:s9], [sflag:$0x2] =	stream.indirect.gather [hbm4b:s3+s5], $0x40, s19, s5, $0xb8;
	[tilespmem:$0x15900] =	vst v63  }
0x156: {  	s19 =	sld [smem:$0x7FC]  }
0x157: {  	[tilespmem:s11], [sflag:$0x2] =	stream.indirect.gather [hbm4b:s3+s5], $0x40, s0, s5, $0xb8;
	[tilespmem:$0x15900] =	vst v63  }
0x158: {  	s0 =	sld [smem:$0x7FD]  }
0x159: {  	[tilespmem:s15], [sflag:$0x2] =	stream.indirect.gather [hbm4b:s3+s5], $0x40, s19, s5, $0xb8;
	[tilespmem:$0x15900] =	vst v63  }
0x15a: {  	_ = 	snop  }
0x15b: {  	[tilespmem:s18], [sflag:$0x2] =	stream.indirect.gather [hbm4b:s3+s5], $0x40, s0, s5, $0xb8;
	[tilespmem:$0x15900] =	vst v63  }
0x15c: {  	_ =	swait.ge [sflag:s17], $0xA000  }
0x15d: {  	[sflag:s17] =	ssyncset.done $0x0  }
0x15e: {  	s19 =	rddreg [dreg:$0xc];
	[sflag:s17] =	ssyncadd.s32 $0xFFFF6000  }
0x15f: {  	[hbm4b:s19+s2] =	stream.linear.scatter [tilespmem:s4], [sflag:$0x3], $0xA000, $0x38;
	[tilespmem:$0x15900] =	vst v63  }
0x160: {  	_ =	swait.ge [sflag:s16], $0xA000  }
0x161: {  	[sflag:s16] =	ssyncset.done $0x0  }
0x162: {  	s19 =	simm.s32 $0x1400;
	[sflag:s16] =	ssyncadd.s32 $0xFFFF6000  }
0x163: {  	[tilespmem:s4], [sflag:$0x1] =	stream.indirect.gather [hbm4b:s3+s5], $0x40, s19, s5, $0xb8;
	[tilespmem:$0x15900] =	vst v63  }
0x164: {  	_ = 	snop  }
0x165: {  	[tilespmem:s7], [sflag:$0x1] =	stream.indirect.gather [hbm4b:s3+s5], $0x40, s28, s5, $0xb8;
	[tilespmem:$0x15900] =	vst v63  }
0x166: {  	_ = 	snop  }
0x167: {  	[tilespmem:s8], [sflag:$0x1] =	stream.indirect.gather [hbm4b:s3+s5], $0x40, s29, s5, $0xb8;
	[tilespmem:$0x15900] =	vst v63  }
0x168: {  	_ = 	snop  }
0x169: {  	[tilespmem:s10], [sflag:$0x1] =	stream.indirect.gather [hbm4b:s3+s5], $0x40, s30, s5, $0xb8;
	[tilespmem:$0x15900] =	vst v63  }
0x16a: {  	_ = 	snop  }
0x16b: {  	[tilespmem:s14], [sflag:$0x1] =	stream.indirect.gather [hbm4b:s3+s5], $0x40, s26, s5, $0xb8;
	[tilespmem:$0x15900] =	vst v63  }
0x16c: {  	_ =	swait.ge [sflag:s13], $0xA000  }
0x16d: {  	[sflag:s13] =	ssyncset.done $0x0  }
0x16e: {  	s19 =	rddreg [dreg:$0xd];
	[sflag:s13] =	ssyncadd.s32 $0xFFFF6000  }
0x16f: {  	[hbm4b:s19+s2] =	stream.linear.scatter [tilespmem:s6], [sflag:$0x4], $0xA000, $0x38;
	[tilespmem:$0x15900] =	vst v63  }
0x170: {  	_ =	swait.ge [sflag:s12], $0xA000  }
0x171: {  	[sflag:s12] =	ssyncset.done $0x0  }
0x172: {  	[sflag:s12] =	ssyncadd.s32 $0xFFFF6000  }
0x173: {  	[tilespmem:s6], [sflag:$0x2] =	stream.indirect.gather [hbm4b:s3+s5], $0x40, s20, s5, $0xb8;
	[tilespmem:$0x15900] =	vst v63  }
0x174: {  	_ = 	snop  }
0x175: {  	[tilespmem:s9], [sflag:$0x2] =	stream.indirect.gather [hbm4b:s3+s5], $0x40, s21, s5, $0xb8;
	[tilespmem:$0x15900] =	vst v63  }
0x176: {  	_ = 	snop  }
0x177: {  	[tilespmem:s11], [sflag:$0x2] =	stream.indirect.gather [hbm4b:s3+s5], $0x40, s22, s5, $0xb8;
	[tilespmem:$0x15900] =	vst v63  }
0x178: {  	_ = 	snop  }
0x179: {  	[tilespmem:s15], [sflag:$0x2] =	stream.indirect.gather [hbm4b:s3+s5], $0x40, s23, s5, $0xb8;
	[tilespmem:$0x15900] =	vst v63  }
0x17a: {  	_ = 	snop  }
0x17b: {  	[tilespmem:s18], [sflag:$0x2] =	stream.indirect.gather [hbm4b:s3+s5], $0x40, s25, s5, $0xb8;
	[tilespmem:$0x15900] =	vst v63  }
0x17c: {  	_ =	swait.ge [sflag:s17], $0xA000  }
0x17d: {  	[sflag:s17] =	ssyncset.done $0x0  }
0x17e: {  	s19 =	rddreg [dreg:$0x5];
	[sflag:s17] =	ssyncadd.s32 $0xFFFF6000  }
0x17f: {  	[hbm4b:s19+s2] =	stream.linear.scatter [tilespmem:s4], [sflag:$0x3], $0xA000, $0x38;
	[tilespmem:$0x15900] =	vst v63  }
0x180: {  	_ =	swait.ge [sflag:s16], $0xA000  }
0x181: {  	[sflag:s16] =	ssyncset.done $0x0  }
0x182: {  	[sflag:s16] =	ssyncadd.s32 $0xFFFF6000  }
0x183: {  	p1 =	sne.s32 s1, $0x1;
	_ =	swait.ge [sflag:s13], $0xA000  }
.Ltmp2:
0x184: {  	[sflag:s13] =	ssyncset.done $0x0;
	(pc) =	sbr.rel @p1 .LBB2_4-.Ltmp2, $4  }
0x185: {  	s19 =	rddreg [dreg:$0x6];
	[sflag:s13] =	ssyncadd.s32 $0xFFFF6000  }
0x186: {  	[hbm4b:s19+s2] =	stream.linear.scatter [tilespmem:s6], [sflag:$0x4], $0xA000, $0x38;
	[tilespmem:$0x15900] =	vst v63  }
0x187: {  	_ =	swait.ge [sflag:s12], $0xA000  }
0x188: {  	s1 =	sadd.s32 $0xFFFFFFFF, s1;
	s0 =	rddreg [dreg:$0x4];
	[sflag:s12] =	ssyncset.done $0x0  }
0x189: {  	s25 =	simm.s32 $0x1600  }
0x18a: {  	s30 =	simm.s32 $0x1580;
	s29 =	simm.s32 $0x1500;
	s28 =	simm.s32 $0x1480  }
0x18b: {  	s26 =	simm.s32 $0x1400;
	s23 =	simm.s32 $0x1800;
	s22 =	simm.s32 $0x1780  }
0x18c: {  	s21 =	simm.s32 $0x1700;
	s20 =	simm.s32 $0x1680;
	s19 =	stileid.u32  }
.LBB2_6:
0x18d: {  	[sflag:s12] =	ssyncadd.s32 @p0 $0xFFFF6000  }
0x18e: {  	[tilespmem:s2], [sflag:$0x5] =	stream.linear.gather [hbm4b:s0+s2], $0x1900, $0x38;
	[tilespmem:$0x15900] =	vst v63  }
0x18f: {  	_ =	swait.ge [sflag:s31], $0x1900  }
0x190: {  	[sflag:s31] =	ssyncset.done $0x0  }
0x191: {  	[sflag:s31] =	ssyncadd.s32 $0xFFFFE700  }
0x192: {  	[tilespmem:s4], [sflag:$0x1] =	stream.indirect.gather [hbm4b:s3+s5], $0x40, s2, s5, $0xb8;
	[tilespmem:$0x15900] =	vst v63  }
0x193: {  	_ = 	snop  }
0x194: {  	[tilespmem:s7], [sflag:$0x1] =	stream.indirect.gather [hbm4b:s3+s5], $0x40, s5, s5, $0xb8;
	[tilespmem:$0x15900] =	vst v63  }
0x195: {  	s31 =	rddreg [dreg:$0xe]  }
0x196: {  	[tilespmem:s8], [sflag:$0x1] =	stream.indirect.gather [hbm4b:s3+s5], $0x40, s31, s5, $0xb8;
	[tilespmem:$0x15900] =	vst v63  }
0x197: {  	s1 =	rddreg [dreg:$0xf]  }
0x198: {  	[tilespmem:s10], [sflag:$0x1] =	stream.indirect.gather [hbm4b:s3+s5], $0x40, s1, s5, $0xb8;
	[tilespmem:$0x15900] =	vst v63  }
0x199: {  	s0 =	rddreg [dreg:$0x10]  }
0x19a: {  	[tilespmem:s14], [sflag:$0x1] =	stream.indirect.gather [hbm4b:s3+s5], $0x40, s0, s5, $0xb8;
	[tilespmem:$0x15900] =	vst v63  }
0x19b: {  	s31 =	rddreg [dreg:$0x11]  }
0x19c: {  	[tilespmem:s6], [sflag:$0x2] =	stream.indirect.gather [hbm4b:s3+s5], $0x40, s31, s5, $0xb8;
	[tilespmem:$0x15900] =	vst v63  }
0x19d: {  	s0 =	rddreg [dreg:$0x12]  }
0x19e: {  	[tilespmem:s9], [sflag:$0x2] =	stream.indirect.gather [hbm4b:s3+s5], $0x40, s0, s5, $0xb8;
	[tilespmem:$0x15900] =	vst v63  }
0x19f: {  	s31 =	rddreg [dreg:$0x13]  }
0x1a0: {  	[tilespmem:s11], [sflag:$0x2] =	stream.indirect.gather [hbm4b:s3+s5], $0x40, s31, s5, $0xb8;
	[tilespmem:$0x15900] =	vst v63  }
0x1a1: {  	s0 =	rddreg [dreg:$0x14]  }
0x1a2: {  	[tilespmem:s15], [sflag:$0x2] =	stream.indirect.gather [hbm4b:s3+s5], $0x40, s0, s5, $0xb8;
	[tilespmem:$0x15900] =	vst v63  }
0x1a3: {  	s31 =	rddreg [dreg:$0x15]  }
0x1a4: {  	[tilespmem:s18], [sflag:$0x2] =	stream.indirect.gather [hbm4b:s3+s5], $0x40, s31, s5, $0xb8;
	[tilespmem:$0x15900] =	vst v63  }
0x1a5: {  	_ =	swait.ge [sflag:s17], $0xA000  }
0x1a6: {  	[sflag:s17] =	ssyncset.done $0x0  }
0x1a7: {  	[sflag:s17] =	ssyncadd.s32 $0xFFFF6000  }
0x1a8: {  	[hbm4b:s24+s2] =	stream.linear.scatter [tilespmem:s4], [sflag:$0x3], $0xA000, $0x38;
	[tilespmem:$0x15900] =	vst v63  }
0x1a9: {  	_ =	swait.ge [sflag:s16], $0xA000  }
0x1aa: {  	[sflag:s16] =	ssyncset.done $0x0  }
0x1ab: {  	s24 =	rddreg [dreg:$0x16];
	[sflag:s16] =	ssyncadd.s32 $0xFFFF6000  }
0x1ac: {  	[tilespmem:s4], [sflag:$0x1] =	stream.indirect.gather [hbm4b:s3+s5], $0x40, s24, s5, $0xb8;
	[tilespmem:$0x15900] =	vst v63  }
0x1ad: {  	s31 =	rddreg [dreg:$0x17]  }
0x1ae: {  	[tilespmem:s7], [sflag:$0x1] =	stream.indirect.gather [hbm4b:s3+s5], $0x40, s31, s5, $0xb8;
	[tilespmem:$0x15900] =	vst v63  }
0x1af: {  	s24 =	rddreg [dreg:$0x18]  }
0x1b0: {  	[tilespmem:s8], [sflag:$0x1] =	stream.indirect.gather [hbm4b:s3+s5], $0x40, s24, s5, $0xb8;
	[tilespmem:$0x15900] =	vst v63  }
0x1b1: {  	s31 =	rddreg [dreg:$0x19]  }
0x1b2: {  	[tilespmem:s10], [sflag:$0x1] =	stream.indirect.gather [hbm4b:s3+s5], $0x40, s31, s5, $0xb8;
	[tilespmem:$0x15900] =	vst v63  }
0x1b3: {  	s24 =	rddreg [dreg:$0x1a]  }
0x1b4: {  	[tilespmem:s14], [sflag:$0x1] =	stream.indirect.gather [hbm4b:s3+s5], $0x40, s24, s5, $0xb8;
	[tilespmem:$0x15900] =	vst v63  }
0x1b5: {  	_ =	swait.ge [sflag:s13], $0xA000  }
0x1b6: {  	[sflag:s13] =	ssyncset.done $0x0  }
0x1b7: {  	s31 =	rddreg [dreg:$0x7];
	[sflag:s13] =	ssyncadd.s32 $0xFFFF6000  }
0x1b8: {  	[hbm4b:s31+s2] =	stream.linear.scatter [tilespmem:s6], [sflag:$0x4], $0xA000, $0x38;
	[tilespmem:$0x15900] =	vst v63  }
0x1b9: {  	_ =	swait.ge [sflag:s12], $0xA000  }
0x1ba: {  	[sflag:s12] =	ssyncset.done $0x0  }
0x1bb: {  	s1 =	rddreg [dreg:$0x1b];
	[sflag:s12] =	ssyncadd.s32 $0xFFFF6000  }
0x1bc: {  	[tilespmem:s6], [sflag:$0x2] =	stream.indirect.gather [hbm4b:s3+s5], $0x40, s1, s5, $0xb8;
	[tilespmem:$0x15900] =	vst v63  }
0x1bd: {  	s24 =	rddreg [dreg:$0x1c]  }
0x1be: {  	[tilespmem:s9], [sflag:$0x2] =	stream.indirect.gather [hbm4b:s3+s5], $0x40, s24, s5, $0xb8;
	[tilespmem:$0x15900] =	vst v63  }
0x1bf: {  	s31 =	rddreg [dreg:$0x1d]  }
0x1c0: {  	[tilespmem:s11], [sflag:$0x2] =	stream.indirect.gather [hbm4b:s3+s5], $0x40, s31, s5, $0xb8;
	[tilespmem:$0x15900] =	vst v63  }
0x1c1: {  	s24 =	rddreg [dreg:$0x1e]  }
0x1c2: {  	[tilespmem:s15], [sflag:$0x2] =	stream.indirect.gather [hbm4b:s3+s5], $0x40, s24, s5, $0xb8;
	[tilespmem:$0x15900] =	vst v63  }
0x1c3: {  	s31 =	rddreg [dreg:$0x1f]  }
0x1c4: {  	[tilespmem:s18], [sflag:$0x2] =	stream.indirect.gather [hbm4b:s3+s5], $0x40, s31, s5, $0xb8;
	[tilespmem:$0x15900] =	vst v63  }
0x1c5: {  	_ =	swait.ge [sflag:s17], $0xA000  }
0x1c6: {  	[sflag:s17] =	ssyncset.done $0x0  }
0x1c7: {  	s1 =	rddreg [dreg:$0x8];
	[sflag:s17] =	ssyncadd.s32 $0xFFFF6000  }
0x1c8: {  	[hbm4b:s1+s2] =	stream.linear.scatter [tilespmem:s4], [sflag:$0x3], $0xA000, $0x38;
	[tilespmem:$0x15900] =	vst v63  }
0x1c9: {  	_ =	swait.ge [sflag:s16], $0xA000  }
0x1ca: {  	s24 =	sld [smem:$0x7EA]  }
0x1cb: {  	[sflag:s16] =	ssyncset.done $0x0  }
0x1cc: {  	s31 =	sld [smem:$0x7EB];
	[sflag:s16] =	ssyncadd.s32 $0xFFFF6000  }
0x1cd: {  	[tilespmem:s4], [sflag:$0x1] =	stream.indirect.gather [hbm4b:s3+s5], $0x40, s24, s5, $0xb8;
	[tilespmem:$0x15900] =	vst v63  }
0x1ce: {  	s24 =	sld [smem:$0x7EC]  }
0x1cf: {  	[tilespmem:s7], [sflag:$0x1] =	stream.indirect.gather [hbm4b:s3+s5], $0x40, s31, s5, $0xb8;
	[tilespmem:$0x15900] =	vst v63  }
0x1d0: {  	s31 =	sld [smem:$0x7ED]  }
0x1d1: {  	[tilespmem:s8], [sflag:$0x1] =	stream.indirect.gather [hbm4b:s3+s5], $0x40, s24, s5, $0xb8;
	[tilespmem:$0x15900] =	vst v63  }
0x1d2: {  	s24 =	sld [smem:$0x7EE]  }
0x1d3: {  	[tilespmem:s10], [sflag:$0x1] =	stream.indirect.gather [hbm4b:s3+s5], $0x40, s31, s5, $0xb8;
	[tilespmem:$0x15900] =	vst v63  }
0x1d4: {  	_ = 	snop  }
0x1d5: {  	[tilespmem:s14], [sflag:$0x1] =	stream.indirect.gather [hbm4b:s3+s5], $0x40, s24, s5, $0xb8;
	[tilespmem:$0x15900] =	vst v63  }
0x1d6: {  	_ =	swait.ge [sflag:s13], $0xA000  }
0x1d7: {  	[sflag:s13] =	ssyncset.done $0x0  }
0x1d8: {  	s31 =	rddreg [dreg:$0x9];
	[sflag:s13] =	ssyncadd.s32 $0xFFFF6000  }
0x1d9: {  	[hbm4b:s31+s2] =	stream.linear.scatter [tilespmem:s6], [sflag:$0x4], $0xA000, $0x38;
	[tilespmem:$0x15900] =	vst v63  }
0x1da: {  	_ =	swait.ge [sflag:s12], $0xA000  }
0x1db: {  	s1 =	sld [smem:$0x7EF]  }
0x1dc: {  	[sflag:s12] =	ssyncset.done $0x0  }
0x1dd: {  	s24 =	sld [smem:$0x7F0];
	[sflag:s12] =	ssyncadd.s32 $0xFFFF6000  }
0x1de: {  	[tilespmem:s6], [sflag:$0x2] =	stream.indirect.gather [hbm4b:s3+s5], $0x40, s1, s5, $0xb8;
	[tilespmem:$0x15900] =	vst v63  }
0x1df: {  	s31 =	sld [smem:$0x7F1]  }
0x1e0: {  	[tilespmem:s9], [sflag:$0x2] =	stream.indirect.gather [hbm4b:s3+s5], $0x40, s24, s5, $0xb8;
	[tilespmem:$0x15900] =	vst v63  }
0x1e1: {  	s24 =	sld [smem:$0x7F2]  }
0x1e2: {  	[tilespmem:s11], [sflag:$0x2] =	stream.indirect.gather [hbm4b:s3+s5], $0x40, s31, s5, $0xb8;
	[tilespmem:$0x15900] =	vst v63  }
0x1e3: {  	s31 =	sld [smem:$0x7F3]  }
0x1e4: {  	[tilespmem:s15], [sflag:$0x2] =	stream.indirect.gather [hbm4b:s3+s5], $0x40, s24, s5, $0xb8;
	[tilespmem:$0x15900] =	vst v63  }
0x1e5: {  	_ = 	snop  }
0x1e6: {  	[tilespmem:s18], [sflag:$0x2] =	stream.indirect.gather [hbm4b:s3+s5], $0x40, s31, s5, $0xb8;
	[tilespmem:$0x15900] =	vst v63  }
0x1e7: {  	_ =	swait.ge [sflag:s17], $0xA000  }
0x1e8: {  	[sflag:s17] =	ssyncset.done $0x0  }
0x1e9: {  	s1 =	rddreg [dreg:$0xa];
	[sflag:s17] =	ssyncadd.s32 $0xFFFF6000  }
0x1ea: {  	[hbm4b:s1+s2] =	stream.linear.scatter [tilespmem:s4], [sflag:$0x3], $0xA000, $0x38;
	[tilespmem:$0x15900] =	vst v63  }
0x1eb: {  	_ =	swait.ge [sflag:s16], $0xA000  }
0x1ec: {  	s24 =	sld [smem:$0x7F4]  }
0x1ed: {  	[sflag:s16] =	ssyncset.done $0x0  }
0x1ee: {  	s31 =	sld [smem:$0x7F5];
	[sflag:s16] =	ssyncadd.s32 $0xFFFF6000  }
0x1ef: {  	[tilespmem:s4], [sflag:$0x1] =	stream.indirect.gather [hbm4b:s3+s5], $0x40, s24, s5, $0xb8;
	[tilespmem:$0x15900] =	vst v63  }
0x1f0: {  	s24 =	sld [smem:$0x7F6]  }
0x1f1: {  	[tilespmem:s7], [sflag:$0x1] =	stream.indirect.gather [hbm4b:s3+s5], $0x40, s31, s5, $0xb8;
	[tilespmem:$0x15900] =	vst v63  }
0x1f2: {  	s31 =	sld [smem:$0x7F7]  }
0x1f3: {  	[tilespmem:s8], [sflag:$0x1] =	stream.indirect.gather [hbm4b:s3+s5], $0x40, s24, s5, $0xb8;
	[tilespmem:$0x15900] =	vst v63  }
0x1f4: {  	s24 =	sld [smem:$0x7F8]  }
0x1f5: {  	[tilespmem:s10], [sflag:$0x1] =	stream.indirect.gather [hbm4b:s3+s5], $0x40, s31, s5, $0xb8;
	[tilespmem:$0x15900] =	vst v63  }
0x1f6: {  	_ = 	snop  }
0x1f7: {  	[tilespmem:s14], [sflag:$0x1] =	stream.indirect.gather [hbm4b:s3+s5], $0x40, s24, s5, $0xb8;
	[tilespmem:$0x15900] =	vst v63  }
0x1f8: {  	_ =	swait.ge [sflag:s13], $0xA000  }
0x1f9: {  	[sflag:s13] =	ssyncset.done $0x0  }
0x1fa: {  	s31 =	rddreg [dreg:$0xb];
	[sflag:s13] =	ssyncadd.s32 $0xFFFF6000  }
0x1fb: {  	[hbm4b:s31+s2] =	stream.linear.scatter [tilespmem:s6], [sflag:$0x4], $0xA000, $0x38;
	[tilespmem:$0x15900] =	vst v63  }
0x1fc: {  	_ =	swait.ge [sflag:s12], $0xA000  }
0x1fd: {  	s1 =	sld [smem:$0x7F9]  }
0x1fe: {  	[sflag:s12] =	ssyncset.done $0x0  }
0x1ff: {  	s24 =	sld [smem:$0x7FA];
	[sflag:s12] =	ssyncadd.s32 $0xFFFF6000  }
0x200: {  	[tilespmem:s6], [sflag:$0x2] =	stream.indirect.gather [hbm4b:s3+s5], $0x40, s1, s5, $0xb8;
	[tilespmem:$0x15900] =	vst v63  }
0x201: {  	s31 =	sld [smem:$0x7FB]  }
0x202: {  	[tilespmem:s9], [sflag:$0x2] =	stream.indirect.gather [hbm4b:s3+s5], $0x40, s24, s5, $0xb8;
	[tilespmem:$0x15900] =	vst v63  }
0x203: {  	s24 =	sld [smem:$0x7FC]  }
0x204: {  	[tilespmem:s11], [sflag:$0x2] =	stream.indirect.gather [hbm4b:s3+s5], $0x40, s31, s5, $0xb8;
	[tilespmem:$0x15900] =	vst v63  }
0x205: {  	s31 =	sld [smem:$0x7FD]  }
0x206: {  	[tilespmem:s15], [sflag:$0x2] =	stream.indirect.gather [hbm4b:s3+s5], $0x40, s24, s5, $0xb8;
	[tilespmem:$0x15900] =	vst v63  }
0x207: {  	_ = 	snop  }
0x208: {  	[tilespmem:s18], [sflag:$0x2] =	stream.indirect.gather [hbm4b:s3+s5], $0x40, s31, s5, $0xb8;
	[tilespmem:$0x15900] =	vst v63  }
0x209: {  	_ =	swait.ge [sflag:s17], $0xA000  }
0x20a: {  	[sflag:s17] =	ssyncset.done $0x0  }
0x20b: {  	s24 =	rddreg [dreg:$0xc];
	[sflag:s17] =	ssyncadd.s32 $0xFFFF6000  }
0x20c: {  	[hbm4b:s24+s2] =	stream.linear.scatter [tilespmem:s4], [sflag:$0x3], $0xA000, $0x38;
	[tilespmem:$0x15900] =	vst v63  }
0x20d: {  	_ =	swait.ge [sflag:s16], $0xA000  }
0x20e: {  	[sflag:s16] =	ssyncset.done $0x0  }
0x20f: {  	[sflag:s16] =	ssyncadd.s32 $0xFFFF6000  }
0x210: {  	[tilespmem:s4], [sflag:$0x1] =	stream.indirect.gather [hbm4b:s3+s5], $0x40, s26, s5, $0xb8;
	[tilespmem:$0x15900] =	vst v63  }
0x211: {  	_ = 	snop  }
0x212: {  	[tilespmem:s7], [sflag:$0x1] =	stream.indirect.gather [hbm4b:s3+s5], $0x40, s28, s5, $0xb8;
	[tilespmem:$0x15900] =	vst v63  }
0x213: {  	_ = 	snop  }
0x214: {  	[tilespmem:s8], [sflag:$0x1] =	stream.indirect.gather [hbm4b:s3+s5], $0x40, s29, s5, $0xb8;
	[tilespmem:$0x15900] =	vst v63  }
0x215: {  	_ = 	snop  }
0x216: {  	[tilespmem:s10], [sflag:$0x1] =	stream.indirect.gather [hbm4b:s3+s5], $0x40, s30, s5, $0xb8;
	[tilespmem:$0x15900] =	vst v63  }
0x217: {  	_ = 	snop  }
0x218: {  	[tilespmem:s14], [sflag:$0x1] =	stream.indirect.gather [hbm4b:s3+s5], $0x40, s25, s5, $0xb8;
	[tilespmem:$0x15900] =	vst v63  }
0x219: {  	_ =	swait.ge [sflag:s13], $0xA000  }
0x21a: {  	[sflag:s13] =	ssyncset.done $0x0  }
0x21b: {  	s28 =	rddreg [dreg:$0xd];
	[sflag:s13] =	ssyncadd.s32 $0xFFFF6000  }
0x21c: {  	[hbm4b:s28+s2] =	stream.linear.scatter [tilespmem:s6], [sflag:$0x4], $0xA000, $0x38;
	[tilespmem:$0x15900] =	vst v63  }
0x21d: {  	_ =	swait.ge [sflag:s12], $0xA000  }
0x21e: {  	[sflag:s12] =	ssyncset.done $0x0  }
0x21f: {  	[sflag:s12] =	ssyncadd.s32 $0xFFFF6000  }
0x220: {  	[tilespmem:s6], [sflag:$0x2] =	stream.indirect.gather [hbm4b:s3+s5], $0x40, s20, s5, $0xb8;
	[tilespmem:$0x15900] =	vst v63  }
0x221: {  	_ = 	snop  }
0x222: {  	[tilespmem:s9], [sflag:$0x2] =	stream.indirect.gather [hbm4b:s3+s5], $0x40, s21, s5, $0xb8;
	[tilespmem:$0x15900] =	vst v63  }
0x223: {  	_ = 	snop  }
0x224: {  	[tilespmem:s11], [sflag:$0x2] =	stream.indirect.gather [hbm4b:s3+s5], $0x40, s22, s5, $0xb8;
	[tilespmem:$0x15900] =	vst v63  }
0x225: {  	_ = 	snop  }
0x226: {  	[tilespmem:s15], [sflag:$0x2] =	stream.indirect.gather [hbm4b:s3+s5], $0x40, s23, s5, $0xb8;
	[tilespmem:$0x15900] =	vst v63  }
0x227: {  	s29 =	simm.s32 $0x1880  }
0x228: {  	[tilespmem:s18], [sflag:$0x2] =	stream.indirect.gather [hbm4b:s3+s5], $0x40, s29, s5, $0xb8;
	[tilespmem:$0x15900] =	vst v63  }
0x229: {  	_ =	swait.ge [sflag:s17], $0xA000  }
0x22a: {  	[sflag:s17] =	ssyncset.done $0x0  }
0x22b: {  	s30 =	rddreg [dreg:$0x5];
	[sflag:s17] =	ssyncadd.s32 $0xFFFF6000  }
0x22c: {  	[hbm4b:s30+s2] =	stream.linear.scatter [tilespmem:s4], [sflag:$0x3], $0xA000, $0x38;
	[tilespmem:$0x15900] =	vst v63  }
0x22d: {  	_ =	swait.ge [sflag:s16], $0xA000  }
0x22e: {  	[sflag:s16] =	ssyncset.done $0x0  }
0x22f: {  	[sflag:s16] =	ssyncadd.s32 $0xFFFF6000  }
0x230: {  	_ =	swait.ge [sflag:s13], $0xA000  }
0x231: {  	[sflag:s13] =	ssyncset.done $0x0  }
0x232: {  	s31 =	rddreg [dreg:$0x6];
	[sflag:s13] =	ssyncadd.s32 $0xFFFF6000  }
0x233: {  	[hbm4b:s31+s2] =	stream.linear.scatter [tilespmem:s6], [sflag:$0x4], $0xA000, $0x38;
	[tilespmem:$0x15900] =	vst v63  }
0x234: {  	_ =	swait.ge [sflag:s12], $0xA000  }
0x235: {  	[sflag:s12] =	ssyncset.done $0x0  }
0x236: {  	[sflag:s12] =	ssyncadd.s32 $0xFFFF6000  }
0x237: {  	_ =	sfence.sel $0x180000  }
0x238: {  	[bflag:$0x0] =	sbarrier.arrive $0xFFFF  }
0x239: {  	_ =	strace $0x90000047  }
0x23a: {  	[bflag:$0x2] =	sbarrier.arrive $0xFFFF  }
0x23b: {  	p0 =	sne.s32 s19, $0x0;
	s0 =	rddreg [dreg:$0x3]  }
0x23c: {  	s0 =	sadd.s32 @!p0 $0x100000, s0  }
0x23d: {  	[sflag:s0] =	ssyncadd.tile.s32 @!p0 $0x1;
	_ =	shalt  }
.LBB2_1:
.Ltmp3:
0x23e: {  	(pc) =	sbr.rel .LBB2_6-.Ltmp3, $4  }
0x23f: {  	_ = 	snop  }
0x240: {  	s25 =	simm.s32 $0x1600;
	s30 =	simm.s32 $0x1580;
	s29 =	simm.s32 $0x1500  }
0x241: {  	s28 =	simm.s32 $0x1480;
	s26 =	simm.s32 $0x1400;
	s23 =	simm.s32 $0x1800  }
0x242: {  	s22 =	simm.s32 $0x1780;
	s21 =	simm.s32 $0x1700;
	s20 =	simm.s32 $0x1680  }
.LBB2_3:
.Ltmp4:
0x243: {  	(pc) =	sbr.rel .LBB2_6-.Ltmp4, $4  }
0x244: {  	s25 =	simm.s32 $0x1600  }
0x245: {  	s30 =	simm.s32 $0x1580;
	s29 =	simm.s32 $0x1500;
	s28 =	simm.s32 $0x1480  }
0x246: {  	s26 =	simm.s32 $0x1400;
	s23 =	simm.s32 $0x1800;
	s22 =	simm.s32 $0x1780  }
0x247: {  	s21 =	simm.s32 $0x1700;
	s20 =	simm.s32 $0x1680;
	s19 =	stileid.u32  }
.Lfunc_end2:
_tile_overlayer_lowered:
.L_overlay_start_2:
0x248: {  	(tag) =	ssettag $0x2  }
0x249: {  	s0 =	rddreg [dreg:$0x0];
	s2 =	stileid.u32  }
0x24a: {  	s1 =	rddreg [dreg:$0x1];
	p0 =	sne.s32 s2, $0x0  }
0x24b: {  	s3 =	rddreg [dreg:$0x2];
	[bflag:$0x3] =	sbarrier.arrive $0xFFFF;
	s2 =	simm.s32 @!p0 $0x1C05  }
0x24c: {  	[timem:s3], [sflag:s2] =	dma.local @!p0 [hbm:s0], s1  }
0x24d: {  	s0 =	simm.s32 @!p0 $0x5  }
0x24e: {  	_ =	swait.ge @!p0 [sflag:s0], s1  }
0x24f: {  	s1 =	ssub.s32 @!p0 $0x0, s1;
	[sflag:s0] =	ssyncset.done @!p0 $0x0  }
0x250: {  	[sflag:s0] =	ssyncadd.s32 @!p0 s1  }
0x251: {  	[bflag:$0x3] =	sbarrier.arrive $0xFFFF  }
0x252: {  	_ =	shalt  }

// kernel: sparse-core-data-format-call.1.cloned.1.call-start
scs
called_computation.1_lowered:
.L_overlay_start_0:
0x0: {  	s2 =	sld [smem:$0x3FD9]  }
0x1: {  	s3 =	sld [smem:$0x3FFE];
	_ =	sdelay $0x1  }
0x2: {  	s1 =	srdreg.scid  }
0x3: {  	s0 =	sand.u32 $0x1, s1  }
0x4: {  	s16 =	sshll.u32 s0, $0xA;
	s2 =	sadd.s32 s3, s2  }
0x5: {  	s2 =	sadd.s32 s2, s16  }
0x6: {  	[smem:$0x3FC4] =	sst s2  }
0x7: {  	_ = 	snop  }
0x8: {  	s2 =	sld [smem:$0x3FD0];
	_ =	sdelay $0x2  }
0x9: {  	s17 =	simm.s32 $0xC;
	s4 =	simm.s32 $0x10  }
0xa: {  	[smem:s4], [sflag:s17] =	dma.local [hbm:s2], $0x1  }
0xb: {  	_ =	swait.eq [sflag:s17], $0x1  }
0xc: {  	[sflag:s17] =	ssyncset.done $0x0  }
0xd: {  	[sflag:s17] =	ssyncadd.s32 $0xFFFFFFFF  }
0xe: {  	s18 =	sld [smem:$0x10];
	(tm) =	ssettm $0x1  }
0xf: {  	s19 =	sld [smem:$0x3FFB];
	_ =	sdelay $0x3  }
0x10: {  	_ =	strace s19  }
0x11: {  	s2 =	sld [smem:$0x3FFC];
	_ =	sdelay $0x3  }
0x12: {  	_ =	strace s2  }
0x13: {  	s2 =	sld [smem:$0x3FFD];
	_ =	sdelay $0x3  }
0x14: {  	_ =	strace s2  }
0x15: {  	_ =	strace $0x8FFFFFFF  }
0x16: {  	s20 =	sld [smem:$0x3FDB];
	_ =	sdelay $0x1  }
0x17: {  	s21 =	simm.s32 $_scs_section_size  }
0x18: {  	s5 =	simm.s32 $_size__tile_overlayer_lowered;
	s6 =	simm.s32 $_tile_overlayer_lowered  }
0x19: {  	s7 =	simm.s32 $0x1BFF;
	s22 =	sshll.u32 s6, $0x1;
	s4 =	sadd.s32 s21, s20  }
0x1a: {  	s23 =	simm.s32 $0x0;
	s5 =	sshll.u32 s5, $0x1;
	s6 =	sadd.s32 s22, s4  }
0x1b: {  	[timem:s23], [sflag:s7] =	dma.local [hbm:s6], s5  }
0x1c: {  	_ =	swait.ge [sflag:s7], s5  }
0x1d: {  	s5 =	ssub.s32 $0x0, s5;
	[sflag:s7] =	ssyncset.done $0x0  }
0x1e: {  	[sflag:s7] =	ssyncadd.s32 s5;
	_ =	sdelay $0x1  }
0x1f: {  	s24 =	simm.s32 $0x1B8B  }
0x20: {  	_ =	swait.ge [sflag:s24], $0x1  }
0x21: {  	[sflag:s24] =	ssyncset.done $0x0  }
0x22: {  	[sflag:s24] =	ssyncadd.s32 $0xFFFFFFFF  }
0x23: {  	s5 =	sld [smem:$0x0]  }
0x24: {  	s6 =	sand.u32 $0xFFFFFFFE, s1  }
0x25: {  	p0 =	sne.s32 s1, s6  }
0x26: {  	s6 =	sshll.u32 @p0 s6, $0xE  }
0x27: {  	s6 =	sadd.s32 @p0 $0x11B8D, s6;
	s7 =	sshll.u32 @p0 s5, $0x11  }
0x28: {  	s6 =	sor.u32 @p0 s7, s6  }
0x29: {  	[sflag:s6] =	ssyncadd.remote.s32 @p0 $0x1;
	_ =	sdelay $0x1  }
0x2a: {  	s6 =	simm.s32 @p0 $0x1B8D  }
0x2b: {  	_ =	swait.eq @p0 [sflag:s6], $0x1  }
0x2c: {  	[sflag:s6] =	ssyncadd.s32 @p0 $0xFFFFFFFF  }
0x2d: {  	s7 =	sshll.u32 @!p0 s1, $0xE  }
0x2e: {  	s7 =	sor.u32 @!p0 $0x4000, s7;
	s6 =	simm.s32 @!p0 $0x1B8D  }
0x2f: {  	s5 =	sshll.u32 @!p0 s5, $0x11;
	s7 =	sadd.s32 @!p0 $0x11B8D, s7;
	_ =	swait.eq @!p0 [sflag:s6], $0x1  }
0x30: {  	s5 =	sor.u32 @!p0 s5, s7;
	[sflag:s6] =	ssyncadd.s32 @!p0 $0xFFFFFFFF  }
0x31: {  	s26 =	simm.s32 $0x1B8E;
	s25 =	sld [smem:$0x3FFE];
	[sflag:s5] =	ssyncadd.remote.s32 @!p0 $0x1  }
0x32: {  	s27 =	simm.s32 $execute0_lowered;
	[smem:$0x3FD2] =	sst s26  }
0x33: {  	s6 =	sshll.u32 s27, $0x1;
	_ =	strace $0x80000052;
	[dreg:$0x1] =	wrdreg $0xFFFFFFFF  }
0x34: {  	s28 =	simm.s32 $_size_execute0_lowered;
	s4 =	sadd.s32 s4, s6;
	[dreg:$0x0] =	wrdreg $0x0  }
0x35: {  	s6 =	sshll.u32 s28, $0x1;
	[dreg:$0x2] =	wrdreg s4  }
0x36: {  	[dreg:$0x3] =	wrdreg s6  }
0x37: {  	[dreg:$0x4] =	wrdreg $0xC0  }
0x38: {  	_ =	task [dreg:s23], $0x5FFFF  }
0x39: {  	[dreg:$0x1] =	wrdreg $0xFFFFFFFF  }
0x3a: {  	[dreg:$0x0] =	wrdreg $0x60  }
0x3b: {  	[dreg:$0x2] =	wrdreg s25  }
0x3c: {  	[dreg:$0x3] =	wrdreg s18  }
0x3d: {  	[dreg:$0x4] =	wrdreg $0xB  }
0x3e: {  	_ =	task.clear_ibuf [dreg:s23], $0x5FFFF;
	_ =	strace $0x90000052  }
0x3f: {  	s29 =	simm.s32 $0xB;
	_ =	strace $0x80000054  }
0x40: {  	_ =	swait.ge [sflag:s29], $0x1  }
0x41: {  	[sflag:s29] =	ssyncadd.s32 $0xFFFFFFFF  }
0x42: {  	_ =	strace $0x90000054  }
0x43: {  	_ =	sfence  }
0x44: {  	s30 =	sld [smem:$0x0];
	_ =	sdelay $0x2  }
0x45: {  	s31 =	sshll.u32 s1, $0xD;
	s1 =	sshrl.u32 s1, $0x2  }
0x46: {  	s4 =	sand.u32 $0x4000, s31;
	s1 =	sadd.s32 s1, s30  }
0x47: {  	s0 =	sor.u32 s4, s0;
	s1 =	sshll.u32 s1, $0x11  }
0x48: {  	s0 =	sor.u32 s1, s0  }
0x49: {  	s0 =	sadd.s32 $0x8F2B, s0  }
0x4a: {  	[sflag:s0] =	ssyncadd.remote.s32 $0x1  }
0x4b: {  	_ =	sfence.sel $0xFFFF  }
0x4c: {  	[dreg:$0x0] =	wrdreg $0xFFFFFFFF;
	(pc) =	sbr.abs _section_cstart, $3  }
0x4d: {  	[dreg:$0x1] =	wrdreg $0xFFFFFFFF  }
0x4e: {  	_ =	task.clear_ibuf [dreg:s23], $0x2FFFF;
	_ =	strace $0x9FFFFFFF  }
0x4f: {  	(tm) =	ssettm $0x7FFFFFFF  }
tec
execute0_lowered:
.L_overlay_start_1:
0x0: {  	(tag) =	ssettag $0x1  }
0x1: {  	s0 =	srdreg.scid  }
0x2: {  	s1 =	sshll.u32 s0, $0x4  }
0x3: {  	s4 =	rddreg [dreg:$0x0];
	s0 =	stileid.u32;
	s1 =	sand.u32 $0x10, s1  }
0x4: {  	s2 =	rddreg [dreg:$0x1];
	s7 =	simm.s32 $0x1;
	s1 =	sor.u32 s0, s1  }
0x5: {  	s8 =	simm.s32 $0x2;
	s11 =	simm.s32 $0x0;
	s3 =	sshll.u32 s1, $0x7  }
0x6: {  	s10 =	simm.s32 $0x0;
	s4 =	sadd.s32 $0x3E4A00, s4;
	s6 =	ssub.s32 $0x32000, s3  }
.Ltmp0:
0x7: {  	s1 =	rddreg [dreg:$0x2];
	s5 =	sand.u32 $0xF80, s6;
	(pc) =	sbr.rel .LBB1_1-.Ltmp0, $4  }
0x8: {  	_ =	strace $0x80000053;
	s9 =	smov.u32 s3;
	p0 =	sne.s32 s5, $0x0  }
0x9: {  	s6 =	sshrl.u32 s6, $0xC;
	s5 =	simm.s32 $0x1;
	s7 =	simm.s32 @!p0 $0x0  }
0xa: {  	[sflag:s5] =	ssyncpa.u1 $0x0;
	p0 =	por $0x0, $0x0;
	s6 =	sadd.s32 s7, s6  }
0xb: {  	[sflag:s8] =	ssyncpa.u1 $0x0;
	s8 =	simm.s32 $0x190000;
	s7 =	sadd.s32 $0x1, s6  }
.LBB1_4:
0xc: {  	s14 =	sshll.u32 s11, $0x3  }
0xd: {  	s30 =	sand.u32 $0x7F, s11;
	s15 =	sand.u32 $0xFFFFFC00, s14  }
0xe: {  	s11 =	sor.u32 s30, s15  }
0xf: {  	s15 =	smulhi.u32 $0x51EB851F, s11  }
0x10: {  	s14 =	smulhi.u32 $0x51EB851F, s14  }
0x11: {  	s15 =	sshrl.u32 s15, $0x10  }
0x12: {  	s14 =	sshrl.u32 s14, $0x10;
	s15 =	smul.u32 $0x32000, s15  }
0x13: {  	s14 =	sand.u32 $0x3F, s14  }
0x14: {  	s14 =	smul.u32 $0x6400, s14;
	s11 =	ssub.s32 s11, s15  }
0x15: {  	[tilespmem:s13+$0x810 ss:$0x81] =	vst.msk $0xffff, v2;
	s15 =	sand.u32 $0x7, s11  }
0x16: {  	[tilespmem:s13+$0x1020 ss:$0x81] =	vst.msk $0xffff, v0;
	s14 =	sadd.s32 s2, s14;
	s11 =	sshrl.u32 s11, $0x3;
	s15 =	sshll.u32 s15, $0x12  }
0x17: {  	[tilespmem:s13+$0x0 ss:$0x81] =	vst.msk $0xffff, v1;
	s11 =	sadd.s32 s11, s14;
	s31 =	sor.u32 $0x400, s15  }
0x18: {  	[hbm4b:s11+s31] =	stream.strided.scatter [tilespmem:s12], [sflag:$0x2], $0x2000, s8, s31, $0x20;
	[tilespmem:$0x8080] =	vst v63  }
.LBB1_5:
0x19: {  	s13 =	sadd.s32 $0x1000, s9  }
0x1a: {  	p2 =	sgt.s32 s13, $0x31FFF  }
0x1b: {  	s13 =	smov.u32 @p2 s3;
	p2 =	sne.s32 s10, s7  }
.Ltmp1:
0x1c: {  	p1 =	slt.u32 s10, $0x2;
	(pc) =	sbr.rel @!p2 .LBB1_6-.Ltmp1, $4  }
0x1d: {  	s12 =	simm.s32 @!p1 $0x2  }
0x1e: {  	s14 =	sadd.s32 $0x1, s10;
	_ =	swait.ge @!p1 [sflag:s12], $0x2000  }
0x1f: {  	s11 =	smov.u32 s9;
	p0 =	por !p0, !p0;
	[sflag:s12] =	ssyncset.done @!p1 $0x0  }
0x20: {  	s10 =	smov.u32 s14;
	s9 =	smov.u32 s13;
	[sflag:s12] =	ssyncadd.s32 @!p1 $0xFFFFE000  }
.LBB1_1:
0x21: {  	p1 =	sge.u32 s10, s6  }
0x22: {  	s12 =	sand.u32 @!p1 $0x1FFFFFF, s9  }
0x23: {  	s13 =	smulhi.u32 @!p1 $0x147AE15, s12;
	_ =	sdelay $0x1  }
0x24: {  	s13 =	sshrl.u32 @!p1 s13, $0xA  }
0x25: {  	s13 =	smul.u32 @!p1 $0x32000, s13;
	_ =	sdelay $0x1  }
0x26: {  	s31 =	sadd.s32 $0xFFFFFFFF, s10;
	s14 =	sxor.u32 @!p1 $0xFFFFFFFF, s10;
	s12 =	ssub.s32 @!p1 s12, s13  }
0x27: {  	s15 =	simm.s32 @!p1 $0x80;
	s14 =	sshll.u32 @!p1 s14, $0xD;
	s12 =	sshll.u32 @!p1 s12, $0x4  }
0x28: {  	s13 =	sand.u32 @!p1 $0x2000, s14;
	s14 =	simm.s32 @!p1 $0x40;
	s12 =	sadd.s32 @!p1 s4, s12  }
0x29: {  	[tilespmem:s13], [sflag:$0x1] =	stream.strided.gather @!p1 [hbm4b:s12+s14], $0x2000, s15, s14, $0x38;
	[tilespmem:$0x8080] =	vst v63  }
0x2a: {  	p1 =	sge.u32 s31, s6  }
.Ltmp2:
0x2b: {  	_ = 	snop;
	(pc) =	sbr.rel @p1 .LBB1_5-.Ltmp2, $1  }
0x2c: {  	_ =	sdelay $0x3  }
0x2d: {  	s12 =	simm.s32 $0x1  }
0x2e: {  	_ =	swait.ge [sflag:s5], $0x2000;
	s12 =	simm.s32 @!p0 $0x0  }
0x2f: {  	[sflag:s5] =	ssyncset.done $0x0;
	s13 =	sshll.u32 s12, $0xD  }
0x30: {  	[sflag:s5] =	ssyncadd.s32 $0xFFFFE000;
	s16 =	sor.u32 $0x20, s13  }
0x31: {  	s12 =	smul.u32 $0x8100, s12;
	v3 =	vld [tilespmem:s16+$0x10]  }
0x32: {  	s30 =	sand.u32 $0x1, s10;
	v2 =	vld [tilespmem:s16+$0xFFFFFFF0]  }
0x33: {  	s13 =	smul.u32 $0x8100, s30;
	s12 =	sshrl.u32 s12, $0x2;
	v0 =	vld [tilespmem:s16+$0x0]  }
0x34: {  	v1 =	vld [tilespmem:s16+$0xFFFFFFE0];
	s14 =	sor.u32 $0x4000, s12  }
0x35: {  	s31 =	sshrl.u32 s13, $0x2;
	s13 =	sadd.s32 $0x0, s14  }
0x36: {  	s15 =	simm.s32 $0x4;
	s16 =	sadd.s32 $0x40, s16;
	s12 =	sor.u32 $0x4000, s31;
	[tilespmem:s13+$0x1830 ss:$0x81] =	vst.msk $0xffff, v3  }
.LBB1_3:
0x37: {  	v3 =	vld [tilespmem:s16+$0x10];
	p1 =	sne.s32 s15, $0x1FC;
	[tilespmem:s13+$0x810 ss:$0x81] =	vst.msk $0xffff, v2;
	s17 =	smov.u32 s15;
	s15 =	sadd.s32 $0x4, s15  }
.Ltmp3:
0x38: {  	v2 =	vld [tilespmem:s16+$0xFFFFFFF0];
	[tilespmem:s13+$0x1020 ss:$0x81] =	vst.msk $0xffff, v0;
	(pc) =	sbr.rel @p1 .LBB1_3-.Ltmp3, $4  }
0x39: {  	v0 =	vld [tilespmem:s16+$0x0];
	[tilespmem:s13+$0x0 ss:$0x81] =	vst.msk $0xffff, v1  }
0x3a: {  	s13 =	sshra.s32 s17, $0x2;
	v1 =	vld [tilespmem:s16+$0xFFFFFFE0]  }
0x3b: {  	s13 =	sadd.s32 s13, s14  }
0x3c: {  	s16 =	sadd.s32 $0x40, s16;
	[tilespmem:s13+$0x1830 ss:$0x81] =	vst.msk $0xffff, v3  }
.Ltmp4:
0x3d: {  	_ = 	snop;
	(pc) =	sbr.rel .LBB1_4-.Ltmp4, $1  }
0x3e: {  	_ =	sdelay $0x3  }
.LBB1_6:
0x3f: {  	_ =	sfence.sel $0x180000  }
0x40: {  	s2 =	simm.s32 $0x1;
	[bflag:$0x0] =	sbarrier.arrive $0xFFFF  }
0x41: {  	s31 =	simm.s32 $0x2;
	[sflag:s2] =	ssyncpa.u1 $0x1  }
0x42: {  	[sflag:s31] =	ssyncpa.u1 $0x1  }
0x43: {  	p0 =	sne.s32 s0, $0x0;
	_ =	strace $0x90000053  }
0x44: {  	s0 =	sadd.s32 @!p0 $0x100000, s1;
	[bflag:$0x2] =	sbarrier.arrive $0xFFFF  }
0x45: {  	[sflag:s0] =	ssyncadd.tile.s32 @!p0 $0x1;
	_ =	shalt  }
.Lfunc_end1:
_tile_overlayer_lowered:
.L_overlay_start_2:
0x46: {  	(tag) =	ssettag $0x2  }
0x47: {  	s0 =	rddreg [dreg:$0x0];
	s2 =	stileid.u32  }
0x48: {  	s1 =	rddreg [dreg:$0x1];
	p0 =	sne.s32 s2, $0x0  }
0x49: {  	s3 =	rddreg [dreg:$0x2];
	[bflag:$0x3] =	sbarrier.arrive $0xFFFF;
	s2 =	simm.s32 @!p0 $0x1C01  }
0x4a: {  	[timem:s3], [sflag:s2] =	dma.local @!p0 [hbm:s0], s1  }
0x4b: {  	s0 =	simm.s32 @!p0 $0x1  }
0x4c: {  	_ =	swait.ge @!p0 [sflag:s0], s1  }
0x4d: {  	s1 =	ssub.s32 @!p0 $0x0, s1;
	[sflag:s0] =	ssyncset.done @!p0 $0x0  }
0x4e: {  	[sflag:s0] =	ssyncadd.s32 @!p0 s1  }
0x4f: {  	[bflag:$0x3] =	sbarrier.arrive $0xFFFF  }
0x50: {  	_ =	shalt  }

// kernel: sparse-core-data-format-call.cloned.1.call-start
scs
called_computation_lowered:
.L_overlay_start_0:
0x0: {  	s2 =	sld [smem:$0x3FD9]  }
0x1: {  	s3 =	sld [smem:$0x3FFE];
	_ =	sdelay $0x1  }
0x2: {  	s1 =	srdreg.scid  }
0x3: {  	s0 =	sand.u32 $0x1, s1  }
0x4: {  	s16 =	sshll.u32 s0, $0xA;
	s2 =	sadd.s32 s3, s2  }
0x5: {  	s2 =	sadd.s32 s2, s16  }
0x6: {  	[smem:$0x3FC4] =	sst s2  }
0x7: {  	_ = 	snop  }
0x8: {  	s2 =	sld [smem:$0x3FD0];
	_ =	sdelay $0x2  }
0x9: {  	s17 =	simm.s32 $0xC;
	s4 =	simm.s32 $0x10  }
0xa: {  	[smem:s4], [sflag:s17] =	dma.local [hbm:s2], $0x1  }
0xb: {  	_ =	swait.eq [sflag:s17], $0x1  }
0xc: {  	[sflag:s17] =	ssyncset.done $0x0  }
0xd: {  	[sflag:s17] =	ssyncadd.s32 $0xFFFFFFFF  }
0xe: {  	s18 =	sld [smem:$0x11];
	(tm) =	ssettm $0x1  }
0xf: {  	s19 =	sld [smem:$0x3FFB];
	_ =	sdelay $0x3  }
0x10: {  	_ =	strace s19  }
0x11: {  	s2 =	sld [smem:$0x3FFC];
	_ =	sdelay $0x3  }
0x12: {  	_ =	strace s2  }
0x13: {  	s2 =	sld [smem:$0x3FFD];
	_ =	sdelay $0x3  }
0x14: {  	_ =	strace s2  }
0x15: {  	_ =	strace $0x8FFFFFFF  }
0x16: {  	s20 =	sld [smem:$0x3FDB];
	_ =	sdelay $0x1  }
0x17: {  	s21 =	simm.s32 $_scs_section_size  }
0x18: {  	s5 =	simm.s32 $_size__tile_overlayer_lowered;
	s6 =	simm.s32 $_tile_overlayer_lowered  }
0x19: {  	s7 =	simm.s32 $0x1BFF;
	s22 =	sshll.u32 s6, $0x1;
	s4 =	sadd.s32 s21, s20  }
0x1a: {  	s23 =	simm.s32 $0x0;
	s5 =	sshll.u32 s5, $0x1;
	s6 =	sadd.s32 s22, s4  }
0x1b: {  	[timem:s23], [sflag:s7] =	dma.local [hbm:s6], s5  }
0x1c: {  	_ =	swait.ge [sflag:s7], s5  }
0x1d: {  	s5 =	ssub.s32 $0x0, s5;
	[sflag:s7] =	ssyncset.done $0x0  }
0x1e: {  	[sflag:s7] =	ssyncadd.s32 s5;
	_ =	sdelay $0x1  }
0x1f: {  	s24 =	simm.s32 $0x1B8B  }
0x20: {  	_ =	swait.ge [sflag:s24], $0x1  }
0x21: {  	[sflag:s24] =	ssyncset.done $0x0  }
0x22: {  	[sflag:s24] =	ssyncadd.s32 $0xFFFFFFFF  }
0x23: {  	s5 =	sld [smem:$0x0]  }
0x24: {  	s6 =	sand.u32 $0xFFFFFFFE, s1  }
0x25: {  	p0 =	sne.s32 s1, s6  }
0x26: {  	s6 =	sshll.u32 @p0 s6, $0xE  }
0x27: {  	s6 =	sadd.s32 @p0 $0x11B8D, s6;
	s7 =	sshll.u32 @p0 s5, $0x11  }
0x28: {  	s6 =	sor.u32 @p0 s7, s6  }
0x29: {  	[sflag:s6] =	ssyncadd.remote.s32 @p0 $0x1;
	_ =	sdelay $0x1  }
0x2a: {  	s6 =	simm.s32 @p0 $0x1B8D  }
0x2b: {  	_ =	swait.eq @p0 [sflag:s6], $0x1  }
0x2c: {  	[sflag:s6] =	ssyncadd.s32 @p0 $0xFFFFFFFF  }
0x2d: {  	s7 =	sshll.u32 @!p0 s1, $0xE  }
0x2e: {  	s7 =	sor.u32 @!p0 $0x4000, s7;
	s6 =	simm.s32 @!p0 $0x1B8D  }
0x2f: {  	s5 =	sshll.u32 @!p0 s5, $0x11;
	s7 =	sadd.s32 @!p0 $0x11B8D, s7;
	_ =	swait.eq @!p0 [sflag:s6], $0x1  }
0x30: {  	s5 =	sor.u32 @!p0 s5, s7;
	[sflag:s6] =	ssyncadd.s32 @!p0 $0xFFFFFFFF  }
0x31: {  	s26 =	simm.s32 $0x1B8E;
	s25 =	sld [smem:$0x3FFE];
	[sflag:s5] =	ssyncadd.remote.s32 @!p0 $0x1  }
0x32: {  	s27 =	simm.s32 $execute0_lowered;
	[smem:$0x3FD2] =	sst s26  }
0x33: {  	s6 =	sshll.u32 s27, $0x1;
	_ =	strace $0x8000004F;
	[dreg:$0x1] =	wrdreg $0xFFFFFFFF  }
0x34: {  	s28 =	simm.s32 $_size_execute0_lowered;
	s4 =	sadd.s32 s4, s6;
	[dreg:$0x0] =	wrdreg $0x0  }
0x35: {  	s6 =	sshll.u32 s28, $0x1;
	[dreg:$0x2] =	wrdreg s4  }
0x36: {  	[dreg:$0x3] =	wrdreg s6  }
0x37: {  	[dreg:$0x4] =	wrdreg $0xC0  }
0x38: {  	_ =	task [dreg:s23], $0x5FFFF  }
0x39: {  	[dreg:$0x1] =	wrdreg $0xFFFFFFFF  }
0x3a: {  	[dreg:$0x0] =	wrdreg $0x60  }
0x3b: {  	[dreg:$0x2] =	wrdreg s25  }
0x3c: {  	[dreg:$0x3] =	wrdreg s18  }
0x3d: {  	[dreg:$0x4] =	wrdreg $0xA  }
0x3e: {  	_ =	task.clear_ibuf [dreg:s23], $0x5FFFF;
	_ =	strace $0x9000004F  }
0x3f: {  	s29 =	simm.s32 $0xA;
	_ =	strace $0x80000051  }
0x40: {  	_ =	swait.ge [sflag:s29], $0x1  }
0x41: {  	[sflag:s29] =	ssyncadd.s32 $0xFFFFFFFF  }
0x42: {  	_ =	strace $0x90000051  }
0x43: {  	_ =	sfence  }
0x44: {  	s30 =	sld [smem:$0x0];
	_ =	sdelay $0x2  }
0x45: {  	s31 =	sshll.u32 s1, $0xD;
	s1 =	sshrl.u32 s1, $0x2  }
0x46: {  	s4 =	sand.u32 $0x4000, s31;
	s1 =	sadd.s32 s1, s30  }
0x47: {  	s0 =	sor.u32 s4, s0;
	s1 =	sshll.u32 s1, $0x11  }
0x48: {  	s0 =	sor.u32 s1, s0  }
0x49: {  	s0 =	sadd.s32 $0x8F2B, s0  }
0x4a: {  	[sflag:s0] =	ssyncadd.remote.s32 $0x1  }
0x4b: {  	_ =	sfence.sel $0xFFFF  }
0x4c: {  	[dreg:$0x0] =	wrdreg $0xFFFFFFFF;
	(pc) =	sbr.abs _section_cstart, $3  }
0x4d: {  	[dreg:$0x1] =	wrdreg $0xFFFFFFFF  }
0x4e: {  	_ =	task.clear_ibuf [dreg:s23], $0x2FFFF;
	_ =	strace $0x9FFFFFFF  }
0x4f: {  	(tm) =	ssettm $0x7FFFFFFF  }
tec
execute0_lowered:
.L_overlay_start_1:
0x0: {  	(tag) =	ssettag $0x1  }
0x1: {  	s0 =	srdreg.scid  }
0x2: {  	s1 =	sshll.u32 s0, $0x4  }
0x3: {  	s4 =	rddreg [dreg:$0x0];
	s0 =	stileid.u32;
	s1 =	sand.u32 $0x10, s1  }
0x4: {  	s2 =	rddreg [dreg:$0x1];
	s7 =	simm.s32 $0x1;
	s1 =	sor.u32 s0, s1  }
0x5: {  	s8 =	simm.s32 $0x2;
	s11 =	simm.s32 $0x0;
	s3 =	sshll.u32 s1, $0x7  }
0x6: {  	s10 =	simm.s32 $0x0;
	s4 =	sadd.s32 $0xC4A00, s4;
	s6 =	ssub.s32 $0x32000, s3  }
.Ltmp0:
0x7: {  	s1 =	rddreg [dreg:$0x2];
	s5 =	sand.u32 $0xF80, s6;
	(pc) =	sbr.rel .LBB1_1-.Ltmp0, $4  }
0x8: {  	_ =	strace $0x80000050;
	s9 =	smov.u32 s3;
	p0 =	sne.s32 s5, $0x0  }
0x9: {  	s6 =	sshrl.u32 s6, $0xC;
	s5 =	simm.s32 $0x1;
	s7 =	simm.s32 @!p0 $0x0  }
0xa: {  	[sflag:s5] =	ssyncpa.u1 $0x0;
	p0 =	por $0x0, $0x0;
	s6 =	sadd.s32 s7, s6  }
0xb: {  	[sflag:s8] =	ssyncpa.u1 $0x0;
	s8 =	simm.s32 $0x190000;
	s7 =	sadd.s32 $0x1, s6  }
.LBB1_4:
0xc: {  	s14 =	sshll.u32 s11, $0x3  }
0xd: {  	s30 =	sand.u32 $0x7F, s11;
	s15 =	sand.u32 $0xFFFFFC00, s14  }
0xe: {  	s11 =	sor.u32 s30, s15  }
0xf: {  	s15 =	smulhi.u32 $0x51EB851F, s11  }
0x10: {  	s14 =	smulhi.u32 $0x51EB851F, s14  }
0x11: {  	s15 =	sshrl.u32 s15, $0x10  }
0x12: {  	s14 =	sshrl.u32 s14, $0x10;
	s15 =	smul.u32 $0x32000, s15  }
0x13: {  	s14 =	sand.u32 $0x3F, s14  }
0x14: {  	s14 =	smul.u32 $0x6400, s14;
	s11 =	ssub.s32 s11, s15  }
0x15: {  	[tilespmem:s13+$0x810 ss:$0x81] =	vst.msk $0xffff, v2;
	s15 =	sand.u32 $0x7, s11  }
0x16: {  	[tilespmem:s13+$0x1020 ss:$0x81] =	vst.msk $0xffff, v0;
	s14 =	sadd.s32 s2, s14;
	s11 =	sshrl.u32 s11, $0x3;
	s15 =	sshll.u32 s15, $0x12  }
0x17: {  	[tilespmem:s13+$0x0 ss:$0x81] =	vst.msk $0xffff, v1;
	s11 =	sadd.s32 s11, s14;
	s31 =	sor.u32 $0x400, s15  }
0x18: {  	[hbm4b:s11+s31] =	stream.strided.scatter [tilespmem:s12], [sflag:$0x2], $0x2000, s8, s31, $0x20;
	[tilespmem:$0x8080] =	vst v63  }
.LBB1_5:
0x19: {  	s13 =	sadd.s32 $0x1000, s9  }
0x1a: {  	p2 =	sgt.s32 s13, $0x31FFF  }
0x1b: {  	s13 =	smov.u32 @p2 s3;
	p2 =	sne.s32 s10, s7  }
.Ltmp1:
0x1c: {  	p1 =	slt.u32 s10, $0x2;
	(pc) =	sbr.rel @!p2 .LBB1_6-.Ltmp1, $4  }
0x1d: {  	s12 =	simm.s32 @!p1 $0x2  }
0x1e: {  	s14 =	sadd.s32 $0x1, s10;
	_ =	swait.ge @!p1 [sflag:s12], $0x2000  }
0x1f: {  	s11 =	smov.u32 s9;
	p0 =	por !p0, !p0;
	[sflag:s12] =	ssyncset.done @!p1 $0x0  }
0x20: {  	s10 =	smov.u32 s14;
	s9 =	smov.u32 s13;
	[sflag:s12] =	ssyncadd.s32 @!p1 $0xFFFFE000  }
.LBB1_1:
0x21: {  	p1 =	sge.u32 s10, s6  }
0x22: {  	s12 =	sand.u32 @!p1 $0x1FFFFFF, s9  }
0x23: {  	s13 =	smulhi.u32 @!p1 $0x147AE15, s12;
	_ =	sdelay $0x1  }
0x24: {  	s13 =	sshrl.u32 @!p1 s13, $0xA  }
0x25: {  	s13 =	smul.u32 @!p1 $0x32000, s13;
	_ =	sdelay $0x1  }
0x26: {  	s31 =	sadd.s32 $0xFFFFFFFF, s10;
	s14 =	sxor.u32 @!p1 $0xFFFFFFFF, s10;
	s12 =	ssub.s32 @!p1 s12, s13  }
0x27: {  	s15 =	simm.s32 @!p1 $0x80;
	s14 =	sshll.u32 @!p1 s14, $0xD;
	s12 =	sshll.u32 @!p1 s12, $0x4  }
0x28: {  	s13 =	sand.u32 @!p1 $0x2000, s14;
	s14 =	simm.s32 @!p1 $0x40;
	s12 =	sadd.s32 @!p1 s4, s12  }
0x29: {  	[tilespmem:s13], [sflag:$0x1] =	stream.strided.gather @!p1 [hbm4b:s12+s14], $0x2000, s15, s14, $0x38;
	[tilespmem:$0x8080] =	vst v63  }
0x2a: {  	p1 =	sge.u32 s31, s6  }
.Ltmp2:
0x2b: {  	_ = 	snop;
	(pc) =	sbr.rel @p1 .LBB1_5-.Ltmp2, $1  }
0x2c: {  	_ =	sdelay $0x3  }
0x2d: {  	s12 =	simm.s32 $0x1  }
0x2e: {  	_ =	swait.ge [sflag:s5], $0x2000;
	s12 =	simm.s32 @!p0 $0x0  }
0x2f: {  	[sflag:s5] =	ssyncset.done $0x0;
	s13 =	sshll.u32 s12, $0xD  }
0x30: {  	[sflag:s5] =	ssyncadd.s32 $0xFFFFE000;
	s16 =	sor.u32 $0x20, s13  }
0x31: {  	s12 =	smul.u32 $0x8100, s12;
	v3 =	vld [tilespmem:s16+$0x10]  }
0x32: {  	s30 =	sand.u32 $0x1, s10;
	v2 =	vld [tilespmem:s16+$0xFFFFFFF0]  }
0x33: {  	s13 =	smul.u32 $0x8100, s30;
	s12 =	sshrl.u32 s12, $0x2;
	v0 =	vld [tilespmem:s16+$0x0]  }
0x34: {  	v1 =	vld [tilespmem:s16+$0xFFFFFFE0];
	s14 =	sor.u32 $0x4000, s12  }
0x35: {  	s31 =	sshrl.u32 s13, $0x2;
	s13 =	sadd.s32 $0x0, s14  }
0x36: {  	s15 =	simm.s32 $0x4;
	s16 =	sadd.s32 $0x40, s16;
	s12 =	sor.u32 $0x4000, s31;
	[tilespmem:s13+$0x1830 ss:$0x81] =	vst.msk $0xffff, v3  }
.LBB1_3:
0x37: {  	v3 =	vld [tilespmem:s16+$0x10];
	p1 =	sne.s32 s15, $0x1FC;
	[tilespmem:s13+$0x810 ss:$0x81] =	vst.msk $0xffff, v2;
	s17 =	smov.u32 s15;
	s15 =	sadd.s32 $0x4, s15  }
.Ltmp3:
0x38: {  	v2 =	vld [tilespmem:s16+$0xFFFFFFF0];
	[tilespmem:s13+$0x1020 ss:$0x81] =	vst.msk $0xffff, v0;
	(pc) =	sbr.rel @p1 .LBB1_3-.Ltmp3, $4  }
0x39: {  	v0 =	vld [tilespmem:s16+$0x0];
	[tilespmem:s13+$0x0 ss:$0x81] =	vst.msk $0xffff, v1  }
0x3a: {  	s13 =	sshra.s32 s17, $0x2;
	v1 =	vld [tilespmem:s16+$0xFFFFFFE0]  }
0x3b: {  	s13 =	sadd.s32 s13, s14  }
0x3c: {  	s16 =	sadd.s32 $0x40, s16;
	[tilespmem:s13+$0x1830 ss:$0x81] =	vst.msk $0xffff, v3  }
.Ltmp4:
0x3d: {  	_ = 	snop;
	(pc) =	sbr.rel .LBB1_4-.Ltmp4, $1  }
0x3e: {  	_ =	sdelay $0x3  }
.LBB1_6:
0x3f: {  	_ =	sfence.sel $0x180000  }
0x40: {  	s2 =	simm.s32 $0x1;
	[bflag:$0x0] =	sbarrier.arrive $0xFFFF  }
0x41: {  	s31 =	simm.s32 $0x2;
	[sflag:s2] =	ssyncpa.u1 $0x1  }
0x42: {  	[sflag:s31] =	ssyncpa.u1 $0x1  }
0x43: {  	p0 =	sne.s32 s0, $0x0;
	_ =	strace $0x90000050  }
0x44: {  	s0 =	sadd.s32 @!p0 $0x100000, s1;
	[bflag:$0x2] =	sbarrier.arrive $0xFFFF  }
0x45: {  	[sflag:s0] =	ssyncadd.tile.s32 @!p0 $0x1;
	_ =	shalt  }
.Lfunc_end1:
_tile_overlayer_lowered:
.L_overlay_start_2:
0x46: {  	(tag) =	ssettag $0x2  }
0x47: {  	s0 =	rddreg [dreg:$0x0];
	s2 =	stileid.u32  }
0x48: {  	s1 =	rddreg [dreg:$0x1];
	p0 =	sne.s32 s2, $0x0  }
0x49: {  	s3 =	rddreg [dreg:$0x2];
	[bflag:$0x3] =	sbarrier.arrive $0xFFFF;
	s2 =	simm.s32 @!p0 $0x1C01  }
0x4a: {  	[timem:s3], [sflag:s2] =	dma.local @!p0 [hbm:s0], s1  }
0x4b: {  	s0 =	simm.s32 @!p0 $0x1  }
0x4c: {  	_ =	swait.ge @!p0 [sflag:s0], s1  }
0x4d: {  	s1 =	ssub.s32 @!p0 $0x0, s1;
	[sflag:s0] =	ssyncset.done @!p0 $0x0  }
0x4e: {  	[sflag:s0] =	ssyncadd.s32 @!p0 s1  }
0x4f: {  	[bflag:$0x3] =	sbarrier.arrive $0xFFFF  }
0x50: {  	_ =	shalt  }

</sc_bundles>
